<compile_context>
chip_gen: v7x
topology: tpu7x:2x2x1
jax: 0.10.2.dev20260603
libtpu: 0.0.44.dev20260713+nightly
codegen_flags: <defaults>
</compile_context>

<pallas_src>
import functools

import jax
import jax.numpy as jnp
from jax import lax
from jax.experimental import pallas as pl
from jax.experimental.pallas import tpu as pltpu
from jax.experimental.pallas import tpu_sc as plsc

SEQ = 2048
HIDDEN = 64
NUM_CORES = 2
NUM_SUBCORES = 16
NUM_WORKERS = NUM_CORES * NUM_SUBCORES
HG = 8
LGROUPS = NUM_WORKERS // (HIDDEN // HG)


@functools.partial(jax.jit, static_argnums=(2, 3))
def _sc_gather(idx_t, table_t, batch, lookup):
  n_units = lookup // LGROUPS
  assert lookup % LGROUPS == 0 and n_units % 2 == 0 and batch % 16 == 0
  groups = batch // 16
  mesh = plsc.VectorSubcoreMesh(core_axis_name="c", subcore_axis_name="s")

  @functools.partial(
      pl.kernel,
      out_type=jax.ShapeDtypeStruct((lookup, HIDDEN, batch), jnp.float32),
      mesh=mesh,
      scratch_types=[
          pltpu.VMEM((HG, SEQ), jnp.float32),
          pltpu.VMEM((2, batch), jnp.int32),
          pltpu.VMEM((2, HG, batch), jnp.float32),
          [pltpu.SemaphoreType.DMA] * 2,
          [pltpu.SemaphoreType.DMA] * 2,
      ],
      compiler_params=pltpu.CompilerParams(needs_layout_passes=False),
  )
  def k(idx_hbm, table_hbm, out_hbm, table_v, idx_v, blk_v, isem, osem):
    wid = lax.axis_index("s") * NUM_CORES + lax.axis_index("c")
    hg = lax.rem(wid, HIDDEN // HG)
    lphase = wid // (HIDDEN // HG)
    pltpu.sync_copy(table_hbm.at[pl.ds(hg * HG, HG)], table_v)

    def lpos(k_):
      return lphase + k_ * LGROUPS

    def idx_start(k_, s):
      pltpu.async_copy(idx_hbm.at[lpos(k_)], idx_v.at[s], isem[s])

    def idx_wait(k_, s):
      pltpu.make_async_copy(idx_hbm.at[lpos(k_)], idx_v.at[s], isem[s]).wait()

    def store_start(k_, s):
      pltpu.async_copy(
          blk_v.at[s], out_hbm.at[lpos(k_), pl.ds(hg * HG, HG)], osem[s]
      )

    def store_wait(k_, s):
      pltpu.make_async_copy(
          blk_v.at[s], out_hbm.at[lpos(k_), pl.ds(hg * HG, HG)], osem[s]
      ).wait()

    h_vecs = [jnp.full((16,), h, jnp.int32) for h in range(HG)]

    def assemble(s):
      @plsc.parallel_loop(0, groups, unroll=8)
      def _(g):
        seq = idx_v[s, pl.ds(g * 16, 16)]
        for h in range(HG):
          blk_v[s, h, pl.ds(g * 16, 16)] = plsc.load_gather(
              table_v, [h_vecs[h], seq]
          )

    idx_start(0, 0)
    idx_start(1, 1)
    idx_wait(0, 0)
    assemble(0)
    store_start(0, 0)
    idx_start(2, 0)
    idx_wait(1, 1)
    assemble(1)
    store_start(1, 1)

    def group_body(p, _):
      k0 = p * 2
      idx_start(k0 + 1, 1)
      idx_wait(k0, 0)
      store_wait(k0 - 2, 0)
      assemble(0)
      store_start(k0, 0)
      idx_start(k0 + 2, 0)
      idx_wait(k0 + 1, 1)
      store_wait(k0 - 1, 1)
      assemble(1)
      store_start(k0 + 1, 1)
      return 0

    lax.fori_loop(1, n_units // 2 - 1, group_body, 0)

    k0 = n_units - 2
    idx_start(k0 + 1, 1)
    idx_wait(k0, 0)
    store_wait(k0 - 2, 0)
    assemble(0)
    store_start(k0, 0)
    idx_wait(k0 + 1, 1)
    store_wait(k0 - 1, 1)
    assemble(1)
    store_start(k0 + 1, 1)
    store_wait(k0, 0)
    store_wait(k0 + 1, 1)

  return k(idx_t, table_t)


def kernel(time_idx, positions):
  batch, lookup = time_idx.shape
  idx_t = time_idx.T
  table_t = positions.T
  out_t = _sc_gather(idx_t, table_t, batch, lookup)
  return jnp.transpose(out_t, (2, 0, 1))

# --- scband reference (transcript-rebuilt; emitter-appended) ---
"""Pipeline reference for scband-trigonometric-positional-embedding-51883204935830 (READ-ONLY COPY).

The authoritative reference and input builder live on the scoring server;
editing this copy changes nothing except your own understanding.
"""

import jax, jax.numpy as jnp
import numpy as np

SEQ_LEN = 2048
HIDDEN = 64
BATCH = 4096
LOOKUP_LEN = 200


def _build_positions():
    pos = np.zeros((SEQ_LEN, HIDDEN), dtype=np.float32)
    X = np.arange(SEQ_LEN, dtype=np.float32).reshape(-1, 1) / np.power(
        10000.0, np.arange(0, HIDDEN, 2, dtype=np.float32) / HIDDEN
    )
    pos[:, 0::2] = np.sin(X)
    pos[:, 1::2] = np.cos(X)
    return jnp.asarray(pos)


def setup_inputs(seed: int = 0) -> dict:
    key = jax.random.key(seed)
    time_idx = jax.random.randint(key, (BATCH, LOOKUP_LEN), 0, SEQ_LEN, dtype=jnp.int32)
    positions = _build_positions()
    return {"time_idx": time_idx, "positions": positions}


def reference(time_idx, positions):
    # positions[time_idx] -> [batch, lookup_len, hidden]
    return jnp.take(positions, time_idx, axis=0)

if __name__ == "__main__":
    import jax
    _d = setup_inputs()
    print(jax.jit(kernel)(*tuple(_d.values())))

</pallas_src>

<mosaic_0001>
#map = affine_map<(d0, d1) -> (0, 0)>
#map1 = affine_map<(d0, d1) -> (0, 0, 0)>
module attributes {stable_mosaic.version = 14 : i64} {
  func.func @k(%arg0: i32, %arg1: i32, %arg2: memref<200x4096xi32, #tpu.memory_space<hbm>>, %arg3: memref<64x2048xf32, #tpu.memory_space<hbm>>, %arg4: memref<200x64x4096xf32, #tpu.memory_space<hbm>>, %arg5: memref<8x2048xf32, #tpu.memory_space<vmem>>, %arg6: memref<2x4096xi32, #tpu.memory_space<vmem>>, %arg7: memref<2x8x4096xf32, #tpu.memory_space<vmem>>, %arg8: memref<!tpu.dma_semaphore, #tpu.memory_space<semaphore_mem>>, %arg9: memref<!tpu.dma_semaphore, #tpu.memory_space<semaphore_mem>>, %arg10: memref<!tpu.dma_semaphore, #tpu.memory_space<semaphore_mem>>, %arg11: memref<!tpu.dma_semaphore, #tpu.memory_space<semaphore_mem>>) attributes {dimension_semantics = [#tpu.dimension_semantics<core_parallel>, #tpu.dimension_semantics<subcore_parallel>], iteration_bounds = array<i64: 2, 16>, scalar_prefetch = 0 : i64, scratch_operands = 7 : i64, tpu.core_type = #tpu.core_type<sc_vector_subcore>, window_params = [{transform_indices = #map}, {transform_indices = #map}, {transform_indices = #map1}]} {
    %mul3A = arith.constant 2 : i32
    %mul3A_0 = arith.muli %arg1, %mul3A : i32
    %add3A = arith.addi %mul3A_0, %arg0 : i32
    %rem3A = arith.constant 8 : i32
    %rem3A_1 = arith.remsi %add3A, %rem3A : i32
    %jit3A = arith.constant 8 : i32
    %div3A = arith.divsi %add3A, %jit3A : i32
    %sign3A = arith.constant 0 : i32
    %sign3A_2 = arith.cmpi sgt, %add3A, %sign3A : i32
    %sign3A_3 = arith.extui %sign3A_2 : i1 to i32
    %sign3A_4 = arith.constant 0 : i32
    %sign3A_5 = arith.cmpi slt, %add3A, %sign3A_4 : i32
    %sign3A_6 = arith.extui %sign3A_5 : i1 to i32
    %sign3A_7 = arith.subi %sign3A_3, %sign3A_6 : i32
    %sign3A_8 = arith.constant 0 : i32
    %sign3A_9 = arith.cmpi sgt, %jit3A, %sign3A_8 : i32
    %sign3A_10 = arith.extui %sign3A_9 : i1 to i32
    %sign3A_11 = arith.constant 0 : i32
    %sign3A_12 = arith.cmpi slt, %jit3A, %sign3A_11 : i32
    %sign3A_13 = arith.extui %sign3A_12 : i1 to i32
    %sign3A_14 = arith.subi %sign3A_10, %sign3A_13 : i32
    %ne3A = arith.cmpi ne, %sign3A_7, %sign3A_14 : i32
    %rem3A_15 = arith.remsi %add3A, %jit3A : i32
    %ne3A_16 = arith.constant 0 : i32
    %ne3A_17 = arith.cmpi ne, %rem3A_15, %ne3A_16 : i32
    %and3A = arith.andi %ne3A, %ne3A_17 : i1
    %sub3A = arith.constant 1 : i32
    %sub3A_18 = arith.subi %div3A, %sub3A : i32
    %select_n3A = arith.select %and3A, %sub3A_18, %div3A : i32
    %mul3A_19 = arith.constant 8 : i32
    %mul3A_20 = arith.muli %rem3A_1, %mul3A_19 : i32
    "tpu.region"() ({
      %run_scoped3A = tpu.sem_alloc : memref<!tpu.dma_semaphore, #tpu.memory_space<semaphore_mem>>
      %dma_start3A_323 = arith.constant 0 : i32
      %dma_start3A_324 = tpu.memref_slice %arg3[%mul3A_20, %dma_start3A_323] : memref<64x2048xf32, #tpu.memory_space<hbm>> -> memref<8x2048xf32, #tpu.memory_space<hbm>>
      %dma_start3A_325 = arith.constant 0 : i32
      %dma_start3A_326 = tpu.memref_slice %arg3[%mul3A_20, %dma_start3A_325] : memref<64x2048xf32, #tpu.memory_space<hbm>> -> memref<8x2048xf32, #tpu.memory_space<hbm>>
      tpu.enqueue_dma source(%dma_start3A_326 : memref<8x2048xf32, #tpu.memory_space<hbm>>) target(%arg5 : memref<8x2048xf32, #tpu.memory_space<vmem>>) target_semaphore(%run_scoped3A : memref<!tpu.dma_semaphore, #tpu.memory_space<semaphore_mem>>)
      %dma_wait3A_327 = arith.constant 0 : i32
      %dma_wait3A_328 = tpu.memref_slice %arg3[%mul3A_20, %dma_wait3A_327] : memref<64x2048xf32, #tpu.memory_space<hbm>> -> memref<8x2048xf32, #tpu.memory_space<hbm>>
      %dma_wait3A_329 = arith.constant 0 : i32
      %dma_wait3A_330 = tpu.memref_slice %arg3[%mul3A_20, %dma_wait3A_329] : memref<64x2048xf32, #tpu.memory_space<hbm>> -> memref<8x2048xf32, #tpu.memory_space<hbm>>
      tpu.wait_dma2 semaphore(%run_scoped3A : memref<!tpu.dma_semaphore, #tpu.memory_space<semaphore_mem>>) src(%dma_wait3A_330 : memref<8x2048xf32, #tpu.memory_space<hbm>>) dst(%arg5 : memref<8x2048xf32, #tpu.memory_space<vmem>>)
      tpu.yield
    }) : () -> ()
    %broadcast_in_dim3A = arith.constant 0 : i32
    %broadcast_in_dim3A_21 = vector.broadcast %broadcast_in_dim3A : i32 to vector<16xi32>
    %broadcast_in_dim3A_22 = arith.constant 1 : i32
    %broadcast_in_dim3A_23 = vector.broadcast %broadcast_in_dim3A_22 : i32 to vector<16xi32>
    %broadcast_in_dim3A_24 = arith.constant 2 : i32
    %broadcast_in_dim3A_25 = vector.broadcast %broadcast_in_dim3A_24 : i32 to vector<16xi32>
    %broadcast_in_dim3A_26 = arith.constant 3 : i32
    %broadcast_in_dim3A_27 = vector.broadcast %broadcast_in_dim3A_26 : i32 to vector<16xi32>
    %broadcast_in_dim3A_28 = arith.constant 4 : i32
    %broadcast_in_dim3A_29 = vector.broadcast %broadcast_in_dim3A_28 : i32 to vector<16xi32>
    %broadcast_in_dim3A_30 = arith.constant 5 : i32
    %broadcast_in_dim3A_31 = vector.broadcast %broadcast_in_dim3A_30 : i32 to vector<16xi32>
    %broadcast_in_dim3A_32 = arith.constant 6 : i32
    %broadcast_in_dim3A_33 = vector.broadcast %broadcast_in_dim3A_32 : i32 to vector<16xi32>
    %broadcast_in_dim3A_34 = arith.constant 7 : i32
    %broadcast_in_dim3A_35 = vector.broadcast %broadcast_in_dim3A_34 : i32 to vector<16xi32>
    %add3A_36 = arith.constant 0 : i32
    %add3A_37 = arith.addi %select_n3A, %add3A_36 : i32
    %dma_start3A = arith.constant 0 : i32
    %dma_start3A_38 = arith.constant 0 : i32
    %dma_start3A_39 = tpu.memref_slice %arg6[%dma_start3A, %dma_start3A_38] : memref<2x4096xi32, #tpu.memory_space<vmem>> -> memref<1x4096xi32, #tpu.memory_space<vmem>>
    %dma_start3A_40 = tpu.memref_squeeze %dma_start3A_39 : memref<1x4096xi32, #tpu.memory_space<vmem>> -> memref<4096xi32, #tpu.memory_space<vmem>>
    %dma_start3A_41 = arith.constant 0 : i32
    %dma_start3A_42 = tpu.memref_slice %arg2[%add3A_37, %dma_start3A_41] : memref<200x4096xi32, #tpu.memory_space<hbm>> -> memref<1x4096xi32, #tpu.memory_space<hbm>>
    %dma_start3A_43 = tpu.memref_squeeze %dma_start3A_42 : memref<1x4096xi32, #tpu.memory_space<hbm>> -> memref<4096xi32, #tpu.memory_space<hbm>>
    %dma_start3A_44 = arith.constant 0 : i32
    %dma_start3A_45 = tpu.memref_slice %arg6[%dma_start3A, %dma_start3A_44] : memref<2x4096xi32, #tpu.memory_space<vmem>> -> memref<1x4096xi32, #tpu.memory_space<vmem>>
    %dma_start3A_46 = tpu.memref_squeeze %dma_start3A_45 : memref<1x4096xi32, #tpu.memory_space<vmem>> -> memref<4096xi32, #tpu.memory_space<vmem>>
    %dma_start3A_47 = arith.constant 0 : i32
    %dma_start3A_48 = tpu.memref_slice %arg2[%add3A_37, %dma_start3A_47] : memref<200x4096xi32, #tpu.memory_space<hbm>> -> memref<1x4096xi32, #tpu.memory_space<hbm>>
    %dma_start3A_49 = tpu.memref_squeeze %dma_start3A_48 : memref<1x4096xi32, #tpu.memory_space<hbm>> -> memref<4096xi32, #tpu.memory_space<hbm>>
    tpu.enqueue_dma source(%dma_start3A_49 : memref<4096xi32, #tpu.memory_space<hbm>>) target(%dma_start3A_46 : memref<4096xi32, #tpu.memory_space<vmem>>) target_semaphore(%arg8 : memref<!tpu.dma_semaphore, #tpu.memory_space<semaphore_mem>>)
    %add3A_50 = arith.constant 4 : i32
    %add3A_51 = arith.addi %select_n3A, %add3A_50 : i32
    %dma_start3A_52 = arith.constant 1 : i32
    %dma_start3A_53 = arith.constant 0 : i32
    %dma_start3A_54 = tpu.memref_slice %arg6[%dma_start3A_52, %dma_start3A_53] : memref<2x4096xi32, #tpu.memory_space<vmem>> -> memref<1x4096xi32, #tpu.memory_space<vmem>>
    %dma_start3A_55 = tpu.memref_squeeze %dma_start3A_54 : memref<1x4096xi32, #tpu.memory_space<vmem>> -> memref<4096xi32, #tpu.memory_space<vmem>>
    %dma_start3A_56 = arith.constant 0 : i32
    %dma_start3A_57 = tpu.memref_slice %arg2[%add3A_51, %dma_start3A_56] : memref<200x4096xi32, #tpu.memory_space<hbm>> -> memref<1x4096xi32, #tpu.memory_space<hbm>>
    %dma_start3A_58 = tpu.memref_squeeze %dma_start3A_57 : memref<1x4096xi32, #tpu.memory_space<hbm>> -> memref<4096xi32, #tpu.memory_space<hbm>>
    %dma_start3A_59 = arith.constant 0 : i32
    %dma_start3A_60 = tpu.memref_slice %arg6[%dma_start3A_52, %dma_start3A_59] : memref<2x4096xi32, #tpu.memory_space<vmem>> -> memref<1x4096xi32, #tpu.memory_space<vmem>>
    %dma_start3A_61 = tpu.memref_squeeze %dma_start3A_60 : memref<1x4096xi32, #tpu.memory_space<vmem>> -> memref<4096xi32, #tpu.memory_space<vmem>>
    %dma_start3A_62 = arith.constant 0 : i32
    %dma_start3A_63 = tpu.memref_slice %arg2[%add3A_51, %dma_start3A_62] : memref<200x4096xi32, #tpu.memory_space<hbm>> -> memref<1x4096xi32, #tpu.memory_space<hbm>>
    %dma_start3A_64 = tpu.memref_squeeze %dma_start3A_63 : memref<1x4096xi32, #tpu.memory_space<hbm>> -> memref<4096xi32, #tpu.memory_space<hbm>>
    tpu.enqueue_dma source(%dma_start3A_64 : memref<4096xi32, #tpu.memory_space<hbm>>) target(%dma_start3A_61 : memref<4096xi32, #tpu.memory_space<vmem>>) target_semaphore(%arg9 : memref<!tpu.dma_semaphore, #tpu.memory_space<semaphore_mem>>)
    %add3A_65 = arith.constant 0 : i32
    %add3A_66 = arith.addi %select_n3A, %add3A_65 : i32
    %dma_wait3A = arith.constant 0 : i32
    %dma_wait3A_67 = arith.constant 0 : i32
    %dma_wait3A_68 = tpu.memref_slice %arg6[%dma_wait3A, %dma_wait3A_67] : memref<2x4096xi32, #tpu.memory_space<vmem>> -> memref<1x4096xi32, #tpu.memory_space<vmem>>
    %dma_wait3A_69 = tpu.memref_squeeze %dma_wait3A_68 : memref<1x4096xi32, #tpu.memory_space<vmem>> -> memref<4096xi32, #tpu.memory_space<vmem>>
    %dma_wait3A_70 = arith.constant 0 : i32
    %dma_wait3A_71 = tpu.memref_slice %arg2[%add3A_66, %dma_wait3A_70] : memref<200x4096xi32, #tpu.memory_space<hbm>> -> memref<1x4096xi32, #tpu.memory_space<hbm>>
    %dma_wait3A_72 = tpu.memref_squeeze %dma_wait3A_71 : memref<1x4096xi32, #tpu.memory_space<hbm>> -> memref<4096xi32, #tpu.memory_space<hbm>>
    %dma_wait3A_73 = arith.constant 0 : i32
    %dma_wait3A_74 = tpu.memref_slice %arg6[%dma_wait3A, %dma_wait3A_73] : memref<2x4096xi32, #tpu.memory_space<vmem>> -> memref<1x4096xi32, #tpu.memory_space<vmem>>
    %dma_wait3A_75 = tpu.memref_squeeze %dma_wait3A_74 : memref<1x4096xi32, #tpu.memory_space<vmem>> -> memref<4096xi32, #tpu.memory_space<vmem>>
    %dma_wait3A_76 = arith.constant 0 : i32
    %dma_wait3A_77 = tpu.memref_slice %arg2[%add3A_66, %dma_wait3A_76] : memref<200x4096xi32, #tpu.memory_space<hbm>> -> memref<1x4096xi32, #tpu.memory_space<hbm>>
    %dma_wait3A_78 = tpu.memref_squeeze %dma_wait3A_77 : memref<1x4096xi32, #tpu.memory_space<hbm>> -> memref<4096xi32, #tpu.memory_space<hbm>>
    tpu.wait_dma2 semaphore(%arg8 : memref<!tpu.dma_semaphore, #tpu.memory_space<semaphore_mem>>) src(%dma_wait3A_78 : memref<4096xi32, #tpu.memory_space<hbm>>) dst(%dma_wait3A_75 : memref<4096xi32, #tpu.memory_space<vmem>>)
    %parallel_loop3A = arith.constant 0 : i32
    %parallel_loop3A_79 = arith.constant 256 : i32
    %parallel_loop3A_80 = arith.constant 1 : i32
    scf.for %parallel_loop3A_323 = %parallel_loop3A to %parallel_loop3A_79 step %parallel_loop3A_80  : i32 {
      %parallel_loop3A_324 = arith.constant 16 : i32
      %parallel_loop3A_325 = arith.muli %parallel_loop3A_323, %parallel_loop3A_324 : i32
      %parallel_loop3A_326 = arith.constant 0 : i32
      %parallel_loop3A_327 = arith.index_cast %parallel_loop3A_326 : i32 to index
      %parallel_loop3A_328 = arith.index_cast %parallel_loop3A_325 : i32 to index
      %parallel_loop3A_329 = tpu.vector_load %arg6[%parallel_loop3A_327, %parallel_loop3A_328] {strides = array<i32>} : memref<2x4096xi32, #tpu.memory_space<vmem>>, vector<16xi32>,
      %parallel_loop3A_330 = tpu.vector_load_idx %arg5[%broadcast_in_dim3A_21, %parallel_loop3A_329] : memref<8x2048xf32, #tpu.memory_space<vmem>>[vector<16xi32>, vector<16xi32>], vector<16xf32>,
      %parallel_loop3A_331 = arith.constant 16 : i32
      %parallel_loop3A_332 = arith.muli %parallel_loop3A_323, %parallel_loop3A_331 : i32
      %parallel_loop3A_333 = arith.constant 0 : i32
      %parallel_loop3A_334 = arith.constant 0 : i32
      %parallel_loop3A_335 = arith.index_cast %parallel_loop3A_333 : i32 to index
      %parallel_loop3A_336 = arith.index_cast %parallel_loop3A_334 : i32 to index
      %parallel_loop3A_337 = arith.index_cast %parallel_loop3A_332 : i32 to index
      %parallel_loop3A_338 = tpu.vector_load %arg7[%parallel_loop3A_335, %parallel_loop3A_336, %parallel_loop3A_337] {strides = array<i32>} : memref<2x8x4096xf32, #tpu.memory_space<vmem>>, vector<16xf32>,
      tpu.vector_store %arg7[%parallel_loop3A_335, %parallel_loop3A_336, %parallel_loop3A_337], %parallel_loop3A_330 {strides = array<i32>} : memref<2x8x4096xf32, #tpu.memory_space<vmem>>, vector<16xf32>,
      %parallel_loop3A_339 = tpu.vector_load_idx %arg5[%broadcast_in_dim3A_23, %parallel_loop3A_329] : memref<8x2048xf32, #tpu.memory_space<vmem>>[vector<16xi32>, vector<16xi32>], vector<16xf32>,
      %parallel_loop3A_340 = arith.constant 16 : i32
      %parallel_loop3A_341 = arith.muli %parallel_loop3A_323, %parallel_loop3A_340 : i32
      %parallel_loop3A_342 = arith.constant 0 : i32
      %parallel_loop3A_343 = arith.constant 1 : i32
      %parallel_loop3A_344 = arith.index_cast %parallel_loop3A_342 : i32 to index
      %parallel_loop3A_345 = arith.index_cast %parallel_loop3A_343 : i32 to index
      %parallel_loop3A_346 = arith.index_cast %parallel_loop3A_341 : i32 to index
      %parallel_loop3A_347 = tpu.vector_load %arg7[%parallel_loop3A_344, %parallel_loop3A_345, %parallel_loop3A_346] {strides = array<i32>} : memref<2x8x4096xf32, #tpu.memory_space<vmem>>, vector<16xf32>,
      tpu.vector_store %arg7[%parallel_loop3A_344, %parallel_loop3A_345, %parallel_loop3A_346], %parallel_loop3A_339 {strides = array<i32>} : memref<2x8x4096xf32, #tpu.memory_space<vmem>>, vector<16xf32>,
      %parallel_loop3A_348 = tpu.vector_load_idx %arg5[%broadcast_in_dim3A_25, %parallel_loop3A_329] : memref<8x2048xf32, #tpu.memory_space<vmem>>[vector<16xi32>, vector<16xi32>], vector<16xf32>,
      %parallel_loop3A_349 = arith.constant 16 : i32
      %parallel_loop3A_350 = arith.muli %parallel_loop3A_323, %parallel_loop3A_349 : i32
      %parallel_loop3A_351 = arith.constant 0 : i32
      %parallel_loop3A_352 = arith.constant 2 : i32
      %parallel_loop3A_353 = arith.index_cast %parallel_loop3A_351 : i32 to index
      %parallel_loop3A_354 = arith.index_cast %parallel_loop3A_352 : i32 to index
      %parallel_loop3A_355 = arith.index_cast %parallel_loop3A_350 : i32 to index
      %parallel_loop3A_356 = tpu.vector_load %arg7[%parallel_loop3A_353, %parallel_loop3A_354, %parallel_loop3A_355] {strides = array<i32>} : memref<2x8x4096xf32, #tpu.memory_space<vmem>>, vector<16xf32>,
      tpu.vector_store %arg7[%parallel_loop3A_353, %parallel_loop3A_354, %parallel_loop3A_355], %parallel_loop3A_348 {strides = array<i32>} : memref<2x8x4096xf32, #tpu.memory_space<vmem>>, vector<16xf32>,
      %parallel_loop3A_357 = tpu.vector_load_idx %arg5[%broadcast_in_dim3A_27, %parallel_loop3A_329] : memref<8x2048xf32, #tpu.memory_space<vmem>>[vector<16xi32>, vector<16xi32>], vector<16xf32>,
      %parallel_loop3A_358 = arith.constant 16 : i32
      %parallel_loop3A_359 = arith.muli %parallel_loop3A_323, %parallel_loop3A_358 : i32
      %parallel_loop3A_360 = arith.constant 0 : i32
      %parallel_loop3A_361 = arith.constant 3 : i32
      %parallel_loop3A_362 = arith.index_cast %parallel_loop3A_360 : i32 to index
      %parallel_loop3A_363 = arith.index_cast %parallel_loop3A_361 : i32 to index
      %parallel_loop3A_364 = arith.index_cast %parallel_loop3A_359 : i32 to index
      %parallel_loop3A_365 = tpu.vector_load %arg7[%parallel_loop3A_362, %parallel_loop3A_363, %parallel_loop3A_364] {strides = array<i32>} : memref<2x8x4096xf32, #tpu.memory_space<vmem>>, vector<16xf32>,
      tpu.vector_store %arg7[%parallel_loop3A_362, %parallel_loop3A_363, %parallel_loop3A_364], %parallel_loop3A_357 {strides = array<i32>} : memref<2x8x4096xf32, #tpu.memory_space<vmem>>, vector<16xf32>,
      %parallel_loop3A_366 = tpu.vector_load_idx %arg5[%broadcast_in_dim3A_29, %parallel_loop3A_329] : memref<8x2048xf32, #tpu.memory_space<vmem>>[vector<16xi32>, vector<16xi32>], vector<16xf32>,
      %parallel_loop3A_367 = arith.constant 16 : i32
      %parallel_loop3A_368 = arith.muli %parallel_loop3A_323, %parallel_loop3A_367 : i32
      %parallel_loop3A_369 = arith.constant 0 : i32
      %parallel_loop3A_370 = arith.constant 4 : i32
      %parallel_loop3A_371 = arith.index_cast %parallel_loop3A_369 : i32 to index
      %parallel_loop3A_372 = arith.index_cast %parallel_loop3A_370 : i32 to index
      %parallel_loop3A_373 = arith.index_cast %parallel_loop3A_368 : i32 to index
      %parallel_loop3A_374 = tpu.vector_load %arg7[%parallel_loop3A_371, %parallel_loop3A_372, %parallel_loop3A_373] {strides = array<i32>} : memref<2x8x4096xf32, #tpu.memory_space<vmem>>, vector<16xf32>,
      tpu.vector_store %arg7[%parallel_loop3A_371, %parallel_loop3A_372, %parallel_loop3A_373], %parallel_loop3A_366 {strides = array<i32>} : memref<2x8x4096xf32, #tpu.memory_space<vmem>>, vector<16xf32>,
      %parallel_loop3A_375 = tpu.vector_load_idx %arg5[%broadcast_in_dim3A_31, %parallel_loop3A_329] : memref<8x2048xf32, #tpu.memory_space<vmem>>[vector<16xi32>, vector<16xi32>], vector<16xf32>,
      %parallel_loop3A_376 = arith.constant 16 : i32
      %parallel_loop3A_377 = arith.muli %parallel_loop3A_323, %parallel_loop3A_376 : i32
      %parallel_loop3A_378 = arith.constant 0 : i32
      %parallel_loop3A_379 = arith.constant 5 : i32
      %parallel_loop3A_380 = arith.index_cast %parallel_loop3A_378 : i32 to index
      %parallel_loop3A_381 = arith.index_cast %parallel_loop3A_379 : i32 to index
      %parallel_loop3A_382 = arith.index_cast %parallel_loop3A_377 : i32 to index
      %parallel_loop3A_383 = tpu.vector_load %arg7[%parallel_loop3A_380, %parallel_loop3A_381, %parallel_loop3A_382] {strides = array<i32>} : memref<2x8x4096xf32, #tpu.memory_space<vmem>>, vector<16xf32>,
      tpu.vector_store %arg7[%parallel_loop3A_380, %parallel_loop3A_381, %parallel_loop3A_382], %parallel_loop3A_375 {strides = array<i32>} : memref<2x8x4096xf32, #tpu.memory_space<vmem>>, vector<16xf32>,
      %parallel_loop3A_384 = tpu.vector_load_idx %arg5[%broadcast_in_dim3A_33, %parallel_loop3A_329] : memref<8x2048xf32, #tpu.memory_space<vmem>>[vector<16xi32>, vector<16xi32>], vector<16xf32>,
      %parallel_loop3A_385 = arith.constant 16 : i32
      %parallel_loop3A_386 = arith.muli %parallel_loop3A_323, %parallel_loop3A_385 : i32
      %parallel_loop3A_387 = arith.constant 0 : i32
      %parallel_loop3A_388 = arith.constant 6 : i32
      %parallel_loop3A_389 = arith.index_cast %parallel_loop3A_387 : i32 to index
      %parallel_loop3A_390 = arith.index_cast %parallel_loop3A_388 : i32 to index
      %parallel_loop3A_391 = arith.index_cast %parallel_loop3A_386 : i32 to index
      %parallel_loop3A_392 = tpu.vector_load %arg7[%parallel_loop3A_389, %parallel_loop3A_390, %parallel_loop3A_391] {strides = array<i32>} : memref<2x8x4096xf32, #tpu.memory_space<vmem>>, vector<16xf32>,
      tpu.vector_store %arg7[%parallel_loop3A_389, %parallel_loop3A_390, %parallel_loop3A_391], %parallel_loop3A_384 {strides = array<i32>} : memref<2x8x4096xf32, #tpu.memory_space<vmem>>, vector<16xf32>,
      %parallel_loop3A_393 = tpu.vector_load_idx %arg5[%broadcast_in_dim3A_35, %parallel_loop3A_329] : memref<8x2048xf32, #tpu.memory_space<vmem>>[vector<16xi32>, vector<16xi32>], vector<16xf32>,
      %parallel_loop3A_394 = arith.constant 16 : i32
      %parallel_loop3A_395 = arith.muli %parallel_loop3A_323, %parallel_loop3A_394 : i32
      %parallel_loop3A_396 = arith.constant 0 : i32
      %parallel_loop3A_397 = arith.constant 7 : i32
      %parallel_loop3A_398 = arith.index_cast %parallel_loop3A_396 : i32 to index
      %parallel_loop3A_399 = arith.index_cast %parallel_loop3A_397 : i32 to index
      %parallel_loop3A_400 = arith.index_cast %parallel_loop3A_395 : i32 to index
      %parallel_loop3A_401 = tpu.vector_load %arg7[%parallel_loop3A_398, %parallel_loop3A_399, %parallel_loop3A_400] {strides = array<i32>} : memref<2x8x4096xf32, #tpu.memory_space<vmem>>, vector<16xf32>,
      tpu.vector_store %arg7[%parallel_loop3A_398, %parallel_loop3A_399, %parallel_loop3A_400], %parallel_loop3A_393 {strides = array<i32>} : memref<2x8x4096xf32, #tpu.memory_space<vmem>>, vector<16xf32>,
    } {sc.loop_unroll_factor = 8 : i64, sc.parallel_access}
    %add3A_81 = arith.constant 0 : i32
    %add3A_82 = arith.addi %select_n3A, %add3A_81 : i32
    %mul3A_83 = arith.constant 8 : i32
    %mul3A_84 = arith.muli %rem3A_1, %mul3A_83 : i32
    %dma_start3A_85 = arith.constant 0 : i32
    %dma_start3A_86 = arith.constant 0 : i32
    %dma_start3A_87 = arith.constant 0 : i32
    %dma_start3A_88 = tpu.memref_slice %arg7[%dma_start3A_85, %dma_start3A_86, %dma_start3A_87] : memref<2x8x4096xf32, #tpu.memory_space<vmem>> -> memref<1x8x4096xf32, #tpu.memory_space<vmem>>
    %dma_start3A_89 = tpu.memref_squeeze %dma_start3A_88 : memref<1x8x4096xf32, #tpu.memory_space<vmem>> -> memref<8x4096xf32, #tpu.memory_space<vmem>>
    %dma_start3A_90 = arith.constant 0 : i32
    %dma_start3A_91 = tpu.memref_slice %arg4[%add3A_82, %mul3A_84, %dma_start3A_90] : memref<200x64x4096xf32, #tpu.memory_space<hbm>> -> memref<1x8x4096xf32, #tpu.memory_space<hbm>>
    %dma_start3A_92 = tpu.memref_squeeze %dma_start3A_91 : memref<1x8x4096xf32, #tpu.memory_space<hbm>> -> memref<8x4096xf32, #tpu.memory_space<hbm>>
    %dma_start3A_93 = arith.constant 0 : i32
    %dma_start3A_94 = tpu.memref_slice %arg4[%add3A_82, %mul3A_84, %dma_start3A_93] : memref<200x64x4096xf32, #tpu.memory_space<hbm>> -> memref<1x8x4096xf32, #tpu.memory_space<hbm>>
    %dma_start3A_95 = tpu.memref_squeeze %dma_start3A_94 : memref<1x8x4096xf32, #tpu.memory_space<hbm>> -> memref<8x4096xf32, #tpu.memory_space<hbm>>
    %dma_start3A_96 = arith.constant 0 : i32
    %dma_start3A_97 = arith.constant 0 : i32
    %dma_start3A_98 = tpu.memref_slice %arg7[%dma_start3A_85, %dma_start3A_96, %dma_start3A_97] : memref<2x8x4096xf32, #tpu.memory_space<vmem>> -> memref<1x8x4096xf32, #tpu.memory_space<vmem>>
    %dma_start3A_99 = tpu.memref_squeeze %dma_start3A_98 : memref<1x8x4096xf32, #tpu.memory_space<vmem>> -> memref<8x4096xf32, #tpu.memory_space<vmem>>
    tpu.enqueue_dma source(%dma_start3A_99 : memref<8x4096xf32, #tpu.memory_space<vmem>>) target(%dma_start3A_95 : memref<8x4096xf32, #tpu.memory_space<hbm>>) target_semaphore(%arg10 : memref<!tpu.dma_semaphore, #tpu.memory_space<semaphore_mem>>)
    %add3A_100 = arith.constant 8 : i32
    %add3A_101 = arith.addi %select_n3A, %add3A_100 : i32
    %dma_start3A_102 = arith.constant 0 : i32
    %dma_start3A_103 = arith.constant 0 : i32
    %dma_start3A_104 = tpu.memref_slice %arg6[%dma_start3A_102, %dma_start3A_103] : memref<2x4096xi32, #tpu.memory_space<vmem>> -> memref<1x4096xi32, #tpu.memory_space<vmem>>
    %dma_start3A_105 = tpu.memref_squeeze %dma_start3A_104 : memref<1x4096xi32, #tpu.memory_space<vmem>> -> memref<4096xi32, #tpu.memory_space<vmem>>
    %dma_start3A_106 = arith.constant 0 : i32
    %dma_start3A_107 = tpu.memref_slice %arg2[%add3A_101, %dma_start3A_106] : memref<200x4096xi32, #tpu.memory_space<hbm>> -> memref<1x4096xi32, #tpu.memory_space<hbm>>
    %dma_start3A_108 = tpu.memref_squeeze %dma_start3A_107 : memref<1x4096xi32, #tpu.memory_space<hbm>> -> memref<4096xi32, #tpu.memory_space<hbm>>
    %dma_start3A_109 = arith.constant 0 : i32
    %dma_start3A_110 = tpu.memref_slice %arg6[%dma_start3A_102, %dma_start3A_109] : memref<2x4096xi32, #tpu.memory_space<vmem>> -> memref<1x4096xi32, #tpu.memory_space<vmem>>
    %dma_start3A_111 = tpu.memref_squeeze %dma_start3A_110 : memref<1x4096xi32, #tpu.memory_space<vmem>> -> memref<4096xi32, #tpu.memory_space<vmem>>
    %dma_start3A_112 = arith.constant 0 : i32
    %dma_start3A_113 = tpu.memref_slice %arg2[%add3A_101, %dma_start3A_112] : memref<200x4096xi32, #tpu.memory_space<hbm>> -> memref<1x4096xi32, #tpu.memory_space<hbm>>
    %dma_start3A_114 = tpu.memref_squeeze %dma_start3A_113 : memref<1x4096xi32, #tpu.memory_space<hbm>> -> memref<4096xi32, #tpu.memory_space<hbm>>
    tpu.enqueue_dma source(%dma_start3A_114 : memref<4096xi32, #tpu.memory_space<hbm>>) target(%dma_start3A_111 : memref<4096xi32, #tpu.memory_space<vmem>>) target_semaphore(%arg8 : memref<!tpu.dma_semaphore, #tpu.memory_space<semaphore_mem>>)
    %add3A_115 = arith.constant 4 : i32
    %add3A_116 = arith.addi %select_n3A, %add3A_115 : i32
    %dma_wait3A_117 = arith.constant 1 : i32
    %dma_wait3A_118 = arith.constant 0 : i32
    %dma_wait3A_119 = tpu.memref_slice %arg6[%dma_wait3A_117, %dma_wait3A_118] : memref<2x4096xi32, #tpu.memory_space<vmem>> -> memref<1x4096xi32, #tpu.memory_space<vmem>>
    %dma_wait3A_120 = tpu.memref_squeeze %dma_wait3A_119 : memref<1x4096xi32, #tpu.memory_space<vmem>> -> memref<4096xi32, #tpu.memory_space<vmem>>
    %dma_wait3A_121 = arith.constant 0 : i32
    %dma_wait3A_122 = tpu.memref_slice %arg2[%add3A_116, %dma_wait3A_121] : memref<200x4096xi32, #tpu.memory_space<hbm>> -> memref<1x4096xi32, #tpu.memory_space<hbm>>
    %dma_wait3A_123 = tpu.memref_squeeze %dma_wait3A_122 : memref<1x4096xi32, #tpu.memory_space<hbm>> -> memref<4096xi32, #tpu.memory_space<hbm>>
    %dma_wait3A_124 = arith.constant 0 : i32
    %dma_wait3A_125 = tpu.memref_slice %arg6[%dma_wait3A_117, %dma_wait3A_124] : memref<2x4096xi32, #tpu.memory_space<vmem>> -> memref<1x4096xi32, #tpu.memory_space<vmem>>
    %dma_wait3A_126 = tpu.memref_squeeze %dma_wait3A_125 : memref<1x4096xi32, #tpu.memory_space<vmem>> -> memref<4096xi32, #tpu.memory_space<vmem>>
    %dma_wait3A_127 = arith.constant 0 : i32
    %dma_wait3A_128 = tpu.memref_slice %arg2[%add3A_116, %dma_wait3A_127] : memref<200x4096xi32, #tpu.memory_space<hbm>> -> memref<1x4096xi32, #tpu.memory_space<hbm>>
    %dma_wait3A_129 = tpu.memref_squeeze %dma_wait3A_128 : memref<1x4096xi32, #tpu.memory_space<hbm>> -> memref<4096xi32, #tpu.memory_space<hbm>>
    tpu.wait_dma2 semaphore(%arg9 : memref<!tpu.dma_semaphore, #tpu.memory_space<semaphore_mem>>) src(%dma_wait3A_129 : memref<4096xi32, #tpu.memory_space<hbm>>) dst(%dma_wait3A_126 : memref<4096xi32, #tpu.memory_space<vmem>>)
    %parallel_loop3A_130 = arith.constant 0 : i32
    %parallel_loop3A_131 = arith.constant 256 : i32
    %parallel_loop3A_132 = arith.constant 1 : i32
    scf.for %parallel_loop3A_323 = %parallel_loop3A_130 to %parallel_loop3A_131 step %parallel_loop3A_132  : i32 {
      %parallel_loop3A_324 = arith.constant 16 : i32
      %parallel_loop3A_325 = arith.muli %parallel_loop3A_323, %parallel_loop3A_324 : i32
      %parallel_loop3A_326 = arith.constant 1 : i32
      %parallel_loop3A_327 = arith.index_cast %parallel_loop3A_326 : i32 to index
      %parallel_loop3A_328 = arith.index_cast %parallel_loop3A_325 : i32 to index
      %parallel_loop3A_329 = tpu.vector_load %arg6[%parallel_loop3A_327, %parallel_loop3A_328] {strides = array<i32>} : memref<2x4096xi32, #tpu.memory_space<vmem>>, vector<16xi32>,
      %parallel_loop3A_330 = tpu.vector_load_idx %arg5[%broadcast_in_dim3A_21, %parallel_loop3A_329] : memref<8x2048xf32, #tpu.memory_space<vmem>>[vector<16xi32>, vector<16xi32>], vector<16xf32>,
      %parallel_loop3A_331 = arith.constant 16 : i32
      %parallel_loop3A_332 = arith.muli %parallel_loop3A_323, %parallel_loop3A_331 : i32
      %parallel_loop3A_333 = arith.constant 1 : i32
      %parallel_loop3A_334 = arith.constant 0 : i32
      %parallel_loop3A_335 = arith.index_cast %parallel_loop3A_333 : i32 to index
      %parallel_loop3A_336 = arith.index_cast %parallel_loop3A_334 : i32 to index
      %parallel_loop3A_337 = arith.index_cast %parallel_loop3A_332 : i32 to index
      %parallel_loop3A_338 = tpu.vector_load %arg7[%parallel_loop3A_335, %parallel_loop3A_336, %parallel_loop3A_337] {strides = array<i32>} : memref<2x8x4096xf32, #tpu.memory_space<vmem>>, vector<16xf32>,
      tpu.vector_store %arg7[%parallel_loop3A_335, %parallel_loop3A_336, %parallel_loop3A_337], %parallel_loop3A_330 {strides = array<i32>} : memref<2x8x4096xf32, #tpu.memory_space<vmem>>, vector<16xf32>,
      %parallel_loop3A_339 = tpu.vector_load_idx %arg5[%broadcast_in_dim3A_23, %parallel_loop3A_329] : memref<8x2048xf32, #tpu.memory_space<vmem>>[vector<16xi32>, vector<16xi32>], vector<16xf32>,
      %parallel_loop3A_340 = arith.constant 16 : i32
      %parallel_loop3A_341 = arith.muli %parallel_loop3A_323, %parallel_loop3A_340 : i32
      %parallel_loop3A_342 = arith.constant 1 : i32
      %parallel_loop3A_343 = arith.constant 1 : i32
      %parallel_loop3A_344 = arith.index_cast %parallel_loop3A_342 : i32 to index
      %parallel_loop3A_345 = arith.index_cast %parallel_loop3A_343 : i32 to index
      %parallel_loop3A_346 = arith.index_cast %parallel_loop3A_341 : i32 to index
      %parallel_loop3A_347 = tpu.vector_load %arg7[%parallel_loop3A_344, %parallel_loop3A_345, %parallel_loop3A_346] {strides = array<i32>} : memref<2x8x4096xf32, #tpu.memory_space<vmem>>, vector<16xf32>,
      tpu.vector_store %arg7[%parallel_loop3A_344, %parallel_loop3A_345, %parallel_loop3A_346], %parallel_loop3A_339 {strides = array<i32>} : memref<2x8x4096xf32, #tpu.memory_space<vmem>>, vector<16xf32>,
      %parallel_loop3A_348 = tpu.vector_load_idx %arg5[%broadcast_in_dim3A_25, %parallel_loop3A_329] : memref<8x2048xf32, #tpu.memory_space<vmem>>[vector<16xi32>, vector<16xi32>], vector<16xf32>,
      %parallel_loop3A_349 = arith.constant 16 : i32
      %parallel_loop3A_350 = arith.muli %parallel_loop3A_323, %parallel_loop3A_349 : i32
      %parallel_loop3A_351 = arith.constant 1 : i32
      %parallel_loop3A_352 = arith.constant 2 : i32
      %parallel_loop3A_353 = arith.index_cast %parallel_loop3A_351 : i32 to index
      %parallel_loop3A_354 = arith.index_cast %parallel_loop3A_352 : i32 to index
      %parallel_loop3A_355 = arith.index_cast %parallel_loop3A_350 : i32 to index
      %parallel_loop3A_356 = tpu.vector_load %arg7[%parallel_loop3A_353, %parallel_loop3A_354, %parallel_loop3A_355] {strides = array<i32>} : memref<2x8x4096xf32, #tpu.memory_space<vmem>>, vector<16xf32>,
      tpu.vector_store %arg7[%parallel_loop3A_353, %parallel_loop3A_354, %parallel_loop3A_355], %parallel_loop3A_348 {strides = array<i32>} : memref<2x8x4096xf32, #tpu.memory_space<vmem>>, vector<16xf32>,
      %parallel_loop3A_357 = tpu.vector_load_idx %arg5[%broadcast_in_dim3A_27, %parallel_loop3A_329] : memref<8x2048xf32, #tpu.memory_space<vmem>>[vector<16xi32>, vector<16xi32>], vector<16xf32>,
      %parallel_loop3A_358 = arith.constant 16 : i32
      %parallel_loop3A_359 = arith.muli %parallel_loop3A_323, %parallel_loop3A_358 : i32
      %parallel_loop3A_360 = arith.constant 1 : i32
      %parallel_loop3A_361 = arith.constant 3 : i32
      %parallel_loop3A_362 = arith.index_cast %parallel_loop3A_360 : i32 to index
      %parallel_loop3A_363 = arith.index_cast %parallel_loop3A_361 : i32 to index
      %parallel_loop3A_364 = arith.index_cast %parallel_loop3A_359 : i32 to index
      %parallel_loop3A_365 = tpu.vector_load %arg7[%parallel_loop3A_362, %parallel_loop3A_363, %parallel_loop3A_364] {strides = array<i32>} : memref<2x8x4096xf32, #tpu.memory_space<vmem>>, vector<16xf32>,
      tpu.vector_store %arg7[%parallel_loop3A_362, %parallel_loop3A_363, %parallel_loop3A_364], %parallel_loop3A_357 {strides = array<i32>} : memref<2x8x4096xf32, #tpu.memory_space<vmem>>, vector<16xf32>,
      %parallel_loop3A_366 = tpu.vector_load_idx %arg5[%broadcast_in_dim3A_29, %parallel_loop3A_329] : memref<8x2048xf32, #tpu.memory_space<vmem>>[vector<16xi32>, vector<16xi32>], vector<16xf32>,
      %parallel_loop3A_367 = arith.constant 16 : i32
      %parallel_loop3A_368 = arith.muli %parallel_loop3A_323, %parallel_loop3A_367 : i32
      %parallel_loop3A_369 = arith.constant 1 : i32
      %parallel_loop3A_370 = arith.constant 4 : i32
      %parallel_loop3A_371 = arith.index_cast %parallel_loop3A_369 : i32 to index
      %parallel_loop3A_372 = arith.index_cast %parallel_loop3A_370 : i32 to index
      %parallel_loop3A_373 = arith.index_cast %parallel_loop3A_368 : i32 to index
      %parallel_loop3A_374 = tpu.vector_load %arg7[%parallel_loop3A_371, %parallel_loop3A_372, %parallel_loop3A_373] {strides = array<i32>} : memref<2x8x4096xf32, #tpu.memory_space<vmem>>, vector<16xf32>,
      tpu.vector_store %arg7[%parallel_loop3A_371, %parallel_loop3A_372, %parallel_loop3A_373], %parallel_loop3A_366 {strides = array<i32>} : memref<2x8x4096xf32, #tpu.memory_space<vmem>>, vector<16xf32>,
      %parallel_loop3A_375 = tpu.vector_load_idx %arg5[%broadcast_in_dim3A_31, %parallel_loop3A_329] : memref<8x2048xf32, #tpu.memory_space<vmem>>[vector<16xi32>, vector<16xi32>], vector<16xf32>,
      %parallel_loop3A_376 = arith.constant 16 : i32
      %parallel_loop3A_377 = arith.muli %parallel_loop3A_323, %parallel_loop3A_376 : i32
      %parallel_loop3A_378 = arith.constant 1 : i32
      %parallel_loop3A_379 = arith.constant 5 : i32
      %parallel_loop3A_380 = arith.index_cast %parallel_loop3A_378 : i32 to index
      %parallel_loop3A_381 = arith.index_cast %parallel_loop3A_379 : i32 to index
      %parallel_loop3A_382 = arith.index_cast %parallel_loop3A_377 : i32 to index
      %parallel_loop3A_383 = tpu.vector_load %arg7[%parallel_loop3A_380, %parallel_loop3A_381, %parallel_loop3A_382] {strides = array<i32>} : memref<2x8x4096xf32, #tpu.memory_space<vmem>>, vector<16xf32>,
      tpu.vector_store %arg7[%parallel_loop3A_380, %parallel_loop3A_381, %parallel_loop3A_382], %parallel_loop3A_375 {strides = array<i32>} : memref<2x8x4096xf32, #tpu.memory_space<vmem>>, vector<16xf32>,
      %parallel_loop3A_384 = tpu.vector_load_idx %arg5[%broadcast_in_dim3A_33, %parallel_loop3A_329] : memref<8x2048xf32, #tpu.memory_space<vmem>>[vector<16xi32>, vector<16xi32>], vector<16xf32>,
      %parallel_loop3A_385 = arith.constant 16 : i32
      %parallel_loop3A_386 = arith.muli %parallel_loop3A_323, %parallel_loop3A_385 : i32
      %parallel_loop3A_387 = arith.constant 1 : i32
      %parallel_loop3A_388 = arith.constant 6 : i32
      %parallel_loop3A_389 = arith.index_cast %parallel_loop3A_387 : i32 to index
      %parallel_loop3A_390 = arith.index_cast %parallel_loop3A_388 : i32 to index
      %parallel_loop3A_391 = arith.index_cast %parallel_loop3A_386 : i32 to index
      %parallel_loop3A_392 = tpu.vector_load %arg7[%parallel_loop3A_389, %parallel_loop3A_390, %parallel_loop3A_391] {strides = array<i32>} : memref<2x8x4096xf32, #tpu.memory_space<vmem>>, vector<16xf32>,
      tpu.vector_store %arg7[%parallel_loop3A_389, %parallel_loop3A_390, %parallel_loop3A_391], %parallel_loop3A_384 {strides = array<i32>} : memref<2x8x4096xf32, #tpu.memory_space<vmem>>, vector<16xf32>,
      %parallel_loop3A_393 = tpu.vector_load_idx %arg5[%broadcast_in_dim3A_35, %parallel_loop3A_329] : memref<8x2048xf32, #tpu.memory_space<vmem>>[vector<16xi32>, vector<16xi32>], vector<16xf32>,
      %parallel_loop3A_394 = arith.constant 16 : i32
      %parallel_loop3A_395 = arith.muli %parallel_loop3A_323, %parallel_loop3A_394 : i32
      %parallel_loop3A_396 = arith.constant 1 : i32
      %parallel_loop3A_397 = arith.constant 7 : i32
      %parallel_loop3A_398 = arith.index_cast %parallel_loop3A_396 : i32 to index
      %parallel_loop3A_399 = arith.index_cast %parallel_loop3A_397 : i32 to index
      %parallel_loop3A_400 = arith.index_cast %parallel_loop3A_395 : i32 to index
      %parallel_loop3A_401 = tpu.vector_load %arg7[%parallel_loop3A_398, %parallel_loop3A_399, %parallel_loop3A_400] {strides = array<i32>} : memref<2x8x4096xf32, #tpu.memory_space<vmem>>, vector<16xf32>,
      tpu.vector_store %arg7[%parallel_loop3A_398, %parallel_loop3A_399, %parallel_loop3A_400], %parallel_loop3A_393 {strides = array<i32>} : memref<2x8x4096xf32, #tpu.memory_space<vmem>>, vector<16xf32>,
    } {sc.loop_unroll_factor = 8 : i64, sc.parallel_access}
    %add3A_133 = arith.constant 4 : i32
    %add3A_134 = arith.addi %select_n3A, %add3A_133 : i32
    %mul3A_135 = arith.constant 8 : i32
    %mul3A_136 = arith.muli %rem3A_1, %mul3A_135 : i32
    %dma_start3A_137 = arith.constant 1 : i32
    %dma_start3A_138 = arith.constant 0 : i32
    %dma_start3A_139 = arith.constant 0 : i32
    %dma_start3A_140 = tpu.memref_slice %arg7[%dma_start3A_137, %dma_start3A_138, %dma_start3A_139] : memref<2x8x4096xf32, #tpu.memory_space<vmem>> -> memref<1x8x4096xf32, #tpu.memory_space<vmem>>
    %dma_start3A_141 = tpu.memref_squeeze %dma_start3A_140 : memref<1x8x4096xf32, #tpu.memory_space<vmem>> -> memref<8x4096xf32, #tpu.memory_space<vmem>>
    %dma_start3A_142 = arith.constant 0 : i32
    %dma_start3A_143 = tpu.memref_slice %arg4[%add3A_134, %mul3A_136, %dma_start3A_142] : memref<200x64x4096xf32, #tpu.memory_space<hbm>> -> memref<1x8x4096xf32, #tpu.memory_space<hbm>>
    %dma_start3A_144 = tpu.memref_squeeze %dma_start3A_143 : memref<1x8x4096xf32, #tpu.memory_space<hbm>> -> memref<8x4096xf32, #tpu.memory_space<hbm>>
    %dma_start3A_145 = arith.constant 0 : i32
    %dma_start3A_146 = tpu.memref_slice %arg4[%add3A_134, %mul3A_136, %dma_start3A_145] : memref<200x64x4096xf32, #tpu.memory_space<hbm>> -> memref<1x8x4096xf32, #tpu.memory_space<hbm>>
    %dma_start3A_147 = tpu.memref_squeeze %dma_start3A_146 : memref<1x8x4096xf32, #tpu.memory_space<hbm>> -> memref<8x4096xf32, #tpu.memory_space<hbm>>
    %dma_start3A_148 = arith.constant 0 : i32
    %dma_start3A_149 = arith.constant 0 : i32
    %dma_start3A_150 = tpu.memref_slice %arg7[%dma_start3A_137, %dma_start3A_148, %dma_start3A_149] : memref<2x8x4096xf32, #tpu.memory_space<vmem>> -> memref<1x8x4096xf32, #tpu.memory_space<vmem>>
    %dma_start3A_151 = tpu.memref_squeeze %dma_start3A_150 : memref<1x8x4096xf32, #tpu.memory_space<vmem>> -> memref<8x4096xf32, #tpu.memory_space<vmem>>
    tpu.enqueue_dma source(%dma_start3A_151 : memref<8x4096xf32, #tpu.memory_space<vmem>>) target(%dma_start3A_147 : memref<8x4096xf32, #tpu.memory_space<hbm>>) target_semaphore(%arg11 : memref<!tpu.dma_semaphore, #tpu.memory_space<semaphore_mem>>)
    %scan3A = arith.constant 0 : i32
    %scan3A_152 = arith.constant 1 : i32
    %scan3A_153 = arith.constant 23 : i32
    %scan3A_154 = arith.addi %scan3A_152, %scan3A_153 : i32
    %scan3A_155 = arith.constant 1 : i32
    %scan3A_156 = scf.for %scan3A_323 = %scan3A_152 to %scan3A_154 step %scan3A_155 iter_args(%scan3A_324 = %scan3A) -> (i32)  : i32 {
      %mul3A_325 = arith.constant 2 : i32
      %mul3A_326 = arith.muli %scan3A_323, %mul3A_325 : i32
      %add3A_327 = arith.constant 1 : i32
      %add3A_328 = arith.addi %mul3A_326, %add3A_327 : i32
      %mul3A_329 = arith.constant 4 : i32
      %mul3A_330 = arith.muli %add3A_328, %mul3A_329 : i32
      %add3A_331 = arith.addi %select_n3A, %mul3A_330 : i32
      %dma_start3A_332 = arith.constant 1 : i32
      %dma_start3A_333 = arith.constant 0 : i32
      %dma_start3A_334 = tpu.memref_slice %arg6[%dma_start3A_332, %dma_start3A_333] : memref<2x4096xi32, #tpu.memory_space<vmem>> -> memref<1x4096xi32, #tpu.memory_space<vmem>>
      %dma_start3A_335 = tpu.memref_squeeze %dma_start3A_334 : memref<1x4096xi32, #tpu.memory_space<vmem>> -> memref<4096xi32, #tpu.memory_space<vmem>>
      %dma_start3A_336 = arith.constant 0 : i32
      %dma_start3A_337 = tpu.memref_slice %arg2[%add3A_331, %dma_start3A_336] : memref<200x4096xi32, #tpu.memory_space<hbm>> -> memref<1x4096xi32, #tpu.memory_space<hbm>>
      %dma_start3A_338 = tpu.memref_squeeze %dma_start3A_337 : memref<1x4096xi32, #tpu.memory_space<hbm>> -> memref<4096xi32, #tpu.memory_space<hbm>>
      %dma_start3A_339 = arith.constant 0 : i32
      %dma_start3A_340 = tpu.memref_slice %arg6[%dma_start3A_332, %dma_start3A_339] : memref<2x4096xi32, #tpu.memory_space<vmem>> -> memref<1x4096xi32, #tpu.memory_space<vmem>>
      %dma_start3A_341 = tpu.memref_squeeze %dma_start3A_340 : memref<1x4096xi32, #tpu.memory_space<vmem>> -> memref<4096xi32, #tpu.memory_space<vmem>>
      %dma_start3A_342 = arith.constant 0 : i32
      %dma_start3A_343 = tpu.memref_slice %arg2[%add3A_331, %dma_start3A_342] : memref<200x4096xi32, #tpu.memory_space<hbm>> -> memref<1x4096xi32, #tpu.memory_space<hbm>>
      %dma_start3A_344 = tpu.memref_squeeze %dma_start3A_343 : memref<1x4096xi32, #tpu.memory_space<hbm>> -> memref<4096xi32, #tpu.memory_space<hbm>>
      tpu.enqueue_dma source(%dma_start3A_344 : memref<4096xi32, #tpu.memory_space<hbm>>) target(%dma_start3A_341 : memref<4096xi32, #tpu.memory_space<vmem>>) target_semaphore(%arg9 : memref<!tpu.dma_semaphore, #tpu.memory_space<semaphore_mem>>)
      %mul3A_345 = arith.constant 4 : i32
      %mul3A_346 = arith.muli %mul3A_326, %mul3A_345 : i32
      %add3A_347 = arith.addi %select_n3A, %mul3A_346 : i32
      %dma_wait3A_348 = arith.constant 0 : i32
      %dma_wait3A_349 = arith.constant 0 : i32
      %dma_wait3A_350 = tpu.memref_slice %arg6[%dma_wait3A_348, %dma_wait3A_349] : memref<2x4096xi32, #tpu.memory_space<vmem>> -> memref<1x4096xi32, #tpu.memory_space<vmem>>
      %dma_wait3A_351 = tpu.memref_squeeze %dma_wait3A_350 : memref<1x4096xi32, #tpu.memory_space<vmem>> -> memref<4096xi32, #tpu.memory_space<vmem>>
      %dma_wait3A_352 = arith.constant 0 : i32
      %dma_wait3A_353 = tpu.memref_slice %arg2[%add3A_347, %dma_wait3A_352] : memref<200x4096xi32, #tpu.memory_space<hbm>> -> memref<1x4096xi32, #tpu.memory_space<hbm>>
      %dma_wait3A_354 = tpu.memref_squeeze %dma_wait3A_353 : memref<1x4096xi32, #tpu.memory_space<hbm>> -> memref<4096xi32, #tpu.memory_space<hbm>>
      %dma_wait3A_355 = arith.constant 0 : i32
      %dma_wait3A_356 = tpu.memref_slice %arg6[%dma_wait3A_348, %dma_wait3A_355] : memref<2x4096xi32, #tpu.memory_space<vmem>> -> memref<1x4096xi32, #tpu.memory_space<vmem>>
      %dma_wait3A_357 = tpu.memref_squeeze %dma_wait3A_356 : memref<1x4096xi32, #tpu.memory_space<vmem>> -> memref<4096xi32, #tpu.memory_space<vmem>>
      %dma_wait3A_358 = arith.constant 0 : i32
      %dma_wait3A_359 = tpu.memref_slice %arg2[%add3A_347, %dma_wait3A_358] : memref<200x4096xi32, #tpu.memory_space<hbm>> -> memref<1x4096xi32, #tpu.memory_space<hbm>>
      %dma_wait3A_360 = tpu.memref_squeeze %dma_wait3A_359 : memref<1x4096xi32, #tpu.memory_space<hbm>> -> memref<4096xi32, #tpu.memory_space<hbm>>
      tpu.wait_dma2 semaphore(%arg8 : memref<!tpu.dma_semaphore, #tpu.memory_space<semaphore_mem>>) src(%dma_wait3A_360 : memref<4096xi32, #tpu.memory_space<hbm>>) dst(%dma_wait3A_357 : memref<4096xi32, #tpu.memory_space<vmem>>)
      %sub3A_361 = arith.constant 2 : i32
      %sub3A_362 = arith.subi %mul3A_326, %sub3A_361 : i32
      %mul3A_363 = arith.constant 4 : i32
      %mul3A_364 = arith.muli %sub3A_362, %mul3A_363 : i32
      %add3A_365 = arith.addi %select_n3A, %mul3A_364 : i32
      %mul3A_366 = arith.constant 8 : i32
      %mul3A_367 = arith.muli %rem3A_1, %mul3A_366 : i32
      %dma_wait3A_368 = arith.constant 0 : i32
      %dma_wait3A_369 = arith.constant 0 : i32
      %dma_wait3A_370 = arith.constant 0 : i32
      %dma_wait3A_371 = tpu.memref_slice %arg7[%dma_wait3A_368, %dma_wait3A_369, %dma_wait3A_370] : memref<2x8x4096xf32, #tpu.memory_space<vmem>> -> memref<1x8x4096xf32, #tpu.memory_space<vmem>>
      %dma_wait3A_372 = tpu.memref_squeeze %dma_wait3A_371 : memref<1x8x4096xf32, #tpu.memory_space<vmem>> -> memref<8x4096xf32, #tpu.memory_space<vmem>>
      %dma_wait3A_373 = arith.constant 0 : i32
      %dma_wait3A_374 = tpu.memref_slice %arg4[%add3A_365, %mul3A_367, %dma_wait3A_373] : memref<200x64x4096xf32, #tpu.memory_space<hbm>> -> memref<1x8x4096xf32, #tpu.memory_space<hbm>>
      %dma_wait3A_375 = tpu.memref_squeeze %dma_wait3A_374 : memref<1x8x4096xf32, #tpu.memory_space<hbm>> -> memref<8x4096xf32, #tpu.memory_space<hbm>>
      %dma_wait3A_376 = arith.constant 0 : i32
      %dma_wait3A_377 = tpu.memref_slice %arg4[%add3A_365, %mul3A_367, %dma_wait3A_376] : memref<200x64x4096xf32, #tpu.memory_space<hbm>> -> memref<1x8x4096xf32, #tpu.memory_space<hbm>>
      %dma_wait3A_378 = tpu.memref_squeeze %dma_wait3A_377 : memref<1x8x4096xf32, #tpu.memory_space<hbm>> -> memref<8x4096xf32, #tpu.memory_space<hbm>>
      %dma_wait3A_379 = arith.constant 0 : i32
      %dma_wait3A_380 = arith.constant 0 : i32
      %dma_wait3A_381 = tpu.memref_slice %arg7[%dma_wait3A_368, %dma_wait3A_379, %dma_wait3A_380] : memref<2x8x4096xf32, #tpu.memory_space<vmem>> -> memref<1x8x4096xf32, #tpu.memory_space<vmem>>
      %dma_wait3A_382 = tpu.memref_squeeze %dma_wait3A_381 : memref<1x8x4096xf32, #tpu.memory_space<vmem>> -> memref<8x4096xf32, #tpu.memory_space<vmem>>
      tpu.wait_dma2 semaphore(%arg10 : memref<!tpu.dma_semaphore, #tpu.memory_space<semaphore_mem>>) src(%dma_wait3A_382 : memref<8x4096xf32, #tpu.memory_space<vmem>>) dst(%dma_wait3A_378 : memref<8x4096xf32, #tpu.memory_space<hbm>>)
      %parallel_loop3A_383 = arith.constant 0 : i32
      %parallel_loop3A_384 = arith.constant 256 : i32
      %parallel_loop3A_385 = arith.constant 1 : i32
      scf.for %parallel_loop3A_490 = %parallel_loop3A_383 to %parallel_loop3A_384 step %parallel_loop3A_385  : i32 {
        %parallel_loop3A_491 = arith.constant 16 : i32
        %parallel_loop3A_492 = arith.muli %parallel_loop3A_490, %parallel_loop3A_491 : i32
        %parallel_loop3A_493 = arith.constant 0 : i32
        %parallel_loop3A_494 = arith.index_cast %parallel_loop3A_493 : i32 to index
        %parallel_loop3A_495 = arith.index_cast %parallel_loop3A_492 : i32 to index
        %parallel_loop3A_496 = tpu.vector_load %arg6[%parallel_loop3A_494, %parallel_loop3A_495] {strides = array<i32>} : memref<2x4096xi32, #tpu.memory_space<vmem>>, vector<16xi32>,
        %parallel_loop3A_497 = tpu.vector_load_idx %arg5[%broadcast_in_dim3A_21, %parallel_loop3A_496] : memref<8x2048xf32, #tpu.memory_space<vmem>>[vector<16xi32>, vector<16xi32>], vector<16xf32>,
        %parallel_loop3A_498 = arith.constant 16 : i32
        %parallel_loop3A_499 = arith.muli %parallel_loop3A_490, %parallel_loop3A_498 : i32
        %parallel_loop3A_500 = arith.constant 0 : i32
        %parallel_loop3A_501 = arith.constant 0 : i32
        %parallel_loop3A_502 = arith.index_cast %parallel_loop3A_500 : i32 to index
        %parallel_loop3A_503 = arith.index_cast %parallel_loop3A_501 : i32 to index
        %parallel_loop3A_504 = arith.index_cast %parallel_loop3A_499 : i32 to index
        %parallel_loop3A_505 = tpu.vector_load %arg7[%parallel_loop3A_502, %parallel_loop3A_503, %parallel_loop3A_504] {strides = array<i32>} : memref<2x8x4096xf32, #tpu.memory_space<vmem>>, vector<16xf32>,
        tpu.vector_store %arg7[%parallel_loop3A_502, %parallel_loop3A_503, %parallel_loop3A_504], %parallel_loop3A_497 {strides = array<i32>} : memref<2x8x4096xf32, #tpu.memory_space<vmem>>, vector<16xf32>,
        %parallel_loop3A_506 = tpu.vector_load_idx %arg5[%broadcast_in_dim3A_23, %parallel_loop3A_496] : memref<8x2048xf32, #tpu.memory_space<vmem>>[vector<16xi32>, vector<16xi32>], vector<16xf32>,
        %parallel_loop3A_507 = arith.constant 16 : i32
        %parallel_loop3A_508 = arith.muli %parallel_loop3A_490, %parallel_loop3A_507 : i32
        %parallel_loop3A_509 = arith.constant 0 : i32
        %parallel_loop3A_510 = arith.constant 1 : i32
        %parallel_loop3A_511 = arith.index_cast %parallel_loop3A_509 : i32 to index
        %parallel_loop3A_512 = arith.index_cast %parallel_loop3A_510 : i32 to index
        %parallel_loop3A_513 = arith.index_cast %parallel_loop3A_508 : i32 to index
        %parallel_loop3A_514 = tpu.vector_load %arg7[%parallel_loop3A_511, %parallel_loop3A_512, %parallel_loop3A_513] {strides = array<i32>} : memref<2x8x4096xf32, #tpu.memory_space<vmem>>, vector<16xf32>,
        tpu.vector_store %arg7[%parallel_loop3A_511, %parallel_loop3A_512, %parallel_loop3A_513], %parallel_loop3A_506 {strides = array<i32>} : memref<2x8x4096xf32, #tpu.memory_space<vmem>>, vector<16xf32>,
        %parallel_loop3A_515 = tpu.vector_load_idx %arg5[%broadcast_in_dim3A_25, %parallel_loop3A_496] : memref<8x2048xf32, #tpu.memory_space<vmem>>[vector<16xi32>, vector<16xi32>], vector<16xf32>,
        %parallel_loop3A_516 = arith.constant 16 : i32
        %parallel_loop3A_517 = arith.muli %parallel_loop3A_490, %parallel_loop3A_516 : i32
        %parallel_loop3A_518 = arith.constant 0 : i32
        %parallel_loop3A_519 = arith.constant 2 : i32
        %parallel_loop3A_520 = arith.index_cast %parallel_loop3A_518 : i32 to index
        %parallel_loop3A_521 = arith.index_cast %parallel_loop3A_519 : i32 to index
        %parallel_loop3A_522 = arith.index_cast %parallel_loop3A_517 : i32 to index
        %parallel_loop3A_523 = tpu.vector_load %arg7[%parallel_loop3A_520, %parallel_loop3A_521, %parallel_loop3A_522] {strides = array<i32>} : memref<2x8x4096xf32, #tpu.memory_space<vmem>>, vector<16xf32>,
        tpu.vector_store %arg7[%parallel_loop3A_520, %parallel_loop3A_521, %parallel_loop3A_522], %parallel_loop3A_515 {strides = array<i32>} : memref<2x8x4096xf32, #tpu.memory_space<vmem>>, vector<16xf32>,
        %parallel_loop3A_524 = tpu.vector_load_idx %arg5[%broadcast_in_dim3A_27, %parallel_loop3A_496] : memref<8x2048xf32, #tpu.memory_space<vmem>>[vector<16xi32>, vector<16xi32>], vector<16xf32>,
        %parallel_loop3A_525 = arith.constant 16 : i32
        %parallel_loop3A_526 = arith.muli %parallel_loop3A_490, %parallel_loop3A_525 : i32
        %parallel_loop3A_527 = arith.constant 0 : i32
        %parallel_loop3A_528 = arith.constant 3 : i32
        %parallel_loop3A_529 = arith.index_cast %parallel_loop3A_527 : i32 to index
        %parallel_loop3A_530 = arith.index_cast %parallel_loop3A_528 : i32 to index
        %parallel_loop3A_531 = arith.index_cast %parallel_loop3A_526 : i32 to index
        %parallel_loop3A_532 = tpu.vector_load %arg7[%parallel_loop3A_529, %parallel_loop3A_530, %parallel_loop3A_531] {strides = array<i32>} : memref<2x8x4096xf32, #tpu.memory_space<vmem>>, vector<16xf32>,
        tpu.vector_store %arg7[%parallel_loop3A_529, %parallel_loop3A_530, %parallel_loop3A_531], %parallel_loop3A_524 {strides = array<i32>} : memref<2x8x4096xf32, #tpu.memory_space<vmem>>, vector<16xf32>,
        %parallel_loop3A_533 = tpu.vector_load_idx %arg5[%broadcast_in_dim3A_29, %parallel_loop3A_496] : memref<8x2048xf32, #tpu.memory_space<vmem>>[vector<16xi32>, vector<16xi32>], vector<16xf32>,
        %parallel_loop3A_534 = arith.constant 16 : i32
        %parallel_loop3A_535 = arith.muli %parallel_loop3A_490, %parallel_loop3A_534 : i32
        %parallel_loop3A_536 = arith.constant 0 : i32
        %parallel_loop3A_537 = arith.constant 4 : i32
        %parallel_loop3A_538 = arith.index_cast %parallel_loop3A_536 : i32 to index
        %parallel_loop3A_539 = arith.index_cast %parallel_loop3A_537 : i32 to index
        %parallel_loop3A_540 = arith.index_cast %parallel_loop3A_535 : i32 to index
        %parallel_loop3A_541 = tpu.vector_load %arg7[%parallel_loop3A_538, %parallel_loop3A_539, %parallel_loop3A_540] {strides = array<i32>} : memref<2x8x4096xf32, #tpu.memory_space<vmem>>, vector<16xf32>,
        tpu.vector_store %arg7[%parallel_loop3A_538, %parallel_loop3A_539, %parallel_loop3A_540], %parallel_loop3A_533 {strides = array<i32>} : memref<2x8x4096xf32, #tpu.memory_space<vmem>>, vector<16xf32>,
        %parallel_loop3A_542 = tpu.vector_load_idx %arg5[%broadcast_in_dim3A_31, %parallel_loop3A_496] : memref<8x2048xf32, #tpu.memory_space<vmem>>[vector<16xi32>, vector<16xi32>], vector<16xf32>,
        %parallel_loop3A_543 = arith.constant 16 : i32
        %parallel_loop3A_544 = arith.muli %parallel_loop3A_490, %parallel_loop3A_543 : i32
        %parallel_loop3A_545 = arith.constant 0 : i32
        %parallel_loop3A_546 = arith.constant 5 : i32
        %parallel_loop3A_547 = arith.index_cast %parallel_loop3A_545 : i32 to index
        %parallel_loop3A_548 = arith.index_cast %parallel_loop3A_546 : i32 to index
        %parallel_loop3A_549 = arith.index_cast %parallel_loop3A_544 : i32 to index
        %parallel_loop3A_550 = tpu.vector_load %arg7[%parallel_loop3A_547, %parallel_loop3A_548, %parallel_loop3A_549] {strides = array<i32>} : memref<2x8x4096xf32, #tpu.memory_space<vmem>>, vector<16xf32>,
        tpu.vector_store %arg7[%parallel_loop3A_547, %parallel_loop3A_548, %parallel_loop3A_549], %parallel_loop3A_542 {strides = array<i32>} : memref<2x8x4096xf32, #tpu.memory_space<vmem>>, vector<16xf32>,
        %parallel_loop3A_551 = tpu.vector_load_idx %arg5[%broadcast_in_dim3A_33, %parallel_loop3A_496] : memref<8x2048xf32, #tpu.memory_space<vmem>>[vector<16xi32>, vector<16xi32>], vector<16xf32>,
        %parallel_loop3A_552 = arith.constant 16 : i32
        %parallel_loop3A_553 = arith.muli %parallel_loop3A_490, %parallel_loop3A_552 : i32
        %parallel_loop3A_554 = arith.constant 0 : i32
        %parallel_loop3A_555 = arith.constant 6 : i32
        %parallel_loop3A_556 = arith.index_cast %parallel_loop3A_554 : i32 to index
        %parallel_loop3A_557 = arith.index_cast %parallel_loop3A_555 : i32 to index
        %parallel_loop3A_558 = arith.index_cast %parallel_loop3A_553 : i32 to index
        %parallel_loop3A_559 = tpu.vector_load %arg7[%parallel_loop3A_556, %parallel_loop3A_557, %parallel_loop3A_558] {strides = array<i32>} : memref<2x8x4096xf32, #tpu.memory_space<vmem>>, vector<16xf32>,
        tpu.vector_store %arg7[%parallel_loop3A_556, %parallel_loop3A_557, %parallel_loop3A_558], %parallel_loop3A_551 {strides = array<i32>} : memref<2x8x4096xf32, #tpu.memory_space<vmem>>, vector<16xf32>,
        %parallel_loop3A_560 = tpu.vector_load_idx %arg5[%broadcast_in_dim3A_35, %parallel_loop3A_496] : memref<8x2048xf32, #tpu.memory_space<vmem>>[vector<16xi32>, vector<16xi32>], vector<16xf32>,
        %parallel_loop3A_561 = arith.constant 16 : i32
        %parallel_loop3A_562 = arith.muli %parallel_loop3A_490, %parallel_loop3A_561 : i32
        %parallel_loop3A_563 = arith.constant 0 : i32
        %parallel_loop3A_564 = arith.constant 7 : i32
        %parallel_loop3A_565 = arith.index_cast %parallel_loop3A_563 : i32 to index
        %parallel_loop3A_566 = arith.index_cast %parallel_loop3A_564 : i32 to index
        %parallel_loop3A_567 = arith.index_cast %parallel_loop3A_562 : i32 to index
        %parallel_loop3A_568 = tpu.vector_load %arg7[%parallel_loop3A_565, %parallel_loop3A_566, %parallel_loop3A_567] {strides = array<i32>} : memref<2x8x4096xf32, #tpu.memory_space<vmem>>, vector<16xf32>,
        tpu.vector_store %arg7[%parallel_loop3A_565, %parallel_loop3A_566, %parallel_loop3A_567], %parallel_loop3A_560 {strides = array<i32>} : memref<2x8x4096xf32, #tpu.memory_space<vmem>>, vector<16xf32>,
      } {sc.loop_unroll_factor = 8 : i64, sc.parallel_access}
      %mul3A_386 = arith.constant 4 : i32
      %mul3A_387 = arith.muli %mul3A_326, %mul3A_386 : i32
      %add3A_388 = arith.addi %select_n3A, %mul3A_387 : i32
      %mul3A_389 = arith.constant 8 : i32
      %mul3A_390 = arith.muli %rem3A_1, %mul3A_389 : i32
      %dma_start3A_391 = arith.constant 0 : i32
      %dma_start3A_392 = arith.constant 0 : i32
      %dma_start3A_393 = arith.constant 0 : i32
      %dma_start3A_394 = tpu.memref_slice %arg7[%dma_start3A_391, %dma_start3A_392, %dma_start3A_393] : memref<2x8x4096xf32, #tpu.memory_space<vmem>> -> memref<1x8x4096xf32, #tpu.memory_space<vmem>>
      %dma_start3A_395 = tpu.memref_squeeze %dma_start3A_394 : memref<1x8x4096xf32, #tpu.memory_space<vmem>> -> memref<8x4096xf32, #tpu.memory_space<vmem>>
      %dma_start3A_396 = arith.constant 0 : i32
      %dma_start3A_397 = tpu.memref_slice %arg4[%add3A_388, %mul3A_390, %dma_start3A_396] : memref<200x64x4096xf32, #tpu.memory_space<hbm>> -> memref<1x8x4096xf32, #tpu.memory_space<hbm>>
      %dma_start3A_398 = tpu.memref_squeeze %dma_start3A_397 : memref<1x8x4096xf32, #tpu.memory_space<hbm>> -> memref<8x4096xf32, #tpu.memory_space<hbm>>
      %dma_start3A_399 = arith.constant 0 : i32
      %dma_start3A_400 = tpu.memref_slice %arg4[%add3A_388, %mul3A_390, %dma_start3A_399] : memref<200x64x4096xf32, #tpu.memory_space<hbm>> -> memref<1x8x4096xf32, #tpu.memory_space<hbm>>
      %dma_start3A_401 = tpu.memref_squeeze %dma_start3A_400 : memref<1x8x4096xf32, #tpu.memory_space<hbm>> -> memref<8x4096xf32, #tpu.memory_space<hbm>>
      %dma_start3A_402 = arith.constant 0 : i32
      %dma_start3A_403 = arith.constant 0 : i32
      %dma_start3A_404 = tpu.memref_slice %arg7[%dma_start3A_391, %dma_start3A_402, %dma_start3A_403] : memref<2x8x4096xf32, #tpu.memory_space<vmem>> -> memref<1x8x4096xf32, #tpu.memory_space<vmem>>
      %dma_start3A_405 = tpu.memref_squeeze %dma_start3A_404 : memref<1x8x4096xf32, #tpu.memory_space<vmem>> -> memref<8x4096xf32, #tpu.memory_space<vmem>>
      tpu.enqueue_dma source(%dma_start3A_405 : memref<8x4096xf32, #tpu.memory_space<vmem>>) target(%dma_start3A_401 : memref<8x4096xf32, #tpu.memory_space<hbm>>) target_semaphore(%arg10 : memref<!tpu.dma_semaphore, #tpu.memory_space<semaphore_mem>>)
      %add3A_406 = arith.constant 2 : i32
      %add3A_407 = arith.addi %mul3A_326, %add3A_406 : i32
      %mul3A_408 = arith.constant 4 : i32
      %mul3A_409 = arith.muli %add3A_407, %mul3A_408 : i32
      %add3A_410 = arith.addi %select_n3A, %mul3A_409 : i32
      %dma_start3A_411 = arith.constant 0 : i32
      %dma_start3A_412 = arith.constant 0 : i32
      %dma_start3A_413 = tpu.memref_slice %arg6[%dma_start3A_411, %dma_start3A_412] : memref<2x4096xi32, #tpu.memory_space<vmem>> -> memref<1x4096xi32, #tpu.memory_space<vmem>>
      %dma_start3A_414 = tpu.memref_squeeze %dma_start3A_413 : memref<1x4096xi32, #tpu.memory_space<vmem>> -> memref<4096xi32, #tpu.memory_space<vmem>>
      %dma_start3A_415 = arith.constant 0 : i32
      %dma_start3A_416 = tpu.memref_slice %arg2[%add3A_410, %dma_start3A_415] : memref<200x4096xi32, #tpu.memory_space<hbm>> -> memref<1x4096xi32, #tpu.memory_space<hbm>>
      %dma_start3A_417 = tpu.memref_squeeze %dma_start3A_416 : memref<1x4096xi32, #tpu.memory_space<hbm>> -> memref<4096xi32, #tpu.memory_space<hbm>>
      %dma_start3A_418 = arith.constant 0 : i32
      %dma_start3A_419 = tpu.memref_slice %arg6[%dma_start3A_411, %dma_start3A_418] : memref<2x4096xi32, #tpu.memory_space<vmem>> -> memref<1x4096xi32, #tpu.memory_space<vmem>>
      %dma_start3A_420 = tpu.memref_squeeze %dma_start3A_419 : memref<1x4096xi32, #tpu.memory_space<vmem>> -> memref<4096xi32, #tpu.memory_space<vmem>>
      %dma_start3A_421 = arith.constant 0 : i32
      %dma_start3A_422 = tpu.memref_slice %arg2[%add3A_410, %dma_start3A_421] : memref<200x4096xi32, #tpu.memory_space<hbm>> -> memref<1x4096xi32, #tpu.memory_space<hbm>>
      %dma_start3A_423 = tpu.memref_squeeze %dma_start3A_422 : memref<1x4096xi32, #tpu.memory_space<hbm>> -> memref<4096xi32, #tpu.memory_space<hbm>>
      tpu.enqueue_dma source(%dma_start3A_423 : memref<4096xi32, #tpu.memory_space<hbm>>) target(%dma_start3A_420 : memref<4096xi32, #tpu.memory_space<vmem>>) target_semaphore(%arg8 : memref<!tpu.dma_semaphore, #tpu.memory_space<semaphore_mem>>)
      %add3A_424 = arith.constant 1 : i32
      %add3A_425 = arith.addi %mul3A_326, %add3A_424 : i32
      %mul3A_426 = arith.constant 4 : i32
      %mul3A_427 = arith.muli %add3A_425, %mul3A_426 : i32
      %add3A_428 = arith.addi %select_n3A, %mul3A_427 : i32
      %dma_wait3A_429 = arith.constant 1 : i32
      %dma_wait3A_430 = arith.constant 0 : i32
      %dma_wait3A_431 = tpu.memref_slice %arg6[%dma_wait3A_429, %dma_wait3A_430] : memref<2x4096xi32, #tpu.memory_space<vmem>> -> memref<1x4096xi32, #tpu.memory_space<vmem>>
      %dma_wait3A_432 = tpu.memref_squeeze %dma_wait3A_431 : memref<1x4096xi32, #tpu.memory_space<vmem>> -> memref<4096xi32, #tpu.memory_space<vmem>>
      %dma_wait3A_433 = arith.constant 0 : i32
      %dma_wait3A_434 = tpu.memref_slice %arg2[%add3A_428, %dma_wait3A_433] : memref<200x4096xi32, #tpu.memory_space<hbm>> -> memref<1x4096xi32, #tpu.memory_space<hbm>>
      %dma_wait3A_435 = tpu.memref_squeeze %dma_wait3A_434 : memref<1x4096xi32, #tpu.memory_space<hbm>> -> memref<4096xi32, #tpu.memory_space<hbm>>
      %dma_wait3A_436 = arith.constant 0 : i32
      %dma_wait3A_437 = tpu.memref_slice %arg6[%dma_wait3A_429, %dma_wait3A_436] : memref<2x4096xi32, #tpu.memory_space<vmem>> -> memref<1x4096xi32, #tpu.memory_space<vmem>>
      %dma_wait3A_438 = tpu.memref_squeeze %dma_wait3A_437 : memref<1x4096xi32, #tpu.memory_space<vmem>> -> memref<4096xi32, #tpu.memory_space<vmem>>
      %dma_wait3A_439 = arith.constant 0 : i32
      %dma_wait3A_440 = tpu.memref_slice %arg2[%add3A_428, %dma_wait3A_439] : memref<200x4096xi32, #tpu.memory_space<hbm>> -> memref<1x4096xi32, #tpu.memory_space<hbm>>
      %dma_wait3A_441 = tpu.memref_squeeze %dma_wait3A_440 : memref<1x4096xi32, #tpu.memory_space<hbm>> -> memref<4096xi32, #tpu.memory_space<hbm>>
      tpu.wait_dma2 semaphore(%arg9 : memref<!tpu.dma_semaphore, #tpu.memory_space<semaphore_mem>>) src(%dma_wait3A_441 : memref<4096xi32, #tpu.memory_space<hbm>>) dst(%dma_wait3A_438 : memref<4096xi32, #tpu.memory_space<vmem>>)
      %sub3A_442 = arith.constant 1 : i32
      %sub3A_443 = arith.subi %mul3A_326, %sub3A_442 : i32
      %mul3A_444 = arith.constant 4 : i32
      %mul3A_445 = arith.muli %sub3A_443, %mul3A_444 : i32
      %add3A_446 = arith.addi %select_n3A, %mul3A_445 : i32
      %mul3A_447 = arith.constant 8 : i32
      %mul3A_448 = arith.muli %rem3A_1, %mul3A_447 : i32
      %dma_wait3A_449 = arith.constant 1 : i32
      %dma_wait3A_450 = arith.constant 0 : i32
      %dma_wait3A_451 = arith.constant 0 : i32
      %dma_wait3A_452 = tpu.memref_slice %arg7[%dma_wait3A_449, %dma_wait3A_450, %dma_wait3A_451] : memref<2x8x4096xf32, #tpu.memory_space<vmem>> -> memref<1x8x4096xf32, #tpu.memory_space<vmem>>
      %dma_wait3A_453 = tpu.memref_squeeze %dma_wait3A_452 : memref<1x8x4096xf32, #tpu.memory_space<vmem>> -> memref<8x4096xf32, #tpu.memory_space<vmem>>
      %dma_wait3A_454 = arith.constant 0 : i32
      %dma_wait3A_455 = tpu.memref_slice %arg4[%add3A_446, %mul3A_448, %dma_wait3A_454] : memref<200x64x4096xf32, #tpu.memory_space<hbm>> -> memref<1x8x4096xf32, #tpu.memory_space<hbm>>
      %dma_wait3A_456 = tpu.memref_squeeze %dma_wait3A_455 : memref<1x8x4096xf32, #tpu.memory_space<hbm>> -> memref<8x4096xf32, #tpu.memory_space<hbm>>
      %dma_wait3A_457 = arith.constant 0 : i32
      %dma_wait3A_458 = tpu.memref_slice %arg4[%add3A_446, %mul3A_448, %dma_wait3A_457] : memref<200x64x4096xf32, #tpu.memory_space<hbm>> -> memref<1x8x4096xf32, #tpu.memory_space<hbm>>
      %dma_wait3A_459 = tpu.memref_squeeze %dma_wait3A_458 : memref<1x8x4096xf32, #tpu.memory_space<hbm>> -> memref<8x4096xf32, #tpu.memory_space<hbm>>
      %dma_wait3A_460 = arith.constant 0 : i32
      %dma_wait3A_461 = arith.constant 0 : i32
      %dma_wait3A_462 = tpu.memref_slice %arg7[%dma_wait3A_449, %dma_wait3A_460, %dma_wait3A_461] : memref<2x8x4096xf32, #tpu.memory_space<vmem>> -> memref<1x8x4096xf32, #tpu.memory_space<vmem>>
      %dma_wait3A_463 = tpu.memref_squeeze %dma_wait3A_462 : memref<1x8x4096xf32, #tpu.memory_space<vmem>> -> memref<8x4096xf32, #tpu.memory_space<vmem>>
      tpu.wait_dma2 semaphore(%arg11 : memref<!tpu.dma_semaphore, #tpu.memory_space<semaphore_mem>>) src(%dma_wait3A_463 : memref<8x4096xf32, #tpu.memory_space<vmem>>) dst(%dma_wait3A_459 : memref<8x4096xf32, #tpu.memory_space<hbm>>)
      %parallel_loop3A_464 = arith.constant 0 : i32
      %parallel_loop3A_465 = arith.constant 256 : i32
      %parallel_loop3A_466 = arith.constant 1 : i32
      scf.for %parallel_loop3A_490 = %parallel_loop3A_464 to %parallel_loop3A_465 step %parallel_loop3A_466  : i32 {
        %parallel_loop3A_491 = arith.constant 16 : i32
        %parallel_loop3A_492 = arith.muli %parallel_loop3A_490, %parallel_loop3A_491 : i32
        %parallel_loop3A_493 = arith.constant 1 : i32
        %parallel_loop3A_494 = arith.index_cast %parallel_loop3A_493 : i32 to index
        %parallel_loop3A_495 = arith.index_cast %parallel_loop3A_492 : i32 to index
        %parallel_loop3A_496 = tpu.vector_load %arg6[%parallel_loop3A_494, %parallel_loop3A_495] {strides = array<i32>} : memref<2x4096xi32, #tpu.memory_space<vmem>>, vector<16xi32>,
        %parallel_loop3A_497 = tpu.vector_load_idx %arg5[%broadcast_in_dim3A_21, %parallel_loop3A_496] : memref<8x2048xf32, #tpu.memory_space<vmem>>[vector<16xi32>, vector<16xi32>], vector<16xf32>,
        %parallel_loop3A_498 = arith.constant 16 : i32
        %parallel_loop3A_499 = arith.muli %parallel_loop3A_490, %parallel_loop3A_498 : i32
        %parallel_loop3A_500 = arith.constant 1 : i32
        %parallel_loop3A_501 = arith.constant 0 : i32
        %parallel_loop3A_502 = arith.index_cast %parallel_loop3A_500 : i32 to index
        %parallel_loop3A_503 = arith.index_cast %parallel_loop3A_501 : i32 to index
        %parallel_loop3A_504 = arith.index_cast %parallel_loop3A_499 : i32 to index
        %parallel_loop3A_505 = tpu.vector_load %arg7[%parallel_loop3A_502, %parallel_loop3A_503, %parallel_loop3A_504] {strides = array<i32>} : memref<2x8x4096xf32, #tpu.memory_space<vmem>>, vector<16xf32>,
        tpu.vector_store %arg7[%parallel_loop3A_502, %parallel_loop3A_503, %parallel_loop3A_504], %parallel_loop3A_497 {strides = array<i32>} : memref<2x8x4096xf32, #tpu.memory_space<vmem>>, vector<16xf32>,
        %parallel_loop3A_506 = tpu.vector_load_idx %arg5[%broadcast_in_dim3A_23, %parallel_loop3A_496] : memref<8x2048xf32, #tpu.memory_space<vmem>>[vector<16xi32>, vector<16xi32>], vector<16xf32>,
        %parallel_loop3A_507 = arith.constant 16 : i32
        %parallel_loop3A_508 = arith.muli %parallel_loop3A_490, %parallel_loop3A_507 : i32
        %parallel_loop3A_509 = arith.constant 1 : i32
        %parallel_loop3A_510 = arith.constant 1 : i32
        %parallel_loop3A_511 = arith.index_cast %parallel_loop3A_509 : i32 to index
        %parallel_loop3A_512 = arith.index_cast %parallel_loop3A_510 : i32 to index
        %parallel_loop3A_513 = arith.index_cast %parallel_loop3A_508 : i32 to index
        %parallel_loop3A_514 = tpu.vector_load %arg7[%parallel_loop3A_511, %parallel_loop3A_512, %parallel_loop3A_513] {strides = array<i32>} : memref<2x8x4096xf32, #tpu.memory_space<vmem>>, vector<16xf32>,
        tpu.vector_store %arg7[%parallel_loop3A_511, %parallel_loop3A_512, %parallel_loop3A_513], %parallel_loop3A_506 {strides = array<i32>} : memref<2x8x4096xf32, #tpu.memory_space<vmem>>, vector<16xf32>,
        %parallel_loop3A_515 = tpu.vector_load_idx %arg5[%broadcast_in_dim3A_25, %parallel_loop3A_496] : memref<8x2048xf32, #tpu.memory_space<vmem>>[vector<16xi32>, vector<16xi32>], vector<16xf32>,
        %parallel_loop3A_516 = arith.constant 16 : i32
        %parallel_loop3A_517 = arith.muli %parallel_loop3A_490, %parallel_loop3A_516 : i32
        %parallel_loop3A_518 = arith.constant 1 : i32
        %parallel_loop3A_519 = arith.constant 2 : i32
        %parallel_loop3A_520 = arith.index_cast %parallel_loop3A_518 : i32 to index
        %parallel_loop3A_521 = arith.index_cast %parallel_loop3A_519 : i32 to index
        %parallel_loop3A_522 = arith.index_cast %parallel_loop3A_517 : i32 to index
        %parallel_loop3A_523 = tpu.vector_load %arg7[%parallel_loop3A_520, %parallel_loop3A_521, %parallel_loop3A_522] {strides = array<i32>} : memref<2x8x4096xf32, #tpu.memory_space<vmem>>, vector<16xf32>,
        tpu.vector_store %arg7[%parallel_loop3A_520, %parallel_loop3A_521, %parallel_loop3A_522], %parallel_loop3A_515 {strides = array<i32>} : memref<2x8x4096xf32, #tpu.memory_space<vmem>>, vector<16xf32>,
        %parallel_loop3A_524 = tpu.vector_load_idx %arg5[%broadcast_in_dim3A_27, %parallel_loop3A_496] : memref<8x2048xf32, #tpu.memory_space<vmem>>[vector<16xi32>, vector<16xi32>], vector<16xf32>,
        %parallel_loop3A_525 = arith.constant 16 : i32
        %parallel_loop3A_526 = arith.muli %parallel_loop3A_490, %parallel_loop3A_525 : i32
        %parallel_loop3A_527 = arith.constant 1 : i32
        %parallel_loop3A_528 = arith.constant 3 : i32
        %parallel_loop3A_529 = arith.index_cast %parallel_loop3A_527 : i32 to index
        %parallel_loop3A_530 = arith.index_cast %parallel_loop3A_528 : i32 to index
        %parallel_loop3A_531 = arith.index_cast %parallel_loop3A_526 : i32 to index
        %parallel_loop3A_532 = tpu.vector_load %arg7[%parallel_loop3A_529, %parallel_loop3A_530, %parallel_loop3A_531] {strides = array<i32>} : memref<2x8x4096xf32, #tpu.memory_space<vmem>>, vector<16xf32>,
        tpu.vector_store %arg7[%parallel_loop3A_529, %parallel_loop3A_530, %parallel_loop3A_531], %parallel_loop3A_524 {strides = array<i32>} : memref<2x8x4096xf32, #tpu.memory_space<vmem>>, vector<16xf32>,
        %parallel_loop3A_533 = tpu.vector_load_idx %arg5[%broadcast_in_dim3A_29, %parallel_loop3A_496] : memref<8x2048xf32, #tpu.memory_space<vmem>>[vector<16xi32>, vector<16xi32>], vector<16xf32>,
        %parallel_loop3A_534 = arith.constant 16 : i32
        %parallel_loop3A_535 = arith.muli %parallel_loop3A_490, %parallel_loop3A_534 : i32
        %parallel_loop3A_536 = arith.constant 1 : i32
        %parallel_loop3A_537 = arith.constant 4 : i32
        %parallel_loop3A_538 = arith.index_cast %parallel_loop3A_536 : i32 to index
        %parallel_loop3A_539 = arith.index_cast %parallel_loop3A_537 : i32 to index
        %parallel_loop3A_540 = arith.index_cast %parallel_loop3A_535 : i32 to index
        %parallel_loop3A_541 = tpu.vector_load %arg7[%parallel_loop3A_538, %parallel_loop3A_539, %parallel_loop3A_540] {strides = array<i32>} : memref<2x8x4096xf32, #tpu.memory_space<vmem>>, vector<16xf32>,
        tpu.vector_store %arg7[%parallel_loop3A_538, %parallel_loop3A_539, %parallel_loop3A_540], %parallel_loop3A_533 {strides = array<i32>} : memref<2x8x4096xf32, #tpu.memory_space<vmem>>, vector<16xf32>,
        %parallel_loop3A_542 = tpu.vector_load_idx %arg5[%broadcast_in_dim3A_31, %parallel_loop3A_496] : memref<8x2048xf32, #tpu.memory_space<vmem>>[vector<16xi32>, vector<16xi32>], vector<16xf32>,
        %parallel_loop3A_543 = arith.constant 16 : i32
        %parallel_loop3A_544 = arith.muli %parallel_loop3A_490, %parallel_loop3A_543 : i32
        %parallel_loop3A_545 = arith.constant 1 : i32
        %parallel_loop3A_546 = arith.constant 5 : i32
        %parallel_loop3A_547 = arith.index_cast %parallel_loop3A_545 : i32 to index
        %parallel_loop3A_548 = arith.index_cast %parallel_loop3A_546 : i32 to index
        %parallel_loop3A_549 = arith.index_cast %parallel_loop3A_544 : i32 to index
        %parallel_loop3A_550 = tpu.vector_load %arg7[%parallel_loop3A_547, %parallel_loop3A_548, %parallel_loop3A_549] {strides = array<i32>} : memref<2x8x4096xf32, #tpu.memory_space<vmem>>, vector<16xf32>,
        tpu.vector_store %arg7[%parallel_loop3A_547, %parallel_loop3A_548, %parallel_loop3A_549], %parallel_loop3A_542 {strides = array<i32>} : memref<2x8x4096xf32, #tpu.memory_space<vmem>>, vector<16xf32>,
        %parallel_loop3A_551 = tpu.vector_load_idx %arg5[%broadcast_in_dim3A_33, %parallel_loop3A_496] : memref<8x2048xf32, #tpu.memory_space<vmem>>[vector<16xi32>, vector<16xi32>], vector<16xf32>,
        %parallel_loop3A_552 = arith.constant 16 : i32
        %parallel_loop3A_553 = arith.muli %parallel_loop3A_490, %parallel_loop3A_552 : i32
        %parallel_loop3A_554 = arith.constant 1 : i32
        %parallel_loop3A_555 = arith.constant 6 : i32
        %parallel_loop3A_556 = arith.index_cast %parallel_loop3A_554 : i32 to index
        %parallel_loop3A_557 = arith.index_cast %parallel_loop3A_555 : i32 to index
        %parallel_loop3A_558 = arith.index_cast %parallel_loop3A_553 : i32 to index
        %parallel_loop3A_559 = tpu.vector_load %arg7[%parallel_loop3A_556, %parallel_loop3A_557, %parallel_loop3A_558] {strides = array<i32>} : memref<2x8x4096xf32, #tpu.memory_space<vmem>>, vector<16xf32>,
        tpu.vector_store %arg7[%parallel_loop3A_556, %parallel_loop3A_557, %parallel_loop3A_558], %parallel_loop3A_551 {strides = array<i32>} : memref<2x8x4096xf32, #tpu.memory_space<vmem>>, vector<16xf32>,
        %parallel_loop3A_560 = tpu.vector_load_idx %arg5[%broadcast_in_dim3A_35, %parallel_loop3A_496] : memref<8x2048xf32, #tpu.memory_space<vmem>>[vector<16xi32>, vector<16xi32>], vector<16xf32>,
        %parallel_loop3A_561 = arith.constant 16 : i32
        %parallel_loop3A_562 = arith.muli %parallel_loop3A_490, %parallel_loop3A_561 : i32
        %parallel_loop3A_563 = arith.constant 1 : i32
        %parallel_loop3A_564 = arith.constant 7 : i32
        %parallel_loop3A_565 = arith.index_cast %parallel_loop3A_563 : i32 to index
        %parallel_loop3A_566 = arith.index_cast %parallel_loop3A_564 : i32 to index
        %parallel_loop3A_567 = arith.index_cast %parallel_loop3A_562 : i32 to index
        %parallel_loop3A_568 = tpu.vector_load %arg7[%parallel_loop3A_565, %parallel_loop3A_566, %parallel_loop3A_567] {strides = array<i32>} : memref<2x8x4096xf32, #tpu.memory_space<vmem>>, vector<16xf32>,
        tpu.vector_store %arg7[%parallel_loop3A_565, %parallel_loop3A_566, %parallel_loop3A_567], %parallel_loop3A_560 {strides = array<i32>} : memref<2x8x4096xf32, #tpu.memory_space<vmem>>, vector<16xf32>,
      } {sc.loop_unroll_factor = 8 : i64, sc.parallel_access}
      %add3A_467 = arith.constant 1 : i32
      %add3A_468 = arith.addi %mul3A_326, %add3A_467 : i32
      %mul3A_469 = arith.constant 4 : i32
      %mul3A_470 = arith.muli %add3A_468, %mul3A_469 : i32
      %add3A_471 = arith.addi %select_n3A, %mul3A_470 : i32
      %mul3A_472 = arith.constant 8 : i32
      %mul3A_473 = arith.muli %rem3A_1, %mul3A_472 : i32
      %dma_start3A_474 = arith.constant 1 : i32
      %dma_start3A_475 = arith.constant 0 : i32
      %dma_start3A_476 = arith.constant 0 : i32
      %dma_start3A_477 = tpu.memref_slice %arg7[%dma_start3A_474, %dma_start3A_475, %dma_start3A_476] : memref<2x8x4096xf32, #tpu.memory_space<vmem>> -> memref<1x8x4096xf32, #tpu.memory_space<vmem>>
      %dma_start3A_478 = tpu.memref_squeeze %dma_start3A_477 : memref<1x8x4096xf32, #tpu.memory_space<vmem>> -> memref<8x4096xf32, #tpu.memory_space<vmem>>
      %dma_start3A_479 = arith.constant 0 : i32
      %dma_start3A_480 = tpu.memref_slice %arg4[%add3A_471, %mul3A_473, %dma_start3A_479] : memref<200x64x4096xf32, #tpu.memory_space<hbm>> -> memref<1x8x4096xf32, #tpu.memory_space<hbm>>
      %dma_start3A_481 = tpu.memref_squeeze %dma_start3A_480 : memref<1x8x4096xf32, #tpu.memory_space<hbm>> -> memref<8x4096xf32, #tpu.memory_space<hbm>>
      %dma_start3A_482 = arith.constant 0 : i32
      %dma_start3A_483 = tpu.memref_slice %arg4[%add3A_471, %mul3A_473, %dma_start3A_482] : memref<200x64x4096xf32, #tpu.memory_space<hbm>> -> memref<1x8x4096xf32, #tpu.memory_space<hbm>>
      %dma_start3A_484 = tpu.memref_squeeze %dma_start3A_483 : memref<1x8x4096xf32, #tpu.memory_space<hbm>> -> memref<8x4096xf32, #tpu.memory_space<hbm>>
      %dma_start3A_485 = arith.constant 0 : i32
      %dma_start3A_486 = arith.constant 0 : i32
      %dma_start3A_487 = tpu.memref_slice %arg7[%dma_start3A_474, %dma_start3A_485, %dma_start3A_486] : memref<2x8x4096xf32, #tpu.memory_space<vmem>> -> memref<1x8x4096xf32, #tpu.memory_space<vmem>>
      %dma_start3A_488 = tpu.memref_squeeze %dma_start3A_487 : memref<1x8x4096xf32, #tpu.memory_space<vmem>> -> memref<8x4096xf32, #tpu.memory_space<vmem>>
      tpu.enqueue_dma source(%dma_start3A_488 : memref<8x4096xf32, #tpu.memory_space<vmem>>) target(%dma_start3A_484 : memref<8x4096xf32, #tpu.memory_space<hbm>>) target_semaphore(%arg11 : memref<!tpu.dma_semaphore, #tpu.memory_space<semaphore_mem>>)
      %scan3A_489 = arith.constant 0 : i32
      scf.yield %scan3A_489 : i32
    }
    %scan3A_157 = arith.constant 23 : i32
    %add3A_158 = arith.constant 196 : i32
    %add3A_159 = arith.addi %select_n3A, %add3A_158 : i32
    %dma_start3A_160 = arith.constant 1 : i32
    %dma_start3A_161 = arith.constant 0 : i32
    %dma_start3A_162 = tpu.memref_slice %arg6[%dma_start3A_160, %dma_start3A_161] : memref<2x4096xi32, #tpu.memory_space<vmem>> -> memref<1x4096xi32, #tpu.memory_space<vmem>>
    %dma_start3A_163 = tpu.memref_squeeze %dma_start3A_162 : memref<1x4096xi32, #tpu.memory_space<vmem>> -> memref<4096xi32, #tpu.memory_space<vmem>>
    %dma_start3A_164 = arith.constant 0 : i32
    %dma_start3A_165 = tpu.memref_slice %arg2[%add3A_159, %dma_start3A_164] : memref<200x4096xi32, #tpu.memory_space<hbm>> -> memref<1x4096xi32, #tpu.memory_space<hbm>>
    %dma_start3A_166 = tpu.memref_squeeze %dma_start3A_165 : memref<1x4096xi32, #tpu.memory_space<hbm>> -> memref<4096xi32, #tpu.memory_space<hbm>>
    %dma_start3A_167 = arith.constant 0 : i32
    %dma_start3A_168 = tpu.memref_slice %arg6[%dma_start3A_160, %dma_start3A_167] : memref<2x4096xi32, #tpu.memory_space<vmem>> -> memref<1x4096xi32, #tpu.memory_space<vmem>>
    %dma_start3A_169 = tpu.memref_squeeze %dma_start3A_168 : memref<1x4096xi32, #tpu.memory_space<vmem>> -> memref<4096xi32, #tpu.memory_space<vmem>>
    %dma_start3A_170 = arith.constant 0 : i32
    %dma_start3A_171 = tpu.memref_slice %arg2[%add3A_159, %dma_start3A_170] : memref<200x4096xi32, #tpu.memory_space<hbm>> -> memref<1x4096xi32, #tpu.memory_space<hbm>>
    %dma_start3A_172 = tpu.memref_squeeze %dma_start3A_171 : memref<1x4096xi32, #tpu.memory_space<hbm>> -> memref<4096xi32, #tpu.memory_space<hbm>>
    tpu.enqueue_dma source(%dma_start3A_172 : memref<4096xi32, #tpu.memory_space<hbm>>) target(%dma_start3A_169 : memref<4096xi32, #tpu.memory_space<vmem>>) target_semaphore(%arg9 : memref<!tpu.dma_semaphore, #tpu.memory_space<semaphore_mem>>)
    %add3A_173 = arith.constant 192 : i32
    %add3A_174 = arith.addi %select_n3A, %add3A_173 : i32
    %dma_wait3A_175 = arith.constant 0 : i32
    %dma_wait3A_176 = arith.constant 0 : i32
    %dma_wait3A_177 = tpu.memref_slice %arg6[%dma_wait3A_175, %dma_wait3A_176] : memref<2x4096xi32, #tpu.memory_space<vmem>> -> memref<1x4096xi32, #tpu.memory_space<vmem>>
    %dma_wait3A_178 = tpu.memref_squeeze %dma_wait3A_177 : memref<1x4096xi32, #tpu.memory_space<vmem>> -> memref<4096xi32, #tpu.memory_space<vmem>>
    %dma_wait3A_179 = arith.constant 0 : i32
    %dma_wait3A_180 = tpu.memref_slice %arg2[%add3A_174, %dma_wait3A_179] : memref<200x4096xi32, #tpu.memory_space<hbm>> -> memref<1x4096xi32, #tpu.memory_space<hbm>>
    %dma_wait3A_181 = tpu.memref_squeeze %dma_wait3A_180 : memref<1x4096xi32, #tpu.memory_space<hbm>> -> memref<4096xi32, #tpu.memory_space<hbm>>
    %dma_wait3A_182 = arith.constant 0 : i32
    %dma_wait3A_183 = tpu.memref_slice %arg6[%dma_wait3A_175, %dma_wait3A_182] : memref<2x4096xi32, #tpu.memory_space<vmem>> -> memref<1x4096xi32, #tpu.memory_space<vmem>>
    %dma_wait3A_184 = tpu.memref_squeeze %dma_wait3A_183 : memref<1x4096xi32, #tpu.memory_space<vmem>> -> memref<4096xi32, #tpu.memory_space<vmem>>
    %dma_wait3A_185 = arith.constant 0 : i32
    %dma_wait3A_186 = tpu.memref_slice %arg2[%add3A_174, %dma_wait3A_185] : memref<200x4096xi32, #tpu.memory_space<hbm>> -> memref<1x4096xi32, #tpu.memory_space<hbm>>
    %dma_wait3A_187 = tpu.memref_squeeze %dma_wait3A_186 : memref<1x4096xi32, #tpu.memory_space<hbm>> -> memref<4096xi32, #tpu.memory_space<hbm>>
    tpu.wait_dma2 semaphore(%arg8 : memref<!tpu.dma_semaphore, #tpu.memory_space<semaphore_mem>>) src(%dma_wait3A_187 : memref<4096xi32, #tpu.memory_space<hbm>>) dst(%dma_wait3A_184 : memref<4096xi32, #tpu.memory_space<vmem>>)
    %add3A_188 = arith.constant 184 : i32
    %add3A_189 = arith.addi %select_n3A, %add3A_188 : i32
    %mul3A_190 = arith.constant 8 : i32
    %mul3A_191 = arith.muli %rem3A_1, %mul3A_190 : i32
    %dma_wait3A_192 = arith.constant 0 : i32
    %dma_wait3A_193 = arith.constant 0 : i32
    %dma_wait3A_194 = arith.constant 0 : i32
    %dma_wait3A_195 = tpu.memref_slice %arg7[%dma_wait3A_192, %dma_wait3A_193, %dma_wait3A_194] : memref<2x8x4096xf32, #tpu.memory_space<vmem>> -> memref<1x8x4096xf32, #tpu.memory_space<vmem>>
    %dma_wait3A_196 = tpu.memref_squeeze %dma_wait3A_195 : memref<1x8x4096xf32, #tpu.memory_space<vmem>> -> memref<8x4096xf32, #tpu.memory_space<vmem>>
    %dma_wait3A_197 = arith.constant 0 : i32
    %dma_wait3A_198 = tpu.memref_slice %arg4[%add3A_189, %mul3A_191, %dma_wait3A_197] : memref<200x64x4096xf32, #tpu.memory_space<hbm>> -> memref<1x8x4096xf32, #tpu.memory_space<hbm>>
    %dma_wait3A_199 = tpu.memref_squeeze %dma_wait3A_198 : memref<1x8x4096xf32, #tpu.memory_space<hbm>> -> memref<8x4096xf32, #tpu.memory_space<hbm>>
    %dma_wait3A_200 = arith.constant 0 : i32
    %dma_wait3A_201 = tpu.memref_slice %arg4[%add3A_189, %mul3A_191, %dma_wait3A_200] : memref<200x64x4096xf32, #tpu.memory_space<hbm>> -> memref<1x8x4096xf32, #tpu.memory_space<hbm>>
    %dma_wait3A_202 = tpu.memref_squeeze %dma_wait3A_201 : memref<1x8x4096xf32, #tpu.memory_space<hbm>> -> memref<8x4096xf32, #tpu.memory_space<hbm>>
    %dma_wait3A_203 = arith.constant 0 : i32
    %dma_wait3A_204 = arith.constant 0 : i32
    %dma_wait3A_205 = tpu.memref_slice %arg7[%dma_wait3A_192, %dma_wait3A_203, %dma_wait3A_204] : memref<2x8x4096xf32, #tpu.memory_space<vmem>> -> memref<1x8x4096xf32, #tpu.memory_space<vmem>>
    %dma_wait3A_206 = tpu.memref_squeeze %dma_wait3A_205 : memref<1x8x4096xf32, #tpu.memory_space<vmem>> -> memref<8x4096xf32, #tpu.memory_space<vmem>>
    tpu.wait_dma2 semaphore(%arg10 : memref<!tpu.dma_semaphore, #tpu.memory_space<semaphore_mem>>) src(%dma_wait3A_206 : memref<8x4096xf32, #tpu.memory_space<vmem>>) dst(%dma_wait3A_202 : memref<8x4096xf32, #tpu.memory_space<hbm>>)
    %parallel_loop3A_207 = arith.constant 0 : i32
    %parallel_loop3A_208 = arith.constant 256 : i32
    %parallel_loop3A_209 = arith.constant 1 : i32
    scf.for %parallel_loop3A_323 = %parallel_loop3A_207 to %parallel_loop3A_208 step %parallel_loop3A_209  : i32 {
      %parallel_loop3A_324 = arith.constant 16 : i32
      %parallel_loop3A_325 = arith.muli %parallel_loop3A_323, %parallel_loop3A_324 : i32
      %parallel_loop3A_326 = arith.constant 0 : i32
      %parallel_loop3A_327 = arith.index_cast %parallel_loop3A_326 : i32 to index
      %parallel_loop3A_328 = arith.index_cast %parallel_loop3A_325 : i32 to index
      %parallel_loop3A_329 = tpu.vector_load %arg6[%parallel_loop3A_327, %parallel_loop3A_328] {strides = array<i32>} : memref<2x4096xi32, #tpu.memory_space<vmem>>, vector<16xi32>,
      %parallel_loop3A_330 = tpu.vector_load_idx %arg5[%broadcast_in_dim3A_21, %parallel_loop3A_329] : memref<8x2048xf32, #tpu.memory_space<vmem>>[vector<16xi32>, vector<16xi32>], vector<16xf32>,
      %parallel_loop3A_331 = arith.constant 16 : i32
      %parallel_loop3A_332 = arith.muli %parallel_loop3A_323, %parallel_loop3A_331 : i32
      %parallel_loop3A_333 = arith.constant 0 : i32
      %parallel_loop3A_334 = arith.constant 0 : i32
      %parallel_loop3A_335 = arith.index_cast %parallel_loop3A_333 : i32 to index
      %parallel_loop3A_336 = arith.index_cast %parallel_loop3A_334 : i32 to index
      %parallel_loop3A_337 = arith.index_cast %parallel_loop3A_332 : i32 to index
      %parallel_loop3A_338 = tpu.vector_load %arg7[%parallel_loop3A_335, %parallel_loop3A_336, %parallel_loop3A_337] {strides = array<i32>} : memref<2x8x4096xf32, #tpu.memory_space<vmem>>, vector<16xf32>,
      tpu.vector_store %arg7[%parallel_loop3A_335, %parallel_loop3A_336, %parallel_loop3A_337], %parallel_loop3A_330 {strides = array<i32>} : memref<2x8x4096xf32, #tpu.memory_space<vmem>>, vector<16xf32>,
      %parallel_loop3A_339 = tpu.vector_load_idx %arg5[%broadcast_in_dim3A_23, %parallel_loop3A_329] : memref<8x2048xf32, #tpu.memory_space<vmem>>[vector<16xi32>, vector<16xi32>], vector<16xf32>,
      %parallel_loop3A_340 = arith.constant 16 : i32
      %parallel_loop3A_341 = arith.muli %parallel_loop3A_323, %parallel_loop3A_340 : i32
      %parallel_loop3A_342 = arith.constant 0 : i32
      %parallel_loop3A_343 = arith.constant 1 : i32
      %parallel_loop3A_344 = arith.index_cast %parallel_loop3A_342 : i32 to index
      %parallel_loop3A_345 = arith.index_cast %parallel_loop3A_343 : i32 to index
      %parallel_loop3A_346 = arith.index_cast %parallel_loop3A_341 : i32 to index
      %parallel_loop3A_347 = tpu.vector_load %arg7[%parallel_loop3A_344, %parallel_loop3A_345, %parallel_loop3A_346] {strides = array<i32>} : memref<2x8x4096xf32, #tpu.memory_space<vmem>>, vector<16xf32>,
      tpu.vector_store %arg7[%parallel_loop3A_344, %parallel_loop3A_345, %parallel_loop3A_346], %parallel_loop3A_339 {strides = array<i32>} : memref<2x8x4096xf32, #tpu.memory_space<vmem>>, vector<16xf32>,
      %parallel_loop3A_348 = tpu.vector_load_idx %arg5[%broadcast_in_dim3A_25, %parallel_loop3A_329] : memref<8x2048xf32, #tpu.memory_space<vmem>>[vector<16xi32>, vector<16xi32>], vector<16xf32>,
      %parallel_loop3A_349 = arith.constant 16 : i32
      %parallel_loop3A_350 = arith.muli %parallel_loop3A_323, %parallel_loop3A_349 : i32
      %parallel_loop3A_351 = arith.constant 0 : i32
      %parallel_loop3A_352 = arith.constant 2 : i32
      %parallel_loop3A_353 = arith.index_cast %parallel_loop3A_351 : i32 to index
      %parallel_loop3A_354 = arith.index_cast %parallel_loop3A_352 : i32 to index
      %parallel_loop3A_355 = arith.index_cast %parallel_loop3A_350 : i32 to index
      %parallel_loop3A_356 = tpu.vector_load %arg7[%parallel_loop3A_353, %parallel_loop3A_354, %parallel_loop3A_355] {strides = array<i32>} : memref<2x8x4096xf32, #tpu.memory_space<vmem>>, vector<16xf32>,
      tpu.vector_store %arg7[%parallel_loop3A_353, %parallel_loop3A_354, %parallel_loop3A_355], %parallel_loop3A_348 {strides = array<i32>} : memref<2x8x4096xf32, #tpu.memory_space<vmem>>, vector<16xf32>,
      %parallel_loop3A_357 = tpu.vector_load_idx %arg5[%broadcast_in_dim3A_27, %parallel_loop3A_329] : memref<8x2048xf32, #tpu.memory_space<vmem>>[vector<16xi32>, vector<16xi32>], vector<16xf32>,
      %parallel_loop3A_358 = arith.constant 16 : i32
      %parallel_loop3A_359 = arith.muli %parallel_loop3A_323, %parallel_loop3A_358 : i32
      %parallel_loop3A_360 = arith.constant 0 : i32
      %parallel_loop3A_361 = arith.constant 3 : i32
      %parallel_loop3A_362 = arith.index_cast %parallel_loop3A_360 : i32 to index
      %parallel_loop3A_363 = arith.index_cast %parallel_loop3A_361 : i32 to index
      %parallel_loop3A_364 = arith.index_cast %parallel_loop3A_359 : i32 to index
      %parallel_loop3A_365 = tpu.vector_load %arg7[%parallel_loop3A_362, %parallel_loop3A_363, %parallel_loop3A_364] {strides = array<i32>} : memref<2x8x4096xf32, #tpu.memory_space<vmem>>, vector<16xf32>,
      tpu.vector_store %arg7[%parallel_loop3A_362, %parallel_loop3A_363, %parallel_loop3A_364], %parallel_loop3A_357 {strides = array<i32>} : memref<2x8x4096xf32, #tpu.memory_space<vmem>>, vector<16xf32>,
      %parallel_loop3A_366 = tpu.vector_load_idx %arg5[%broadcast_in_dim3A_29, %parallel_loop3A_329] : memref<8x2048xf32, #tpu.memory_space<vmem>>[vector<16xi32>, vector<16xi32>], vector<16xf32>,
      %parallel_loop3A_367 = arith.constant 16 : i32
      %parallel_loop3A_368 = arith.muli %parallel_loop3A_323, %parallel_loop3A_367 : i32
      %parallel_loop3A_369 = arith.constant 0 : i32
      %parallel_loop3A_370 = arith.constant 4 : i32
      %parallel_loop3A_371 = arith.index_cast %parallel_loop3A_369 : i32 to index
      %parallel_loop3A_372 = arith.index_cast %parallel_loop3A_370 : i32 to index
      %parallel_loop3A_373 = arith.index_cast %parallel_loop3A_368 : i32 to index
      %parallel_loop3A_374 = tpu.vector_load %arg7[%parallel_loop3A_371, %parallel_loop3A_372, %parallel_loop3A_373] {strides = array<i32>} : memref<2x8x4096xf32, #tpu.memory_space<vmem>>, vector<16xf32>,
      tpu.vector_store %arg7[%parallel_loop3A_371, %parallel_loop3A_372, %parallel_loop3A_373], %parallel_loop3A_366 {strides = array<i32>} : memref<2x8x4096xf32, #tpu.memory_space<vmem>>, vector<16xf32>,
      %parallel_loop3A_375 = tpu.vector_load_idx %arg5[%broadcast_in_dim3A_31, %parallel_loop3A_329] : memref<8x2048xf32, #tpu.memory_space<vmem>>[vector<16xi32>, vector<16xi32>], vector<16xf32>,
      %parallel_loop3A_376 = arith.constant 16 : i32
      %parallel_loop3A_377 = arith.muli %parallel_loop3A_323, %parallel_loop3A_376 : i32
      %parallel_loop3A_378 = arith.constant 0 : i32
      %parallel_loop3A_379 = arith.constant 5 : i32
      %parallel_loop3A_380 = arith.index_cast %parallel_loop3A_378 : i32 to index
      %parallel_loop3A_381 = arith.index_cast %parallel_loop3A_379 : i32 to index
      %parallel_loop3A_382 = arith.index_cast %parallel_loop3A_377 : i32 to index
      %parallel_loop3A_383 = tpu.vector_load %arg7[%parallel_loop3A_380, %parallel_loop3A_381, %parallel_loop3A_382] {strides = array<i32>} : memref<2x8x4096xf32, #tpu.memory_space<vmem>>, vector<16xf32>,
      tpu.vector_store %arg7[%parallel_loop3A_380, %parallel_loop3A_381, %parallel_loop3A_382], %parallel_loop3A_375 {strides = array<i32>} : memref<2x8x4096xf32, #tpu.memory_space<vmem>>, vector<16xf32>,
      %parallel_loop3A_384 = tpu.vector_load_idx %arg5[%broadcast_in_dim3A_33, %parallel_loop3A_329] : memref<8x2048xf32, #tpu.memory_space<vmem>>[vector<16xi32>, vector<16xi32>], vector<16xf32>,
      %parallel_loop3A_385 = arith.constant 16 : i32
      %parallel_loop3A_386 = arith.muli %parallel_loop3A_323, %parallel_loop3A_385 : i32
      %parallel_loop3A_387 = arith.constant 0 : i32
      %parallel_loop3A_388 = arith.constant 6 : i32
      %parallel_loop3A_389 = arith.index_cast %parallel_loop3A_387 : i32 to index
      %parallel_loop3A_390 = arith.index_cast %parallel_loop3A_388 : i32 to index
      %parallel_loop3A_391 = arith.index_cast %parallel_loop3A_386 : i32 to index
      %parallel_loop3A_392 = tpu.vector_load %arg7[%parallel_loop3A_389, %parallel_loop3A_390, %parallel_loop3A_391] {strides = array<i32>} : memref<2x8x4096xf32, #tpu.memory_space<vmem>>, vector<16xf32>,
      tpu.vector_store %arg7[%parallel_loop3A_389, %parallel_loop3A_390, %parallel_loop3A_391], %parallel_loop3A_384 {strides = array<i32>} : memref<2x8x4096xf32, #tpu.memory_space<vmem>>, vector<16xf32>,
      %parallel_loop3A_393 = tpu.vector_load_idx %arg5[%broadcast_in_dim3A_35, %parallel_loop3A_329] : memref<8x2048xf32, #tpu.memory_space<vmem>>[vector<16xi32>, vector<16xi32>], vector<16xf32>,
      %parallel_loop3A_394 = arith.constant 16 : i32
      %parallel_loop3A_395 = arith.muli %parallel_loop3A_323, %parallel_loop3A_394 : i32
      %parallel_loop3A_396 = arith.constant 0 : i32
      %parallel_loop3A_397 = arith.constant 7 : i32
      %parallel_loop3A_398 = arith.index_cast %parallel_loop3A_396 : i32 to index
      %parallel_loop3A_399 = arith.index_cast %parallel_loop3A_397 : i32 to index
      %parallel_loop3A_400 = arith.index_cast %parallel_loop3A_395 : i32 to index
      %parallel_loop3A_401 = tpu.vector_load %arg7[%parallel_loop3A_398, %parallel_loop3A_399, %parallel_loop3A_400] {strides = array<i32>} : memref<2x8x4096xf32, #tpu.memory_space<vmem>>, vector<16xf32>,
      tpu.vector_store %arg7[%parallel_loop3A_398, %parallel_loop3A_399, %parallel_loop3A_400], %parallel_loop3A_393 {strides = array<i32>} : memref<2x8x4096xf32, #tpu.memory_space<vmem>>, vector<16xf32>,
    } {sc.loop_unroll_factor = 8 : i64, sc.parallel_access}
    %add3A_210 = arith.constant 192 : i32
    %add3A_211 = arith.addi %select_n3A, %add3A_210 : i32
    %mul3A_212 = arith.constant 8 : i32
    %mul3A_213 = arith.muli %rem3A_1, %mul3A_212 : i32
    %dma_start3A_214 = arith.constant 0 : i32
    %dma_start3A_215 = arith.constant 0 : i32
    %dma_start3A_216 = arith.constant 0 : i32
    %dma_start3A_217 = tpu.memref_slice %arg7[%dma_start3A_214, %dma_start3A_215, %dma_start3A_216] : memref<2x8x4096xf32, #tpu.memory_space<vmem>> -> memref<1x8x4096xf32, #tpu.memory_space<vmem>>
    %dma_start3A_218 = tpu.memref_squeeze %dma_start3A_217 : memref<1x8x4096xf32, #tpu.memory_space<vmem>> -> memref<8x4096xf32, #tpu.memory_space<vmem>>
    %dma_start3A_219 = arith.constant 0 : i32
    %dma_start3A_220 = tpu.memref_slice %arg4[%add3A_211, %mul3A_213, %dma_start3A_219] : memref<200x64x4096xf32, #tpu.memory_space<hbm>> -> memref<1x8x4096xf32, #tpu.memory_space<hbm>>
    %dma_start3A_221 = tpu.memref_squeeze %dma_start3A_220 : memref<1x8x4096xf32, #tpu.memory_space<hbm>> -> memref<8x4096xf32, #tpu.memory_space<hbm>>
    %dma_start3A_222 = arith.constant 0 : i32
    %dma_start3A_223 = tpu.memref_slice %arg4[%add3A_211, %mul3A_213, %dma_start3A_222] : memref<200x64x4096xf32, #tpu.memory_space<hbm>> -> memref<1x8x4096xf32, #tpu.memory_space<hbm>>
    %dma_start3A_224 = tpu.memref_squeeze %dma_start3A_223 : memref<1x8x4096xf32, #tpu.memory_space<hbm>> -> memref<8x4096xf32, #tpu.memory_space<hbm>>
    %dma_start3A_225 = arith.constant 0 : i32
    %dma_start3A_226 = arith.constant 0 : i32
    %dma_start3A_227 = tpu.memref_slice %arg7[%dma_start3A_214, %dma_start3A_225, %dma_start3A_226] : memref<2x8x4096xf32, #tpu.memory_space<vmem>> -> memref<1x8x4096xf32, #tpu.memory_space<vmem>>
    %dma_start3A_228 = tpu.memref_squeeze %dma_start3A_227 : memref<1x8x4096xf32, #tpu.memory_space<vmem>> -> memref<8x4096xf32, #tpu.memory_space<vmem>>
    tpu.enqueue_dma source(%dma_start3A_228 : memref<8x4096xf32, #tpu.memory_space<vmem>>) target(%dma_start3A_224 : memref<8x4096xf32, #tpu.memory_space<hbm>>) target_semaphore(%arg10 : memref<!tpu.dma_semaphore, #tpu.memory_space<semaphore_mem>>)
    %add3A_229 = arith.constant 196 : i32
    %add3A_230 = arith.addi %select_n3A, %add3A_229 : i32
    %dma_wait3A_231 = arith.constant 1 : i32
    %dma_wait3A_232 = arith.constant 0 : i32
    %dma_wait3A_233 = tpu.memref_slice %arg6[%dma_wait3A_231, %dma_wait3A_232] : memref<2x4096xi32, #tpu.memory_space<vmem>> -> memref<1x4096xi32, #tpu.memory_space<vmem>>
    %dma_wait3A_234 = tpu.memref_squeeze %dma_wait3A_233 : memref<1x4096xi32, #tpu.memory_space<vmem>> -> memref<4096xi32, #tpu.memory_space<vmem>>
    %dma_wait3A_235 = arith.constant 0 : i32
    %dma_wait3A_236 = tpu.memref_slice %arg2[%add3A_230, %dma_wait3A_235] : memref<200x4096xi32, #tpu.memory_space<hbm>> -> memref<1x4096xi32, #tpu.memory_space<hbm>>
    %dma_wait3A_237 = tpu.memref_squeeze %dma_wait3A_236 : memref<1x4096xi32, #tpu.memory_space<hbm>> -> memref<4096xi32, #tpu.memory_space<hbm>>
    %dma_wait3A_238 = arith.constant 0 : i32
    %dma_wait3A_239 = tpu.memref_slice %arg6[%dma_wait3A_231, %dma_wait3A_238] : memref<2x4096xi32, #tpu.memory_space<vmem>> -> memref<1x4096xi32, #tpu.memory_space<vmem>>
    %dma_wait3A_240 = tpu.memref_squeeze %dma_wait3A_239 : memref<1x4096xi32, #tpu.memory_space<vmem>> -> memref<4096xi32, #tpu.memory_space<vmem>>
    %dma_wait3A_241 = arith.constant 0 : i32
    %dma_wait3A_242 = tpu.memref_slice %arg2[%add3A_230, %dma_wait3A_241] : memref<200x4096xi32, #tpu.memory_space<hbm>> -> memref<1x4096xi32, #tpu.memory_space<hbm>>
    %dma_wait3A_243 = tpu.memref_squeeze %dma_wait3A_242 : memref<1x4096xi32, #tpu.memory_space<hbm>> -> memref<4096xi32, #tpu.memory_space<hbm>>
    tpu.wait_dma2 semaphore(%arg9 : memref<!tpu.dma_semaphore, #tpu.memory_space<semaphore_mem>>) src(%dma_wait3A_243 : memref<4096xi32, #tpu.memory_space<hbm>>) dst(%dma_wait3A_240 : memref<4096xi32, #tpu.memory_space<vmem>>)
    %add3A_244 = arith.constant 188 : i32
    %add3A_245 = arith.addi %select_n3A, %add3A_244 : i32
    %mul3A_246 = arith.constant 8 : i32
    %mul3A_247 = arith.muli %rem3A_1, %mul3A_246 : i32
    %dma_wait3A_248 = arith.constant 1 : i32
    %dma_wait3A_249 = arith.constant 0 : i32
    %dma_wait3A_250 = arith.constant 0 : i32
    %dma_wait3A_251 = tpu.memref_slice %arg7[%dma_wait3A_248, %dma_wait3A_249, %dma_wait3A_250] : memref<2x8x4096xf32, #tpu.memory_space<vmem>> -> memref<1x8x4096xf32, #tpu.memory_space<vmem>>
    %dma_wait3A_252 = tpu.memref_squeeze %dma_wait3A_251 : memref<1x8x4096xf32, #tpu.memory_space<vmem>> -> memref<8x4096xf32, #tpu.memory_space<vmem>>
    %dma_wait3A_253 = arith.constant 0 : i32
    %dma_wait3A_254 = tpu.memref_slice %arg4[%add3A_245, %mul3A_247, %dma_wait3A_253] : memref<200x64x4096xf32, #tpu.memory_space<hbm>> -> memref<1x8x4096xf32, #tpu.memory_space<hbm>>
    %dma_wait3A_255 = tpu.memref_squeeze %dma_wait3A_254 : memref<1x8x4096xf32, #tpu.memory_space<hbm>> -> memref<8x4096xf32, #tpu.memory_space<hbm>>
    %dma_wait3A_256 = arith.constant 0 : i32
    %dma_wait3A_257 = tpu.memref_slice %arg4[%add3A_245, %mul3A_247, %dma_wait3A_256] : memref<200x64x4096xf32, #tpu.memory_space<hbm>> -> memref<1x8x4096xf32, #tpu.memory_space<hbm>>
    %dma_wait3A_258 = tpu.memref_squeeze %dma_wait3A_257 : memref<1x8x4096xf32, #tpu.memory_space<hbm>> -> memref<8x4096xf32, #tpu.memory_space<hbm>>
    %dma_wait3A_259 = arith.constant 0 : i32
    %dma_wait3A_260 = arith.constant 0 : i32
    %dma_wait3A_261 = tpu.memref_slice %arg7[%dma_wait3A_248, %dma_wait3A_259, %dma_wait3A_260] : memref<2x8x4096xf32, #tpu.memory_space<vmem>> -> memref<1x8x4096xf32, #tpu.memory_space<vmem>>
    %dma_wait3A_262 = tpu.memref_squeeze %dma_wait3A_261 : memref<1x8x4096xf32, #tpu.memory_space<vmem>> -> memref<8x4096xf32, #tpu.memory_space<vmem>>
    tpu.wait_dma2 semaphore(%arg11 : memref<!tpu.dma_semaphore, #tpu.memory_space<semaphore_mem>>) src(%dma_wait3A_262 : memref<8x4096xf32, #tpu.memory_space<vmem>>) dst(%dma_wait3A_258 : memref<8x4096xf32, #tpu.memory_space<hbm>>)
    %parallel_loop3A_263 = arith.constant 0 : i32
    %parallel_loop3A_264 = arith.constant 256 : i32
    %parallel_loop3A_265 = arith.constant 1 : i32
    scf.for %parallel_loop3A_323 = %parallel_loop3A_263 to %parallel_loop3A_264 step %parallel_loop3A_265  : i32 {
      %parallel_loop3A_324 = arith.constant 16 : i32
      %parallel_loop3A_325 = arith.muli %parallel_loop3A_323, %parallel_loop3A_324 : i32
      %parallel_loop3A_326 = arith.constant 1 : i32
      %parallel_loop3A_327 = arith.index_cast %parallel_loop3A_326 : i32 to index
      %parallel_loop3A_328 = arith.index_cast %parallel_loop3A_325 : i32 to index
      %parallel_loop3A_329 = tpu.vector_load %arg6[%parallel_loop3A_327, %parallel_loop3A_328] {strides = array<i32>} : memref<2x4096xi32, #tpu.memory_space<vmem>>, vector<16xi32>,
      %parallel_loop3A_330 = tpu.vector_load_idx %arg5[%broadcast_in_dim3A_21, %parallel_loop3A_329] : memref<8x2048xf32, #tpu.memory_space<vmem>>[vector<16xi32>, vector<16xi32>], vector<16xf32>,
      %parallel_loop3A_331 = arith.constant 16 : i32
      %parallel_loop3A_332 = arith.muli %parallel_loop3A_323, %parallel_loop3A_331 : i32
      %parallel_loop3A_333 = arith.constant 1 : i32
      %parallel_loop3A_334 = arith.constant 0 : i32
      %parallel_loop3A_335 = arith.index_cast %parallel_loop3A_333 : i32 to index
      %parallel_loop3A_336 = arith.index_cast %parallel_loop3A_334 : i32 to index
      %parallel_loop3A_337 = arith.index_cast %parallel_loop3A_332 : i32 to index
      %parallel_loop3A_338 = tpu.vector_load %arg7[%parallel_loop3A_335, %parallel_loop3A_336, %parallel_loop3A_337] {strides = array<i32>} : memref<2x8x4096xf32, #tpu.memory_space<vmem>>, vector<16xf32>,
      tpu.vector_store %arg7[%parallel_loop3A_335, %parallel_loop3A_336, %parallel_loop3A_337], %parallel_loop3A_330 {strides = array<i32>} : memref<2x8x4096xf32, #tpu.memory_space<vmem>>, vector<16xf32>,
      %parallel_loop3A_339 = tpu.vector_load_idx %arg5[%broadcast_in_dim3A_23, %parallel_loop3A_329] : memref<8x2048xf32, #tpu.memory_space<vmem>>[vector<16xi32>, vector<16xi32>], vector<16xf32>,
      %parallel_loop3A_340 = arith.constant 16 : i32
      %parallel_loop3A_341 = arith.muli %parallel_loop3A_323, %parallel_loop3A_340 : i32
      %parallel_loop3A_342 = arith.constant 1 : i32
      %parallel_loop3A_343 = arith.constant 1 : i32
      %parallel_loop3A_344 = arith.index_cast %parallel_loop3A_342 : i32 to index
      %parallel_loop3A_345 = arith.index_cast %parallel_loop3A_343 : i32 to index
      %parallel_loop3A_346 = arith.index_cast %parallel_loop3A_341 : i32 to index
      %parallel_loop3A_347 = tpu.vector_load %arg7[%parallel_loop3A_344, %parallel_loop3A_345, %parallel_loop3A_346] {strides = array<i32>} : memref<2x8x4096xf32, #tpu.memory_space<vmem>>, vector<16xf32>,
      tpu.vector_store %arg7[%parallel_loop3A_344, %parallel_loop3A_345, %parallel_loop3A_346], %parallel_loop3A_339 {strides = array<i32>} : memref<2x8x4096xf32, #tpu.memory_space<vmem>>, vector<16xf32>,
      %parallel_loop3A_348 = tpu.vector_load_idx %arg5[%broadcast_in_dim3A_25, %parallel_loop3A_329] : memref<8x2048xf32, #tpu.memory_space<vmem>>[vector<16xi32>, vector<16xi32>], vector<16xf32>,
      %parallel_loop3A_349 = arith.constant 16 : i32
      %parallel_loop3A_350 = arith.muli %parallel_loop3A_323, %parallel_loop3A_349 : i32
      %parallel_loop3A_351 = arith.constant 1 : i32
      %parallel_loop3A_352 = arith.constant 2 : i32
      %parallel_loop3A_353 = arith.index_cast %parallel_loop3A_351 : i32 to index
      %parallel_loop3A_354 = arith.index_cast %parallel_loop3A_352 : i32 to index
      %parallel_loop3A_355 = arith.index_cast %parallel_loop3A_350 : i32 to index
      %parallel_loop3A_356 = tpu.vector_load %arg7[%parallel_loop3A_353, %parallel_loop3A_354, %parallel_loop3A_355] {strides = array<i32>} : memref<2x8x4096xf32, #tpu.memory_space<vmem>>, vector<16xf32>,
      tpu.vector_store %arg7[%parallel_loop3A_353, %parallel_loop3A_354, %parallel_loop3A_355], %parallel_loop3A_348 {strides = array<i32>} : memref<2x8x4096xf32, #tpu.memory_space<vmem>>, vector<16xf32>,
      %parallel_loop3A_357 = tpu.vector_load_idx %arg5[%broadcast_in_dim3A_27, %parallel_loop3A_329] : memref<8x2048xf32, #tpu.memory_space<vmem>>[vector<16xi32>, vector<16xi32>], vector<16xf32>,
      %parallel_loop3A_358 = arith.constant 16 : i32
      %parallel_loop3A_359 = arith.muli %parallel_loop3A_323, %parallel_loop3A_358 : i32
      %parallel_loop3A_360 = arith.constant 1 : i32
      %parallel_loop3A_361 = arith.constant 3 : i32
      %parallel_loop3A_362 = arith.index_cast %parallel_loop3A_360 : i32 to index
      %parallel_loop3A_363 = arith.index_cast %parallel_loop3A_361 : i32 to index
      %parallel_loop3A_364 = arith.index_cast %parallel_loop3A_359 : i32 to index
      %parallel_loop3A_365 = tpu.vector_load %arg7[%parallel_loop3A_362, %parallel_loop3A_363, %parallel_loop3A_364] {strides = array<i32>} : memref<2x8x4096xf32, #tpu.memory_space<vmem>>, vector<16xf32>,
      tpu.vector_store %arg7[%parallel_loop3A_362, %parallel_loop3A_363, %parallel_loop3A_364], %parallel_loop3A_357 {strides = array<i32>} : memref<2x8x4096xf32, #tpu.memory_space<vmem>>, vector<16xf32>,
      %parallel_loop3A_366 = tpu.vector_load_idx %arg5[%broadcast_in_dim3A_29, %parallel_loop3A_329] : memref<8x2048xf32, #tpu.memory_space<vmem>>[vector<16xi32>, vector<16xi32>], vector<16xf32>,
      %parallel_loop3A_367 = arith.constant 16 : i32
      %parallel_loop3A_368 = arith.muli %parallel_loop3A_323, %parallel_loop3A_367 : i32
      %parallel_loop3A_369 = arith.constant 1 : i32
      %parallel_loop3A_370 = arith.constant 4 : i32
      %parallel_loop3A_371 = arith.index_cast %parallel_loop3A_369 : i32 to index
      %parallel_loop3A_372 = arith.index_cast %parallel_loop3A_370 : i32 to index
      %parallel_loop3A_373 = arith.index_cast %parallel_loop3A_368 : i32 to index
      %parallel_loop3A_374 = tpu.vector_load %arg7[%parallel_loop3A_371, %parallel_loop3A_372, %parallel_loop3A_373] {strides = array<i32>} : memref<2x8x4096xf32, #tpu.memory_space<vmem>>, vector<16xf32>,
      tpu.vector_store %arg7[%parallel_loop3A_371, %parallel_loop3A_372, %parallel_loop3A_373], %parallel_loop3A_366 {strides = array<i32>} : memref<2x8x4096xf32, #tpu.memory_space<vmem>>, vector<16xf32>,
      %parallel_loop3A_375 = tpu.vector_load_idx %arg5[%broadcast_in_dim3A_31, %parallel_loop3A_329] : memref<8x2048xf32, #tpu.memory_space<vmem>>[vector<16xi32>, vector<16xi32>], vector<16xf32>,
      %parallel_loop3A_376 = arith.constant 16 : i32
      %parallel_loop3A_377 = arith.muli %parallel_loop3A_323, %parallel_loop3A_376 : i32
      %parallel_loop3A_378 = arith.constant 1 : i32
      %parallel_loop3A_379 = arith.constant 5 : i32
      %parallel_loop3A_380 = arith.index_cast %parallel_loop3A_378 : i32 to index
      %parallel_loop3A_381 = arith.index_cast %parallel_loop3A_379 : i32 to index
      %parallel_loop3A_382 = arith.index_cast %parallel_loop3A_377 : i32 to index
      %parallel_loop3A_383 = tpu.vector_load %arg7[%parallel_loop3A_380, %parallel_loop3A_381, %parallel_loop3A_382] {strides = array<i32>} : memref<2x8x4096xf32, #tpu.memory_space<vmem>>, vector<16xf32>,
      tpu.vector_store %arg7[%parallel_loop3A_380, %parallel_loop3A_381, %parallel_loop3A_382], %parallel_loop3A_375 {strides = array<i32>} : memref<2x8x4096xf32, #tpu.memory_space<vmem>>, vector<16xf32>,
      %parallel_loop3A_384 = tpu.vector_load_idx %arg5[%broadcast_in_dim3A_33, %parallel_loop3A_329] : memref<8x2048xf32, #tpu.memory_space<vmem>>[vector<16xi32>, vector<16xi32>], vector<16xf32>,
      %parallel_loop3A_385 = arith.constant 16 : i32
      %parallel_loop3A_386 = arith.muli %parallel_loop3A_323, %parallel_loop3A_385 : i32
      %parallel_loop3A_387 = arith.constant 1 : i32
      %parallel_loop3A_388 = arith.constant 6 : i32
      %parallel_loop3A_389 = arith.index_cast %parallel_loop3A_387 : i32 to index
      %parallel_loop3A_390 = arith.index_cast %parallel_loop3A_388 : i32 to index
      %parallel_loop3A_391 = arith.index_cast %parallel_loop3A_386 : i32 to index
      %parallel_loop3A_392 = tpu.vector_load %arg7[%parallel_loop3A_389, %parallel_loop3A_390, %parallel_loop3A_391] {strides = array<i32>} : memref<2x8x4096xf32, #tpu.memory_space<vmem>>, vector<16xf32>,
      tpu.vector_store %arg7[%parallel_loop3A_389, %parallel_loop3A_390, %parallel_loop3A_391], %parallel_loop3A_384 {strides = array<i32>} : memref<2x8x4096xf32, #tpu.memory_space<vmem>>, vector<16xf32>,
      %parallel_loop3A_393 = tpu.vector_load_idx %arg5[%broadcast_in_dim3A_35, %parallel_loop3A_329] : memref<8x2048xf32, #tpu.memory_space<vmem>>[vector<16xi32>, vector<16xi32>], vector<16xf32>,
      %parallel_loop3A_394 = arith.constant 16 : i32
      %parallel_loop3A_395 = arith.muli %parallel_loop3A_323, %parallel_loop3A_394 : i32
      %parallel_loop3A_396 = arith.constant 1 : i32
      %parallel_loop3A_397 = arith.constant 7 : i32
      %parallel_loop3A_398 = arith.index_cast %parallel_loop3A_396 : i32 to index
      %parallel_loop3A_399 = arith.index_cast %parallel_loop3A_397 : i32 to index
      %parallel_loop3A_400 = arith.index_cast %parallel_loop3A_395 : i32 to index
      %parallel_loop3A_401 = tpu.vector_load %arg7[%parallel_loop3A_398, %parallel_loop3A_399, %parallel_loop3A_400] {strides = array<i32>} : memref<2x8x4096xf32, #tpu.memory_space<vmem>>, vector<16xf32>,
      tpu.vector_store %arg7[%parallel_loop3A_398, %parallel_loop3A_399, %parallel_loop3A_400], %parallel_loop3A_393 {strides = array<i32>} : memref<2x8x4096xf32, #tpu.memory_space<vmem>>, vector<16xf32>,
    } {sc.loop_unroll_factor = 8 : i64, sc.parallel_access}
    %add3A_266 = arith.constant 196 : i32
    %add3A_267 = arith.addi %select_n3A, %add3A_266 : i32
    %mul3A_268 = arith.constant 8 : i32
    %mul3A_269 = arith.muli %rem3A_1, %mul3A_268 : i32
    %dma_start3A_270 = arith.constant 1 : i32
    %dma_start3A_271 = arith.constant 0 : i32
    %dma_start3A_272 = arith.constant 0 : i32
    %dma_start3A_273 = tpu.memref_slice %arg7[%dma_start3A_270, %dma_start3A_271, %dma_start3A_272] : memref<2x8x4096xf32, #tpu.memory_space<vmem>> -> memref<1x8x4096xf32, #tpu.memory_space<vmem>>
    %dma_start3A_274 = tpu.memref_squeeze %dma_start3A_273 : memref<1x8x4096xf32, #tpu.memory_space<vmem>> -> memref<8x4096xf32, #tpu.memory_space<vmem>>
    %dma_start3A_275 = arith.constant 0 : i32
    %dma_start3A_276 = tpu.memref_slice %arg4[%add3A_267, %mul3A_269, %dma_start3A_275] : memref<200x64x4096xf32, #tpu.memory_space<hbm>> -> memref<1x8x4096xf32, #tpu.memory_space<hbm>>
    %dma_start3A_277 = tpu.memref_squeeze %dma_start3A_276 : memref<1x8x4096xf32, #tpu.memory_space<hbm>> -> memref<8x4096xf32, #tpu.memory_space<hbm>>
    %dma_start3A_278 = arith.constant 0 : i32
    %dma_start3A_279 = tpu.memref_slice %arg4[%add3A_267, %mul3A_269, %dma_start3A_278] : memref<200x64x4096xf32, #tpu.memory_space<hbm>> -> memref<1x8x4096xf32, #tpu.memory_space<hbm>>
    %dma_start3A_280 = tpu.memref_squeeze %dma_start3A_279 : memref<1x8x4096xf32, #tpu.memory_space<hbm>> -> memref<8x4096xf32, #tpu.memory_space<hbm>>
    %dma_start3A_281 = arith.constant 0 : i32
    %dma_start3A_282 = arith.constant 0 : i32
    %dma_start3A_283 = tpu.memref_slice %arg7[%dma_start3A_270, %dma_start3A_281, %dma_start3A_282] : memref<2x8x4096xf32, #tpu.memory_space<vmem>> -> memref<1x8x4096xf32, #tpu.memory_space<vmem>>
    %dma_start3A_284 = tpu.memref_squeeze %dma_start3A_283 : memref<1x8x4096xf32, #tpu.memory_space<vmem>> -> memref<8x4096xf32, #tpu.memory_space<vmem>>
    tpu.enqueue_dma source(%dma_start3A_284 : memref<8x4096xf32, #tpu.memory_space<vmem>>) target(%dma_start3A_280 : memref<8x4096xf32, #tpu.memory_space<hbm>>) target_semaphore(%arg11 : memref<!tpu.dma_semaphore, #tpu.memory_space<semaphore_mem>>)
    %add3A_285 = arith.constant 192 : i32
    %add3A_286 = arith.addi %select_n3A, %add3A_285 : i32
    %mul3A_287 = arith.constant 8 : i32
    %mul3A_288 = arith.muli %rem3A_1, %mul3A_287 : i32
    %dma_wait3A_289 = arith.constant 0 : i32
    %dma_wait3A_290 = arith.constant 0 : i32
    %dma_wait3A_291 = arith.constant 0 : i32
    %dma_wait3A_292 = tpu.memref_slice %arg7[%dma_wait3A_289, %dma_wait3A_290, %dma_wait3A_291] : memref<2x8x4096xf32, #tpu.memory_space<vmem>> -> memref<1x8x4096xf32, #tpu.memory_space<vmem>>
    %dma_wait3A_293 = tpu.memref_squeeze %dma_wait3A_292 : memref<1x8x4096xf32, #tpu.memory_space<vmem>> -> memref<8x4096xf32, #tpu.memory_space<vmem>>
    %dma_wait3A_294 = arith.constant 0 : i32
    %dma_wait3A_295 = tpu.memref_slice %arg4[%add3A_286, %mul3A_288, %dma_wait3A_294] : memref<200x64x4096xf32, #tpu.memory_space<hbm>> -> memref<1x8x4096xf32, #tpu.memory_space<hbm>>
    %dma_wait3A_296 = tpu.memref_squeeze %dma_wait3A_295 : memref<1x8x4096xf32, #tpu.memory_space<hbm>> -> memref<8x4096xf32, #tpu.memory_space<hbm>>
    %dma_wait3A_297 = arith.constant 0 : i32
    %dma_wait3A_298 = tpu.memref_slice %arg4[%add3A_286, %mul3A_288, %dma_wait3A_297] : memref<200x64x4096xf32, #tpu.memory_space<hbm>> -> memref<1x8x4096xf32, #tpu.memory_space<hbm>>
    %dma_wait3A_299 = tpu.memref_squeeze %dma_wait3A_298 : memref<1x8x4096xf32, #tpu.memory_space<hbm>> -> memref<8x4096xf32, #tpu.memory_space<hbm>>
    %dma_wait3A_300 = arith.constant 0 : i32
    %dma_wait3A_301 = arith.constant 0 : i32
    %dma_wait3A_302 = tpu.memref_slice %arg7[%dma_wait3A_289, %dma_wait3A_300, %dma_wait3A_301] : memref<2x8x4096xf32, #tpu.memory_space<vmem>> -> memref<1x8x4096xf32, #tpu.memory_space<vmem>>
    %dma_wait3A_303 = tpu.memref_squeeze %dma_wait3A_302 : memref<1x8x4096xf32, #tpu.memory_space<vmem>> -> memref<8x4096xf32, #tpu.memory_space<vmem>>
    tpu.wait_dma2 semaphore(%arg10 : memref<!tpu.dma_semaphore, #tpu.memory_space<semaphore_mem>>) src(%dma_wait3A_303 : memref<8x4096xf32, #tpu.memory_space<vmem>>) dst(%dma_wait3A_299 : memref<8x4096xf32, #tpu.memory_space<hbm>>)
    %add3A_304 = arith.constant 196 : i32
    %add3A_305 = arith.addi %select_n3A, %add3A_304 : i32
    %mul3A_306 = arith.constant 8 : i32
    %mul3A_307 = arith.muli %rem3A_1, %mul3A_306 : i32
    %dma_wait3A_308 = arith.constant 1 : i32
    %dma_wait3A_309 = arith.constant 0 : i32
    %dma_wait3A_310 = arith.constant 0 : i32
    %dma_wait3A_311 = tpu.memref_slice %arg7[%dma_wait3A_308, %dma_wait3A_309, %dma_wait3A_310] : memref<2x8x4096xf32, #tpu.memory_space<vmem>> -> memref<1x8x4096xf32, #tpu.memory_space<vmem>>
    %dma_wait3A_312 = tpu.memref_squeeze %dma_wait3A_311 : memref<1x8x4096xf32, #tpu.memory_space<vmem>> -> memref<8x4096xf32, #tpu.memory_space<vmem>>
    %dma_wait3A_313 = arith.constant 0 : i32
    %dma_wait3A_314 = tpu.memref_slice %arg4[%add3A_305, %mul3A_307, %dma_wait3A_313] : memref<200x64x4096xf32, #tpu.memory_space<hbm>> -> memref<1x8x4096xf32, #tpu.memory_space<hbm>>
    %dma_wait3A_315 = tpu.memref_squeeze %dma_wait3A_314 : memref<1x8x4096xf32, #tpu.memory_space<hbm>> -> memref<8x4096xf32, #tpu.memory_space<hbm>>
    %dma_wait3A_316 = arith.constant 0 : i32
    %dma_wait3A_317 = tpu.memref_slice %arg4[%add3A_305, %mul3A_307, %dma_wait3A_316] : memref<200x64x4096xf32, #tpu.memory_space<hbm>> -> memref<1x8x4096xf32, #tpu.memory_space<hbm>>
    %dma_wait3A_318 = tpu.memref_squeeze %dma_wait3A_317 : memref<1x8x4096xf32, #tpu.memory_space<hbm>> -> memref<8x4096xf32, #tpu.memory_space<hbm>>
    %dma_wait3A_319 = arith.constant 0 : i32
    %dma_wait3A_320 = arith.constant 0 : i32
    %dma_wait3A_321 = tpu.memref_slice %arg7[%dma_wait3A_308, %dma_wait3A_319, %dma_wait3A_320] : memref<2x8x4096xf32, #tpu.memory_space<vmem>> -> memref<1x8x4096xf32, #tpu.memory_space<vmem>>
    %dma_wait3A_322 = tpu.memref_squeeze %dma_wait3A_321 : memref<1x8x4096xf32, #tpu.memory_space<vmem>> -> memref<8x4096xf32, #tpu.memory_space<vmem>>
    tpu.wait_dma2 semaphore(%arg11 : memref<!tpu.dma_semaphore, #tpu.memory_space<semaphore_mem>>) src(%dma_wait3A_322 : memref<8x4096xf32, #tpu.memory_space<vmem>>) dst(%dma_wait3A_318 : memref<8x4096xf32, #tpu.memory_space<hbm>>)
    return
  }
}

</mosaic_0001>

<sc_bundles>
// kernel: _sc_gather.3.cloned.1.call-start
scs
__scs_entry_jumppad:
0x0: {  	(pc) =	sbr.rel $0x88, $3  }
0x1: {  	(tag) =	ssettag $0x0;
	lr =	simm.s32 $0x1  }
0x2: {  	[smem:$0x3F9F] =	sst lr;
	_ =	strace $0xD0000000  }
0x3: {  	_ = 	snop  }
0x4: {  	_ = 	snop  }
0x5: {  	_ = 	snop  }
0x6: {  	_ = 	snop  }
0x7: {  	_ = 	snop  }
__scs_overlays_trampoline_lowered:
0x8: {  	[smem:$0x3FAE] =	sst s0  }
0x9: {  	[smem:$0x3FAF] =	sst s1  }
0xa: {  	[smem:$0x3FB0] =	sst s2  }
0xb: {  	[smem:$0x3FB1] =	sst s3  }
0xc: {  	[smem:$0x3FB2] =	sst s4  }
0xd: {  	[smem:$0x3FB3] =	sst s5  }
0xe: {  	[smem:$0x3FB4] =	sst s6  }
0xf: {  	[smem:$0x3FB5] =	sst s7  }
0x10: {  	[smem:$0x3FB6] =	sst s8  }
0x11: {  	[smem:$0x3FB7] =	sst s9;
	s0 =	simm.s32 @!p0 $0x0  }
0x12: {  	s1 =	sld [smem:$0x3F9D];
	s0 =	simm.s32 @p0 $0x1  }
0x13: {  	[smem:$0x3FB8] =	sst s0;
	s0 =	simm.s32 @!p1 $0x0  }
0x14: {  	s2 =	sld [smem:$0x3F9C];
	s0 =	simm.s32 @p1 $0x1  }
0x15: {  	[smem:$0x3FB9] =	sst s0;
	s0 =	simm.s32 @!p2 $0x0  }
0x16: {  	s3 =	sld [smem:$0x3FDB];
	s0 =	simm.s32 @p2 $0x1  }
0x17: {  	s4 =	simm.s32 $0x1BF5;
	[smem:$0x3FBB] =	sst s0  }
0x18: {  	s0 =	sld [smem:$0x3F9E];
	_ =	swait.ge [sflag:s4], $0x0  }
0x19: {  	s7 =	sld [smem:$0x3F9F]  }
0x1a: {  	s8 =	sadd.s32 $0xFFFFE003, lr  }
0x1b: {  	s9 =	sadd.s32 $0xFFFFFEF7, lr;
	s5 =	simm.s32 $0xFFFFFFFF;
	p2 =	slt.u32 s8, $0xFFFFF086  }
0x1c: {  	p1 =	slt.u32 s9, $0xF7A;
	s5 =	simm.s32 @!p2 $0x0  }
0x1d: {  	s5 =	simm.s32 @p1 $0x1;
	p0 =	seq.s32 s7, s2  }
0x1e: {  	s7 =	smul.u32 @!p0 $0xF7A, s2;
	p2 =	seq.s32 @!p0 s5, $0x0  }
0x1f: {  	s9 =	smul.u32 $0xF7A, s1;
	s8 =	simm.s32 @!p0 $0x1BF5;
	p2 =	por !p2, p0  }
0x20: {  	[sflag:s8] =	ssyncset.s32 @!p0 $0xFFFFF086;
	s6 =	sadd.s32 @!p0 s3, s7;
	s7 =	simm.s32 @!p0 $0x108  }
0x21: {  	s3 =	sadd.s32 s3, s9;
	s6 =	sadd.s32 @!p0 $0x88, s6;
	s7 =	simm.s32 @p2 $0x1082  }
0x22: {  	[simem:s7], [sflag:s8] =	dma.local @!p0 [hbm:s6], $0xF7A  }
0x23: {  	s9 =	sor.u32 $0xD0000000, s2;
	s6 =	simm.s32 $0x108;
	_ =	swait.ge @!p0 [sflag:s8], $0x0  }
0x24: {  	s3 =	sadd.s32 $0x88, s3;
	s6 =	simm.s32 @!p1 $0x1082;
	[sflag:s4] =	ssyncset.s32 $0xFFFFF086  }
0x25: {  	[simem:s6], [sflag:s4] =	dma.local [hbm:s3], $0xF7A  }
0x26: {  	[smem:$0x3F9F] =	sst s1;
	(tag) =	ssettag s2;
	_ =	strace s9  }
0x27: {  	s1 =	sld [smem:$0x3FAF]  }
0x28: {  	s2 =	sld [smem:$0x3FB0]  }
0x29: {  	s4 =	sld [smem:$0x3FB2]  }
0x2a: {  	p0 =	seq.s32 s5, $0x0;
	s5 =	sld [smem:$0x3FB3]  }
0x2b: {  	s6 =	sld [smem:$0x3FB4]  }
0x2c: {  	s7 =	sld [smem:$0x3FB5]  }
0x2d: {  	s3 =	simm.s32 $0x108;
	s8 =	sld [smem:$0x3FB6]  }
0x2e: {  	s3 =	simm.s32 @!p0 $0x1082;
	s9 =	sld [smem:$0x3FB7]  }
0x2f: {  	lr =	sadd.s32 s0, s3;
	s0 =	sld [smem:$0x3FAE]  }
0x30: {  	s3 =	sld [smem:$0x3FB1]  }
0x31: {  	[smem:$0x3FBA] =	sst s10  }
0x32: {  	s10 =	sld [smem:$0x3FB8];
	_ =	sdelay $0x3  }
0x33: {  	p0 =	seq.s32 s10, $0x1;
	s10 =	sld [smem:$0x3FBA];
	_ =	sdelay $0x3  }
0x34: {  	[smem:$0x3FBA] =	sst s10  }
0x35: {  	s10 =	sld [smem:$0x3FB9];
	_ =	sdelay $0x3  }
0x36: {  	p1 =	seq.s32 s10, $0x1;
	s10 =	sld [smem:$0x3FBA];
	_ =	sdelay $0x3  }
0x37: {  	[smem:$0x3FBA] =	sst s10  }
0x38: {  	s10 =	sld [smem:$0x3FBB]  }
0x39: {  	_ = 	snop;
	(pc) =	sbr.ind lr, $3  }
0x3a: {  	_ = 	snop  }
0x3b: {  	_ = 	snop  }
0x3c: {  	p2 =	seq.s32 s10, $0x1;
	s10 =	sld [smem:$0x3FBA]  }
0x3d: {  	_ =	shalt  }
0x3e: {  	_ =	shalt  }
0x3f: {  	_ =	shalt  }
0x40: {  	_ =	shalt  }
0x41: {  	_ =	shalt  }
0x42: {  	_ =	shalt  }
0x43: {  	_ =	shalt  }
0x44: {  	_ =	shalt  }
0x45: {  	_ =	shalt  }
0x46: {  	_ =	shalt  }
0x47: {  	_ =	shalt  }
0x48: {  	_ =	shalt  }
0x49: {  	_ =	shalt  }
0x4a: {  	_ =	shalt  }
0x4b: {  	_ =	shalt  }
0x4c: {  	_ =	shalt  }
0x4d: {  	_ =	shalt  }
0x4e: {  	_ =	shalt  }
0x4f: {  	_ =	shalt  }
0x50: {  	_ =	shalt  }
0x51: {  	_ =	shalt  }
0x52: {  	_ =	shalt  }
0x53: {  	_ =	shalt  }
0x54: {  	_ =	shalt  }
0x55: {  	_ =	shalt  }
0x56: {  	_ =	shalt  }
0x57: {  	_ =	shalt  }
0x58: {  	_ =	shalt  }
0x59: {  	_ =	shalt  }
0x5a: {  	_ =	shalt  }
0x5b: {  	_ =	shalt  }
0x5c: {  	_ =	shalt  }
0x5d: {  	_ =	shalt  }
0x5e: {  	_ =	shalt  }
0x5f: {  	_ =	shalt  }
0x60: {  	_ =	shalt  }
0x61: {  	_ =	shalt  }
0x62: {  	_ =	shalt  }
0x63: {  	_ =	shalt  }
0x64: {  	_ =	shalt  }
0x65: {  	_ =	shalt  }
0x66: {  	_ =	shalt  }
0x67: {  	_ =	shalt  }
0x68: {  	_ =	shalt  }
0x69: {  	_ =	shalt  }
0x6a: {  	_ =	shalt  }
0x6b: {  	_ =	shalt  }
0x6c: {  	_ =	shalt  }
0x6d: {  	_ =	shalt  }
0x6e: {  	_ =	shalt  }
0x6f: {  	_ =	shalt  }
0x70: {  	_ =	shalt  }
0x71: {  	_ =	shalt  }
0x72: {  	_ =	shalt  }
0x73: {  	_ =	shalt  }
0x74: {  	_ =	shalt  }
0x75: {  	_ =	shalt  }
0x76: {  	_ =	shalt  }
0x77: {  	_ =	shalt  }
0x78: {  	_ =	shalt  }
0x79: {  	_ =	shalt  }
0x7a: {  	_ =	shalt  }
0x7b: {  	_ =	shalt  }
0x7c: {  	_ =	shalt  }
0x7d: {  	_ =	shalt  }
0x7e: {  	_ =	shalt  }
0x7f: {  	_ =	shalt  }
0x80: {  	_ =	shalt  }
0x81: {  	_ =	shalt  }
0x82: {  	_ =	shalt  }
0x83: {  	_ =	shalt  }
0x84: {  	_ =	shalt  }
0x85: {  	_ =	shalt  }
0x86: {  	_ =	shalt  }
0x87: {  	_ =	shalt  }
.Lfunc_end0:
.L_simem_size_0:
called_computation_lowered:
.L_overlay_start_0:
0x88: {  	s2 =	sld [smem:$0x3FD9]  }
0x89: {  	s3 =	sld [smem:$0x3FFE];
	_ =	sdelay $0x1  }
0x8a: {  	s1 =	srdreg.scid  }
0x8b: {  	s0 =	sand.u32 $0x1, s1  }
0x8c: {  	s18 =	sshll.u32 s0, $0xA;
	s2 =	sadd.s32 s3, s2  }
0x8d: {  	s2 =	sadd.s32 s2, s18  }
0x8e: {  	[smem:$0x3FC6] =	sst s2  }
0x8f: {  	_ = 	snop  }
0x90: {  	s2 =	sld [smem:$0x3FC9]  }
0x91: {  	s19 =	sld [smem:$0x3FC8]  }
0x92: {  	s4 =	sld [smem:$0x3FD0];
	(tm) =	ssettm $0x1  }
0x93: {  	s5 =	sld [smem:$0x3FFB];
	_ =	sdelay $0x3  }
0x94: {  	_ =	strace s5  }
0x95: {  	s5 =	sld [smem:$0x3FFC];
	_ =	sdelay $0x3  }
0x96: {  	_ =	strace s5  }
0x97: {  	s5 =	sld [smem:$0x3FFD];
	_ =	sdelay $0x3  }
0x98: {  	_ =	strace s5  }
0x99: {  	_ =	strace $0x8FFFFFFF  }
0x9a: {  	s20 =	sld [smem:$0x3FDB];
	_ =	sdelay $0x1  }
0x9b: {  	s6 =	simm.s32 $_scs_section_size  }
0x9c: {  	s7 =	simm.s32 $_size__tile_overlayer_lowered;
	s8 =	simm.s32 $_tile_overlayer_lowered  }
0x9d: {  	s23 =	simm.s32 $0x1BFF;
	s22 =	sshll.u32 s8, $0x1;
	s5 =	sadd.s32 s6, s20  }
0x9e: {  	s9 =	simm.s32 $0x0;
	s21 =	sshll.u32 s7, $0x1;
	s7 =	sadd.s32 s22, s5  }
0x9f: {  	[timem:s9], [sflag:s23] =	dma.local [hbm:s7], s21  }
0xa0: {  	_ =	swait.ge [sflag:s23], s21  }
0xa1: {  	s6 =	ssub.s32 $0x0, s21;
	[sflag:s23] =	ssyncset.done $0x0  }
0xa2: {  	[sflag:s23] =	ssyncadd.s32 s6;
	_ =	sdelay $0x1  }
0xa3: {  	s24 =	simm.s32 $0x1B8B  }
0xa4: {  	_ =	swait.ge [sflag:s24], $0x1  }
0xa5: {  	[sflag:s24] =	ssyncset.done $0x0  }
0xa6: {  	s25 =	simm.s32 $0x1B8E;
	[sflag:s24] =	ssyncadd.s32 $0xFFFFFFFF  }
0xa7: {  	s26 =	simm.s32 $execute0_lowered;
	[smem:$0x3FD2] =	sst s25  }
0xa8: {  	s6 =	sshll.u32 s26, $0x1;
	_ =	strace $0x80000046;
	[dreg:$0x1] =	wrdreg $0xFFFFFFFF  }
0xa9: {  	s28 =	simm.s32 $_size_execute0_lowered;
	s5 =	sadd.s32 s5, s6;
	[dreg:$0x0] =	wrdreg $0x0  }
0xaa: {  	s6 =	sshll.u32 s28, $0x1;
	[dreg:$0x2] =	wrdreg s5  }
0xab: {  	[dreg:$0x3] =	wrdreg s6  }
0xac: {  	[dreg:$0x4] =	wrdreg $0xC0  }
0xad: {  	_ =	task [dreg:s9], $0x5FFFF  }
0xae: {  	[dreg:$0x1] =	wrdreg $0xFFFFFFFF  }
0xaf: {  	[dreg:$0x0] =	wrdreg $0x60  }
0xb0: {  	[dreg:$0x2] =	wrdreg s2  }
0xb1: {  	[dreg:$0x3] =	wrdreg s19  }
0xb2: {  	[dreg:$0x4] =	wrdreg s4  }
0xb3: {  	[dreg:$0x5] =	wrdreg $0x9  }
0xb4: {  	_ =	task.clear_ibuf [dreg:s9], $0x6FFFF;
	_ =	strace $0x90000046  }
0xb5: {  	s29 =	simm.s32 $0x9;
	_ =	strace $0x80000048  }
0xb6: {  	_ =	swait.ge [sflag:s29], $0x1  }
0xb7: {  	[sflag:s29] =	ssyncadd.s32 $0xFFFFFFFF  }
0xb8: {  	_ =	strace $0x90000048  }
0xb9: {  	_ =	sfence  }
0xba: {  	s30 =	sld [smem:$0x0];
	_ =	sdelay $0x2  }
0xbb: {  	s31 =	sshll.u32 s1, $0xD;
	s1 =	sshrl.u32 s1, $0x2  }
0xbc: {  	s3 =	sand.u32 $0x4000, s31;
	s1 =	sadd.s32 s1, s30  }
0xbd: {  	s0 =	sor.u32 s3, s0;
	s1 =	sshll.u32 s1, $0x11  }
0xbe: {  	s0 =	sor.u32 s1, s0  }
0xbf: {  	s0 =	sadd.s32 $0x8F2B, s0  }
0xc0: {  	[sflag:s0] =	ssyncadd.remote.s32 $0x1  }
0xc1: {  	_ =	sfence.sel $0xFFFF  }
0xc2: {  	[dreg:$0x0] =	wrdreg $0xFFFFFFFF;
	(pc) =	sbr.abs _section_cstart, $3  }
0xc3: {  	[dreg:$0x1] =	wrdreg $0xFFFFFFFF  }
0xc4: {  	_ =	task.clear_ibuf [dreg:s9], $0x2FFFF;
	_ =	strace $0x9FFFFFFF  }
0xc5: {  	(tm) =	ssettm $0x7FFFFFFF  }
tec
execute0_lowered:
.L_overlay_start_1:
0x0: {  	(tag) =	ssettag $0x1  }
0x1: {  	s0 =	rddreg [dreg:$0x0]  }
0x2: {  	s4 =	rddreg [dreg:$0x1]  }
0x3: {  	s2 =	rddreg [dreg:$0x2]  }
0x4: {  	s5 =	srdreg.scid;
	s1 =	stileid.u32  }
0x5: {  	s3 =	simm.s32 $0x0;
	s17 =	simm.s32 $0x5;
	s18 =	simm.s32 $0x1  }
0x6: {  	s19 =	simm.s32 $0x6000;
	s20 =	simm.s32 $0x2;
	s21 =	simm.s32 $0xE000  }
0x7: {  	s22 =	simm.s32 $0x3;
	s23 =	simm.s32 $0x4;
	s24 =	simm.s32 $0x0  }
0x8: {  	s5 =	sand.u32 $0x1, s5;
	s6 =	sshll.u32 s1, $0x1;
	[smem:$0x7FF] =	sst s3  }
0x9: {  	s9 =	sshrl.u32 s1, $0x2;
	s7 =	ssub.s32 $0x2, s5;
	s6 =	sand.u32 $0x6, s6  }
0xa: {  	_ =	strace $0x80000047;
	s25 =	sshll.u32 s9, $0x12;
	s26 =	sshll.u32 s9, $0x4  }
0xb: {  	s10 =	sor.u32 $0x4, s9;
	s12 =	sor.u32 $0xC4, s9;
	s8 =	sshrl.u32 s7, $0x1  }
0xc: {  	s5 =	sor.u32 s5, s6;
	s28 =	sshll.u32 s10, $0x4;
	s10 =	sshll.u32 s10, $0x12  }
0xd: {  	s13 =	sshll.u32 s12, $0x4;
	s12 =	sshll.u32 s12, $0x12;
	s15 =	ssub.s32 s7, s8  }
0xe: {  	s6 =	sshll.u32 s5, $0xB;
	s11 =	sshll.u32 s5, $0xF;
	s7 =	sadd.s32 s0, s28  }
0xf: {  	s13 =	sand.u32 $0x70, s13;
	s4 =	sadd.s32 s4, s6;
	s5 =	sor.u32 s25, s11  }
0x10: {  	s6 =	sadd.s32 s0, s26;
	s10 =	sor.u32 s10, s11;
	s0 =	sadd.s32 s13, s0  }
0x11: {  	s30 =	sor.u32 s12, s11;
	s15 =	smax.u32 s15, $0x1;
	s29 =	sshrl.u32 s5, $0x3  }
0x12: {  	s9 =	sadd.s32 $0x1000, s6;
	s14 =	sshrl.u32 s10, $0x3;
	s12 =	sadd.s32 $0x18000, s0  }
0x13: {  	s31 =	sshrl.u32 s30, $0x3;
	s16 =	sadd.s32 $0x40, s6;
	s8 =	sadd.s32 s2, s29  }
0x14: {  	s11 =	sadd.s32 s2, s14;
	s14 =	sadd.s32 s2, s31;
	s13 =	sadd.s32 $0x600000, s8  }
.LBB2_1:
0x15: {  	[tilespmem:s3], [sflag:$0x5] =	stream.linear.gather [hbm4b:s4+s3], $0x4000, $0x38;
	[tilespmem:$0x16000] =	vst v63  }
0x16: {  	_ =	swait.ge [sflag:s17], $0x4000  }
0x17: {  	s25 =	simm.s32 $0x4000;
	s26 =	simm.s32 $0x80;
	[sflag:s17] =	ssyncset.done $0x0  }
0x18: {  	s29 =	sadd.s32 $0x0, s6;
	s28 =	simm.s32 $0x4100;
	[sflag:s17] =	ssyncadd.s32 $0xFFFFC000  }
.LBB2_2:
0x19: {  	[tilespmem:s25], [sflag:$0x1] =	stream.linear.gather [hbm4b:s29+s3], $0x80, $0x38;
	[tilespmem:$0x16000] =	vst v63  }
0x1a: {  	s0 =	smov.u32 s26;
	s25 =	smov.u32 s28;
	p0 =	sne.s32 s26, $0xF80  }
.Ltmp0:
0x1b: {  	s26 =	sadd.s32 $0x80, s26;
	(pc) =	sbr.rel @p0 .LBB2_2-.Ltmp0, $2  }
0x1c: {  	_ =	sdelay $0x2  }
0x1d: {  	s28 =	sadd.s32 $0x100, s28;
	s29 =	sadd.s32 s0, s6  }
0x1e: {  	[tilespmem:s25], [sflag:$0x1] =	stream.linear.gather [hbm4b:s29+s3], $0x80, $0x38;
	[tilespmem:$0x16000] =	vst v63  }
0x1f: {  	s25 =	simm.s32 $0x4080  }
0x20: {  	s26 =	simm.s32 $0x80;
	s29 =	sadd.s32 $0x0, s7;
	s28 =	simm.s32 $0x4180  }
.LBB2_4:
0x21: {  	[tilespmem:s25], [sflag:$0x2] =	stream.linear.gather [hbm4b:s29+s3], $0x80, $0x38;
	[tilespmem:$0x16000] =	vst v63  }
0x22: {  	s0 =	smov.u32 s26;
	s25 =	smov.u32 s28;
	p0 =	sne.s32 s26, $0xF80  }
.Ltmp1:
0x23: {  	s26 =	sadd.s32 $0x80, s26;
	(pc) =	sbr.rel @p0 .LBB2_4-.Ltmp1, $2  }
0x24: {  	_ =	sdelay $0x2  }
0x25: {  	s28 =	sadd.s32 $0x100, s28;
	s29 =	sadd.s32 s0, s7  }
0x26: {  	[tilespmem:s25], [sflag:$0x2] =	stream.linear.gather [hbm4b:s29+s3], $0x80, $0x38;
	[tilespmem:$0x16000] =	vst v63  }
0x27: {  	_ =	swait.ge [sflag:s18], $0x1000  }
0x28: {  	[sflag:s18] =	ssyncset.done $0x0  }
0x29: {  	s0 =	simm.s32 $0x4040;
	[sflag:s18] =	ssyncadd.s32 $0xFFFFF000  }
0x2a: {  	v0 =	vld [tilespmem:s0+$0x30];
	_ =	sdelay $0x3  }
0x2b: {  	v1 =	vld [tilespmem:s0+$0xFFFFFFD0]  }
0x2c: {  	v2 =	vshll.u32 v0, $0x3  }
0x2d: {  	v3 =	vld [tilespmem:s0+$0xFFFFFFE0];
	v0 =	vand.u32 $0x7F, v0;
	v2 =	vand.u32 $0xFFFFFC00, v2  }
0x2e: {  	v5 =	vld [tilespmem:s0+$0xFFFFFFC0];
	v4 =	vor.u32 v0, v2;
	_ =	sdelay $0x1  }
0x2f: {  	v2 =	vld [tilespmem:s0+$0xFFFFFFF0];
	v0 =	vshll.u32 v1, $0x3  }
0x30: {  	v7 =	vld [tilespmem:s0+$0x10];
	v1 =	vand.u32 $0x7F, v1;
	v8 =	vand.u32 $0xFFFFFC00, v0  }
0x31: {  	v6 =	vld [tilespmem:s0+$0x0];
	v0 =	vshll.u32 v3, $0x3;
	v1 =	vor.u32 v1, v8  }
0x32: {  	v11 =	vor.u32 $0x80, v4;
	v9 =	vand.u32 $0xFFFFFC00, v0;
	v0 =	vshll.u32 v5, $0x3;
	v10 =	vld.idx.msk [tilespmem:v4+s3+$0x0], $0xffff  }
0x33: {  	v12 =	vld [tilespmem:s0+$0x20];
	v3 =	vand.u32 $0x7F, v3;
	v5 =	vand.u32 $0x7F, v5;
	v0 =	vand.u32 $0xFFFFFC00, v0  }
0x34: {  	v0 =	vor.u32 v5, v0;
	v13 =	vshll.u32 v2, $0x3;
	v8 =	vand.u32 $0x7F, v2  }
0x35: {  	v2 =	vor.u32 v3, v9;
	v9 =	vshll.u32 v7, $0x3;
	v5 =	vand.u32 $0xFFFFFC00, v13  }
0x36: {  	s25 =	simm.s32 $0x6200;
	v13 =	vshll.u32 v6, $0x3;
	v3 =	vor.u32 v8, v5;
	v5 =	vand.u32 $0xFFFFFC00, v9;
	v9 =	vld.idx.msk [tilespmem:v1+s3+$0x0], $0xffff  }
0x37: {  	v15 =	vor.u32 $0x80, v1;
	v6 =	vand.u32 $0x7F, v6;
	v13 =	vand.u32 $0xFFFFFC00, v13;
	[tilespmem:s25+$0xFFFFFE70] =	vst v10  }
0x38: {  	v7 =	vand.u32 $0x7F, v7;
	v8 =	vshll.u32 v12, $0x3;
	v10 =	vor.u32 v6, v13;
	v6 =	vld.idx.msk [tilespmem:v11+s3+$0x0], $0xffff  }
0x39: {  	v11 =	vor.u32 v7, v5;
	v5 =	vld.idx.msk [tilespmem:v0+s3+$0x0], $0xffff;
	v7 =	vand.u32 $0xFFFFFC00, v8;
	v8 =	vand.u32 $0x7F, v12  }
0x3a: {  	v13 =	vor.u32 $0x100, v4;
	v12 =	vor.u32 v8, v7;
	v7 =	vld.idx.msk [tilespmem:v2+s3+$0x0], $0xffff  }
0x3b: {  	v8 =	vor.u32 $0x80, v0;
	v14 =	vld.idx.msk [tilespmem:v3+s3+$0x0], $0xffff;
	[tilespmem:s25+$0xFFFFFE10] =	vst v9  }
0x3c: {  	v15 =	vld.idx.msk [tilespmem:v15+s3+$0x0], $0xffff  }
0x3d: {  	v17 =	vor.u32 $0x80, v2;
	v16 =	vld.idx.msk [tilespmem:v10+s3+$0x0], $0xffff  }
0x3e: {  	v18 =	vld.idx.msk [tilespmem:v11+s3+$0x0], $0xffff;
	[tilespmem:s25+$0xFFFFFEF0] =	vst v6;
	v6 =	vor.u32 $0x80, v3  }
0x3f: {  	[tilespmem:s25+$0xFFFFFE00] =	vst v5;
	v5 =	vld.idx.msk [tilespmem:v13+s3+$0x0], $0xffff;
	v13 =	vor.u32 $0x80, v10  }
0x40: {  	v19 =	vor.u32 $0x80, v11;
	v8 =	vld.idx.msk [tilespmem:v8+s3+$0x0], $0xffff;
	[tilespmem:s25+$0xFFFFFE20] =	vst v7  }
0x41: {  	v9 =	vld.idx.msk [tilespmem:v12+s3+$0x0], $0xffff;
	v7 =	vor.u32 $0x180, v4;
	[tilespmem:s25+$0xFFFFFE30] =	vst v14  }
0x42: {  	v14 =	vor.u32 $0x80, v12;
	v17 =	vld.idx.msk [tilespmem:v17+s3+$0x0], $0xffff;
	[tilespmem:s25+$0xFFFFFE40] =	vst v16  }
0x43: {  	v16 =	vor.u32 $0x100, v0;
	v6 =	vld.idx.msk [tilespmem:v6+s3+$0x0], $0xffff;
	[tilespmem:s25+$0xFFFFFE50] =	vst v18  }
0x44: {  	v18 =	vor.u32 $0x100, v1;
	v13 =	vld.idx.msk [tilespmem:v13+s3+$0x0], $0xffff;
	[tilespmem:s25+$0xFFFFFF70] =	vst v5  }
0x45: {  	v5 =	vor.u32 $0x100, v2;
	[tilespmem:s25+$0xFFFFFE80] =	vst v8;
	v8 =	vld.idx.msk [tilespmem:v19+s3+$0x0], $0xffff  }
0x46: {  	[tilespmem:s25+$0xFFFFFE60] =	vst v9;
	v9 =	vor.u32 $0x100, v3;
	v7 =	vld.idx.msk [tilespmem:v7+s3+$0x0], $0xffff  }
0x47: {  	[tilespmem:s25+$0xFFFFFE90] =	vst v15;
	v19 =	vor.u32 $0x100, v10;
	v14 =	vld.idx.msk [tilespmem:v14+s3+$0x0], $0xffff  }
0x48: {  	[tilespmem:s25+$0xFFFFFEA0] =	vst v17;
	v17 =	vor.u32 $0x100, v11;
	v16 =	vld.idx.msk [tilespmem:v16+s3+$0x0], $0xffff  }
0x49: {  	v15 =	vor.u32 $0x200, v4;
	v18 =	vld.idx.msk [tilespmem:v18+s3+$0x0], $0xffff;
	[tilespmem:s25+$0xFFFFFEB0] =	vst v6  }
0x4a: {  	v6 =	vor.u32 $0x100, v12;
	v5 =	vld.idx.msk [tilespmem:v5+s3+$0x0], $0xffff;
	[tilespmem:s25+$0xFFFFFEC0] =	vst v13  }
0x4b: {  	v13 =	vor.u32 $0x180, v0;
	v9 =	vld.idx.msk [tilespmem:v9+s3+$0x0], $0xffff;
	[tilespmem:s25+$0xFFFFFED0] =	vst v8  }
0x4c: {  	[tilespmem:s25+$0xFFFFFFF0] =	vst v7;
	v7 =	vor.u32 $0x180, v1;
	v19 =	vld.idx.msk [tilespmem:v19+s3+$0x0], $0xffff  }
0x4d: {  	[tilespmem:s25+$0xFFFFFEE0] =	vst v14;
	v14 =	vld.idx.msk [tilespmem:v17+s3+$0x0], $0xffff;
	v17 =	vor.u32 $0x180, v3  }
0x4e: {  	v8 =	vld.idx.msk [tilespmem:v15+s3+$0x0], $0xffff;
	v15 =	vor.u32 $0x180, v2;
	[tilespmem:s25+$0xFFFFFF00] =	vst v16  }
0x4f: {  	v16 =	vor.u32 $0x280, v4;
	[tilespmem:s25+$0xFFFFFF10] =	vst v18;
	v6 =	vld.idx.msk [tilespmem:v6+s3+$0x0], $0xffff  }
0x50: {  	v18 =	vor.u32 $0x180, v10;
	v13 =	vld.idx.msk [tilespmem:v13+s3+$0x0], $0xffff;
	[tilespmem:s25+$0xFFFFFF20] =	vst v5  }
0x51: {  	v5 =	vor.u32 $0x180, v11;
	[tilespmem:s25+$0xFFFFFF30] =	vst v9;
	v7 =	vld.idx.msk [tilespmem:v7+s3+$0x0], $0xffff  }
0x52: {  	v9 =	vor.u32 $0x180, v12;
	[tilespmem:s25+$0xFFFFFF40] =	vst v19;
	v17 =	vld.idx.msk [tilespmem:v17+s3+$0x0], $0xffff  }
0x53: {  	v15 =	vld.idx.msk [tilespmem:v15+s3+$0x0], $0xffff;
	[tilespmem:s25+$0x70] =	vst v8;
	v8 =	vor.u32 $0x200, v0  }
0x54: {  	v19 =	vor.u32 $0x200, v1;
	[tilespmem:s25+$0xFFFFFF50] =	vst v14;
	v16 =	vld.idx.msk [tilespmem:v16+s3+$0x0], $0xffff  }
0x55: {  	v14 =	vld.idx.msk [tilespmem:v18+s3+$0x0], $0xffff;
	[tilespmem:s25+$0xFFFFFF60] =	vst v6;
	v6 =	vor.u32 $0x300, v4  }
0x56: {  	v18 =	vor.u32 $0x200, v2;
	[tilespmem:s25+$0xFFFFFF80] =	vst v13;
	v5 =	vld.idx.msk [tilespmem:v5+s3+$0x0], $0xffff  }
0x57: {  	v13 =	vor.u32 $0x200, v3;
	[tilespmem:s25+$0xFFFFFF90] =	vst v7;
	v7 =	vld.idx.msk [tilespmem:v9+s3+$0x0], $0xffff  }
0x58: {  	v9 =	vor.u32 $0x200, v10;
	v8 =	vld.idx.msk [tilespmem:v8+s3+$0x0], $0xffff;
	[tilespmem:s25+$0xFFFFFFA0] =	vst v15  }
0x59: {  	v15 =	vor.u32 $0x200, v11;
	v19 =	vld.idx.msk [tilespmem:v19+s3+$0x0], $0xffff;
	[tilespmem:s25+$0xF0] =	vst v16  }
0x5a: {  	[tilespmem:s25+$0xFFFFFFB0] =	vst v17;
	v16 =	vor.u32 $0x200, v12;
	v6 =	vld.idx.msk [tilespmem:v6+s3+$0x0], $0xffff  }
0x5b: {  	v17 =	vor.u32 $0x280, v0;
	v18 =	vld.idx.msk [tilespmem:v18+s3+$0x0], $0xffff;
	[tilespmem:s25+$0xFFFFFFC0] =	vst v14  }
0x5c: {  	v4 =	vor.u32 $0x380, v4;
	v13 =	vld.idx.msk [tilespmem:v13+s3+$0x0], $0xffff;
	[tilespmem:s25+$0xFFFFFFD0] =	vst v5  }
0x5d: {  	v5 =	vor.u32 $0x280, v1;
	v9 =	vld.idx.msk [tilespmem:v9+s3+$0x0], $0xffff;
	[tilespmem:s25+$0xFFFFFFE0] =	vst v7  }
0x5e: {  	v7 =	vor.u32 $0x280, v2;
	[tilespmem:s25+$0x0] =	vst v8;
	v8 =	vld.idx.msk [tilespmem:v15+s3+$0x0], $0xffff  }
0x5f: {  	v14 =	vor.u32 $0x280, v3;
	[tilespmem:s25+$0x10] =	vst v19;
	v15 =	vld.idx.msk [tilespmem:v16+s3+$0x0], $0xffff  }
0x60: {  	v16 =	vor.u32 $0x280, v10;
	v17 =	vld.idx.msk [tilespmem:v17+s3+$0x0], $0xffff;
	[tilespmem:s25+$0x170] =	vst v6  }
0x61: {  	v6 =	vor.u32 $0x280, v11;
	[tilespmem:s25+$0x20] =	vst v18;
	v4 =	vld.idx.msk [tilespmem:v4+s3+$0x0], $0xffff  }
0x62: {  	v18 =	vor.u32 $0x280, v12;
	v5 =	vld.idx.msk [tilespmem:v5+s3+$0x0], $0xffff;
	[tilespmem:s25+$0x30] =	vst v13  }
0x63: {  	v13 =	vor.u32 $0x300, v0;
	v7 =	vld.idx.msk [tilespmem:v7+s3+$0x0], $0xffff;
	[tilespmem:s25+$0x40] =	vst v9  }
0x64: {  	v9 =	vor.u32 $0x300, v1;
	v19 =	vld.idx.msk [tilespmem:v14+s3+$0x0], $0xffff;
	[tilespmem:s25+$0x50] =	vst v8  }
0x65: {  	v20 =	vor.u32 $0x300, v2;
	v21 =	vld.idx.msk [tilespmem:v16+s3+$0x0], $0xffff;
	[tilespmem:s25+$0x60] =	vst v15  }
0x66: {  	v22 =	vor.u32 $0x300, v3;
	[tilespmem:s25+$0x80] =	vst v17;
	v17 =	vld.idx.msk [tilespmem:v6+s3+$0x0], $0xffff  }
0x67: {  	v23 =	vor.u32 $0x300, v10;
	v15 =	vld.idx.msk [tilespmem:v18+s3+$0x0], $0xffff;
	[tilespmem:s25+$0x1F0] =	vst v4  }
0x68: {  	v14 =	vld.idx.msk [tilespmem:v13+s3+$0x0], $0xffff;
	[tilespmem:s25+$0x90] =	vst v5  }
0x69: {  	v13 =	vld.idx.msk [tilespmem:v9+s3+$0x0], $0xffff;
	[tilespmem:s25+$0xA0] =	vst v7  }
0x6a: {  	v8 =	vor.u32 $0x300, v11;
	v6 =	vor.u32 $0x380, v1;
	v1 =	vor.u32 $0x380, v11;
	[tilespmem:s25+$0xB0] =	vst v19;
	v16 =	vld.idx.msk [tilespmem:v20+s3+$0x0], $0xffff  }
0x6b: {  	v5 =	vor.u32 $0x380, v2;
	v4 =	vor.u32 $0x380, v3;
	v2 =	vor.u32 $0x380, v10;
	v3 =	vld.idx.msk [tilespmem:v22+s3+$0x0], $0xffff;
	[tilespmem:s25+$0xC0] =	vst v21  }
0x6c: {  	s28 =	simm.s32 $0x0;
	s29 =	simm.s32 $0x4140;
	s26 =	simm.s32 $0x6200;
	v7 =	vor.u32 $0x380, v0;
	v9 =	vor.u32 $0x300, v12;
	v0 =	vor.u32 $0x380, v12;
	v10 =	vld.idx.msk [tilespmem:v23+s3+$0x0], $0xffff;
	[tilespmem:s25+$0xD0] =	vst v17  }
.LBB2_6:
0x6d: {  	v11 =	vld [tilespmem:s29+$0x30];
	s28 =	sadd.s32 $0x8, s28;
	[tilespmem:s25+$0xE0] =	vst v15  }
0x6e: {  	v12 =	vld [tilespmem:s29+$0xFFFFFFD0];
	p0 =	slt.u32 s28, $0xF8;
	[tilespmem:s25+$0x100] =	vst v14  }
0x6f: {  	v14 =	vld [tilespmem:s29+$0xFFFFFFE0];
	[tilespmem:s25+$0x110] =	vst v13  }
0x70: {  	v13 =	vld [tilespmem:s29+$0xFFFFFFF0];
	[tilespmem:s25+$0x120] =	vst v16  }
0x71: {  	v15 =	vld [tilespmem:s29+$0x0];
	[tilespmem:s25+$0x130] =	vst v3  }
0x72: {  	v16 =	vld [tilespmem:s29+$0x10];
	v3 =	vshll.u32 v11, $0x3;
	[tilespmem:s25+$0x140] =	vst v10  }
0x73: {  	v11 =	vand.u32 $0x7F, v11;
	v10 =	vshll.u32 v12, $0x3;
	v17 =	vld [tilespmem:s29+$0x20];
	v3 =	vand.u32 $0xFFFFFC00, v3  }
0x74: {  	v18 =	vld [tilespmem:s29+$0xFFFFFFC0];
	v10 =	vand.u32 $0xFFFFFC00, v10;
	v19 =	vshll.u32 v14, $0x3;
	v3 =	vor.u32 v11, v3  }
0x75: {  	v11 =	vand.u32 $0x7F, v12;
	v12 =	vand.u32 $0xFFFFFC00, v19;
	v19 =	vshll.u32 v13, $0x3;
	v8 =	vld.idx.msk [tilespmem:v8+s3+$0x0], $0xffff  }
0x76: {  	v14 =	vand.u32 $0x7F, v14;
	v19 =	vand.u32 $0xFFFFFC00, v19;
	v20 =	vshll.u32 v15, $0x3;
	v9 =	vld.idx.msk [tilespmem:v9+s3+$0x0], $0xffff  }
0x77: {  	v13 =	vand.u32 $0x7F, v13;
	v20 =	vand.u32 $0xFFFFFC00, v20;
	v21 =	vshll.u32 v16, $0x3;
	v7 =	vld.idx.msk [tilespmem:v7+s3+$0x0], $0xffff  }
0x78: {  	v15 =	vand.u32 $0x7F, v15;
	v21 =	vand.u32 $0xFFFFFC00, v21;
	v22 =	vshll.u32 v17, $0x3;
	v6 =	vld.idx.msk [tilespmem:v6+s3+$0x0], $0xffff  }
0x79: {  	v23 =	vand.u32 $0x7F, v18;
	v18 =	vshll.u32 v18, $0x3;
	v22 =	vand.u32 $0xFFFFFC00, v22;
	v24 =	vld.idx.msk [tilespmem:v3+s3+$0x0], $0xffff  }
0x7a: {  	v16 =	vand.u32 $0x7F, v16;
	v17 =	vand.u32 $0x7F, v17;
	v18 =	vand.u32 $0xFFFFFC00, v18;
	v5 =	vld.idx.msk [tilespmem:v5+s3+$0x0], $0xffff  }
0x7b: {  	v25 =	vor.u32 v11, v10;
	v10 =	vor.u32 $0x80, v3;
	v23 =	vor.u32 v23, v18;
	v4 =	vld.idx.msk [tilespmem:v4+s3+$0x0], $0xffff;
	[tilespmem:s25+$0x150] =	vst v8  }
0x7c: {  	v26 =	vor.u32 v14, v12;
	v27 =	vor.u32 v13, v19;
	v28 =	vor.u32 v15, v20;
	[tilespmem:s25+$0x160] =	vst v9  }
0x7d: {  	v21 =	vor.u32 v16, v21;
	v22 =	vor.u32 v17, v22;
	v8 =	vor.u32 $0x80, v23;
	[tilespmem:s25+$0x180] =	vst v7;
	v2 =	vld.idx.msk [tilespmem:v2+s3+$0x0], $0xffff  }
0x7e: {  	v29 =	vor.u32 $0x80, v27;
	v9 =	vor.u32 $0x80, v26;
	v7 =	vor.u32 $0x80, v25;
	s25 =	sadd.s32 $0x400, s25;
	[tilespmem:s26+$0x190] =	vst v6;
	v1 =	vld.idx.msk [tilespmem:v1+s3+$0x0], $0xffff  }
0x7f: {  	v30 =	vor.u32 $0x80, v28;
	v31 =	vor.u32 $0x80, v21;
	v32 =	vor.u32 $0x80, v22;
	[tilespmem:s25+$0xFFFFFE70] =	vst v24;
	v0 =	vld.idx.msk [tilespmem:v0+s3+$0x0], $0xffff  }
0x80: {  	v33 =	vor.u32 $0x100, v25;
	v34 =	vor.u32 $0x100, v26;
	v24 =	vor.u32 $0x100, v23;
	v6 =	vld.idx.msk [tilespmem:v10+s3+$0x0], $0xffff;
	[tilespmem:s26+$0x1A0] =	vst v5  }
0x81: {  	v35 =	vor.u32 $0x100, v27;
	v36 =	vor.u32 $0x100, v28;
	v37 =	vor.u32 $0x100, v21;
	v5 =	vld.idx.msk [tilespmem:v23+s3+$0x0], $0xffff;
	[tilespmem:s26+$0x1B0] =	vst v4  }
0x82: {  	v39 =	vor.u32 $0x100, v22;
	v38 =	vor.u32 $0x180, v23;
	v10 =	vor.u32 $0x100, v3;
	v4 =	vld.idx.msk [tilespmem:v25+s3+$0x0], $0xffff  }
0x83: {  	v40 =	vor.u32 $0x180, v25;
	v41 =	vor.u32 $0x180, v26;
	v42 =	vor.u32 $0x180, v27;
	v11 =	vld.idx.msk [tilespmem:v26+s3+$0x0], $0xffff;
	[tilespmem:s26+$0x1C0] =	vst v2  }
0x84: {  	v43 =	vor.u32 $0x180, v28;
	v44 =	vor.u32 $0x180, v21;
	v45 =	vor.u32 $0x180, v22;
	v2 =	vld.idx.msk [tilespmem:v27+s3+$0x0], $0xffff;
	[tilespmem:s26+$0x1D0] =	vst v1  }
0x85: {  	v47 =	vor.u32 $0x200, v25;
	v48 =	vor.u32 $0x200, v26;
	v46 =	vor.u32 $0x200, v23;
	v1 =	vld.idx.msk [tilespmem:v28+s3+$0x0], $0xffff;
	[tilespmem:s26+$0x1E0] =	vst v0;
	s26 =	smov.u32 s25  }
0x86: {  	v49 =	vor.u32 $0x200, v27;
	v50 =	vor.u32 $0x200, v28;
	v51 =	vor.u32 $0x200, v21;
	v0 =	vld.idx.msk [tilespmem:v21+s3+$0x0], $0xffff;
	[tilespmem:s25+$0xFFFFFEF0] =	vst v6  }
0x87: {  	v18 =	vor.u32 $0x280, v25;
	v53 =	vor.u32 $0x200, v22;
	v52 =	vor.u32 $0x280, v23;
	[tilespmem:s25+$0xFFFFFE00] =	vst v5;
	v54 =	vld.idx.msk [tilespmem:v10+s3+$0x0], $0xffff  }
0x88: {  	v20 =	vor.u32 $0x280, v26;
	v19 =	vor.u32 $0x280, v27;
	v15 =	vor.u32 $0x280, v28;
	[tilespmem:s25+$0xFFFFFE10] =	vst v4;
	v55 =	vld.idx.msk [tilespmem:v22+s3+$0x0], $0xffff  }
0x89: {  	v57 =	vor.u32 $0x180, v3;
	v17 =	vor.u32 $0x280, v21;
	v16 =	vor.u32 $0x280, v22;
	v56 =	vld.idx.msk [tilespmem:v8+s3+$0x0], $0xffff;
	[tilespmem:s25+$0xFFFFFE20] =	vst v11  }
0x8a: {  	v13 =	vor.u32 $0x300, v25;
	v14 =	vor.u32 $0x300, v23;
	v10 =	vor.u32 $0x300, v26;
	v58 =	vld.idx.msk [tilespmem:v7+s3+$0x0], $0xffff;
	[tilespmem:s25+$0xFFFFFE30] =	vst v2  }
0x8b: {  	v12 =	vor.u32 $0x300, v27;
	v11 =	vor.u32 $0x300, v28;
	v8 =	vor.u32 $0x300, v21;
	v59 =	vld.idx.msk [tilespmem:v9+s3+$0x0], $0xffff;
	[tilespmem:s25+$0xFFFFFE40] =	vst v1  }
0x8c: {  	v6 =	vor.u32 $0x380, v25;
	v7 =	vor.u32 $0x380, v23;
	v9 =	vor.u32 $0x300, v22;
	v23 =	vld.idx.msk [tilespmem:v29+s3+$0x0], $0xffff;
	[tilespmem:s25+$0xFFFFFE50] =	vst v0  }
0x8d: {  	v5 =	vor.u32 $0x380, v26;
	v4 =	vor.u32 $0x380, v27;
	v2 =	vor.u32 $0x380, v28;
	v25 =	vld.idx.msk [tilespmem:v30+s3+$0x0], $0xffff;
	[tilespmem:s25+$0xFFFFFF70] =	vst v54  }
0x8e: {  	v1 =	vor.u32 $0x380, v21;
	v0 =	vor.u32 $0x380, v22;
	[tilespmem:s25+$0xFFFFFE60] =	vst v55;
	v21 =	vld.idx.msk [tilespmem:v57+s3+$0x0], $0xffff  }
0x8f: {  	[tilespmem:s25+$0xFFFFFE80] =	vst v56;
	v22 =	vld.idx.msk [tilespmem:v31+s3+$0x0], $0xffff  }
0x90: {  	v27 =	vor.u32 $0x200, v3;
	[tilespmem:s25+$0xFFFFFE90] =	vst v58;
	v26 =	vld.idx.msk [tilespmem:v32+s3+$0x0], $0xffff  }
0x91: {  	v24 =	vld.idx.msk [tilespmem:v24+s3+$0x0], $0xffff;
	[tilespmem:s25+$0xFFFFFEA0] =	vst v59  }
0x92: {  	v28 =	vld.idx.msk [tilespmem:v33+s3+$0x0], $0xffff;
	[tilespmem:s25+$0xFFFFFEB0] =	vst v23  }
0x93: {  	v23 =	vld.idx.msk [tilespmem:v34+s3+$0x0], $0xffff;
	[tilespmem:s25+$0xFFFFFEC0] =	vst v25  }
0x94: {  	v25 =	vld.idx.msk [tilespmem:v35+s3+$0x0], $0xffff;
	[tilespmem:s25+$0xFFFFFFF0] =	vst v21  }
0x95: {  	[tilespmem:s25+$0xFFFFFED0] =	vst v22;
	v21 =	vld.idx.msk [tilespmem:v27+s3+$0x0], $0xffff  }
0x96: {  	v22 =	vld.idx.msk [tilespmem:v36+s3+$0x0], $0xffff;
	[tilespmem:s25+$0xFFFFFEE0] =	vst v26  }
0x97: {  	v26 =	vor.u32 $0x280, v3;
	[tilespmem:s25+$0xFFFFFF00] =	vst v24;
	v24 =	vld.idx.msk [tilespmem:v37+s3+$0x0], $0xffff  }
0x98: {  	[tilespmem:s25+$0xFFFFFF10] =	vst v28;
	v27 =	vld.idx.msk [tilespmem:v39+s3+$0x0], $0xffff  }
0x99: {  	v28 =	vld.idx.msk [tilespmem:v38+s3+$0x0], $0xffff;
	[tilespmem:s25+$0xFFFFFF20] =	vst v23  }
0x9a: {  	v23 =	vld.idx.msk [tilespmem:v40+s3+$0x0], $0xffff;
	[tilespmem:s25+$0xFFFFFF30] =	vst v25  }
0x9b: {  	v25 =	vld.idx.msk [tilespmem:v41+s3+$0x0], $0xffff;
	[tilespmem:s25+$0x70] =	vst v21  }
0x9c: {  	[tilespmem:s25+$0xFFFFFF40] =	vst v22;
	v21 =	vld.idx.msk [tilespmem:v26+s3+$0x0], $0xffff  }
0x9d: {  	v22 =	vld.idx.msk [tilespmem:v42+s3+$0x0], $0xffff;
	[tilespmem:s25+$0xFFFFFF50] =	vst v24  }
0x9e: {  	v26 =	vor.u32 $0x300, v3;
	v24 =	vld.idx.msk [tilespmem:v43+s3+$0x0], $0xffff;
	[tilespmem:s25+$0xFFFFFF60] =	vst v27  }
0x9f: {  	[tilespmem:s25+$0xFFFFFF80] =	vst v28;
	v27 =	vld.idx.msk [tilespmem:v44+s3+$0x0], $0xffff  }
0xa0: {  	[tilespmem:s25+$0xFFFFFF90] =	vst v23;
	v23 =	vld.idx.msk [tilespmem:v45+s3+$0x0], $0xffff  }
0xa1: {  	v28 =	vld.idx.msk [tilespmem:v46+s3+$0x0], $0xffff;
	[tilespmem:s25+$0xFFFFFFA0] =	vst v25  }
0xa2: {  	v25 =	vld.idx.msk [tilespmem:v47+s3+$0x0], $0xffff;
	[tilespmem:s25+$0xF0] =	vst v21  }
0xa3: {  	[tilespmem:s25+$0xFFFFFFB0] =	vst v22;
	v21 =	vld.idx.msk [tilespmem:v26+s3+$0x0], $0xffff  }
0xa4: {  	v22 =	vld.idx.msk [tilespmem:v48+s3+$0x0], $0xffff;
	[tilespmem:s25+$0xFFFFFFC0] =	vst v24  }
0xa5: {  	v3 =	vor.u32 $0x380, v3;
	v24 =	vld.idx.msk [tilespmem:v49+s3+$0x0], $0xffff;
	[tilespmem:s25+$0xFFFFFFD0] =	vst v27  }
0xa6: {  	v26 =	vld.idx.msk [tilespmem:v50+s3+$0x0], $0xffff;
	[tilespmem:s25+$0xFFFFFFE0] =	vst v23  }
0xa7: {  	[tilespmem:s25+$0x0] =	vst v28;
	v23 =	vld.idx.msk [tilespmem:v51+s3+$0x0], $0xffff  }
0xa8: {  	[tilespmem:s25+$0x10] =	vst v25;
	v25 =	vld.idx.msk [tilespmem:v53+s3+$0x0], $0xffff  }
0xa9: {  	v27 =	vld.idx.msk [tilespmem:v52+s3+$0x0], $0xffff;
	[tilespmem:s25+$0x170] =	vst v21  }
0xaa: {  	[tilespmem:s25+$0x20] =	vst v22;
	v3 =	vld.idx.msk [tilespmem:v3+s3+$0x0], $0xffff  }
0xab: {  	v18 =	vld.idx.msk [tilespmem:v18+s3+$0x0], $0xffff;
	[tilespmem:s25+$0x30] =	vst v24  }
0xac: {  	v20 =	vld.idx.msk [tilespmem:v20+s3+$0x0], $0xffff;
	[tilespmem:s25+$0x40] =	vst v26  }
0xad: {  	v19 =	vld.idx.msk [tilespmem:v19+s3+$0x0], $0xffff;
	[tilespmem:s25+$0x50] =	vst v23  }
0xae: {  	v21 =	vld.idx.msk [tilespmem:v15+s3+$0x0], $0xffff;
	[tilespmem:s25+$0x60] =	vst v25  }
0xaf: {  	[tilespmem:s25+$0x80] =	vst v27;
	v17 =	vld.idx.msk [tilespmem:v17+s3+$0x0], $0xffff  }
0xb0: {  	v15 =	vld.idx.msk [tilespmem:v16+s3+$0x0], $0xffff;
	[tilespmem:s25+$0x1F0] =	vst v3  }
.Ltmp2:
0xb1: {  	v14 =	vld.idx.msk [tilespmem:v14+s3+$0x0], $0xffff;
	[tilespmem:s25+$0x90] =	vst v18;
	(pc) =	sbr.rel @p0 .LBB2_6-.Ltmp2, $4  }
0xb2: {  	v13 =	vld.idx.msk [tilespmem:v13+s3+$0x0], $0xffff;
	[tilespmem:s25+$0xA0] =	vst v20  }
0xb3: {  	v16 =	vld.idx.msk [tilespmem:v10+s3+$0x0], $0xffff;
	[tilespmem:s25+$0xB0] =	vst v19  }
0xb4: {  	v3 =	vld.idx.msk [tilespmem:v12+s3+$0x0], $0xffff;
	[tilespmem:s25+$0xC0] =	vst v21  }
0xb5: {  	s29 =	sadd.s32 $0x100, s29;
	v10 =	vld.idx.msk [tilespmem:v11+s3+$0x0], $0xffff;
	[tilespmem:s25+$0xD0] =	vst v17  }
0xb6: {  	_ =	sdelay $0x2  }
0xb7: {  	[tilespmem:s25+$0xE0] =	vst v15  }
0xb8: {  	[tilespmem:s25+$0x100] =	vst v14;
	v8 =	vld.idx.msk [tilespmem:v8+s3+$0x0], $0xffff  }
0xb9: {  	[tilespmem:s25+$0x110] =	vst v13;
	v9 =	vld.idx.msk [tilespmem:v9+s3+$0x0], $0xffff  }
0xba: {  	v7 =	vld.idx.msk [tilespmem:v7+s3+$0x0], $0xffff;
	[tilespmem:s25+$0x120] =	vst v16  }
0xbb: {  	v63 =	vld.idx.msk [tilespmem:v6+s3+$0x0], $0xffff;
	[tilespmem:s25+$0x130] =	vst v3  }
0xbc: {  	v5 =	vld.idx.msk [tilespmem:v5+s3+$0x0], $0xffff;
	[tilespmem:s25+$0x140] =	vst v10  }
0xbd: {  	v4 =	vld.idx.msk [tilespmem:v4+s3+$0x0], $0xffff;
	[tilespmem:s25+$0x150] =	vst v8  }
0xbe: {  	v2 =	vld.idx.msk [tilespmem:v2+s3+$0x0], $0xffff;
	[tilespmem:s25+$0x160] =	vst v9  }
0xbf: {  	[tilespmem:s25+$0x180] =	vst v7;
	v1 =	vld.idx.msk [tilespmem:v1+s3+$0x0], $0xffff  }
0xc0: {  	[tilespmem:s26+$0x190] =	vst v63;
	v0 =	vld.idx.msk [tilespmem:v0+s3+$0x0], $0xffff  }
0xc1: {  	[tilespmem:s26+$0x1A0] =	vst v5  }
0xc2: {  	[tilespmem:s26+$0x1B0] =	vst v4  }
0xc3: {  	[tilespmem:s26+$0x1C0] =	vst v2  }
0xc4: {  	s0 =	simm.s32 $0x0;
	s29 =	sadd.s32 $0x0, s9;
	[tilespmem:s26+$0x1D0] =	vst v1  }
0xc5: {  	s28 =	simm.s32 $0x4100;
	s25 =	simm.s32 $0x4000;
	[tilespmem:s26+$0x1E0] =	vst v0;
	s26 =	simm.s32 $0x80  }
0xc6: {  	[hbm4b:s8+s0] =	stream.linear.scatter [tilespmem:s19], [sflag:$0x3], $0x8000, $0x38;
	[tilespmem:$0x16000] =	vst v63  }
.LBB2_8:
0xc7: {  	[tilespmem:s25], [sflag:$0x1] =	stream.linear.gather [hbm4b:s29+s3], $0x80, $0x38;
	[tilespmem:$0x16000] =	vst v63  }
0xc8: {  	s0 =	smov.u32 s26;
	s25 =	smov.u32 s28;
	p0 =	sne.s32 s26, $0xF80  }
.Ltmp3:
0xc9: {  	s26 =	sadd.s32 $0x80, s26;
	(pc) =	sbr.rel @p0 .LBB2_8-.Ltmp3, $2  }
0xca: {  	_ =	sdelay $0x2  }
0xcb: {  	s28 =	sadd.s32 $0x100, s28;
	s29 =	sadd.s32 s0, s9  }
0xcc: {  	[tilespmem:s25], [sflag:$0x1] =	stream.linear.gather [hbm4b:s29+s3], $0x80, $0x38;
	[tilespmem:$0x16000] =	vst v63  }
0xcd: {  	_ =	swait.ge [sflag:s20], $0x1000  }
0xce: {  	[sflag:s20] =	ssyncset.done $0x0  }
0xcf: {  	s0 =	simm.s32 $0x40F0;
	[sflag:s20] =	ssyncadd.s32 $0xFFFFF000  }
0xd0: {  	v0 =	vld [tilespmem:s0+$0x0];
	_ =	sdelay $0x3  }
0xd1: {  	v1 =	vld [tilespmem:s0+$0xFFFFFFA0]  }
0xd2: {  	v2 =	vshll.u32 v0, $0x3  }
0xd3: {  	v3 =	vld [tilespmem:s0+$0xFFFFFFB0];
	v0 =	vand.u32 $0x7F, v0;
	v2 =	vand.u32 $0xFFFFFC00, v2  }
0xd4: {  	v5 =	vld [tilespmem:s0+$0xFFFFFF90];
	v4 =	vor.u32 v0, v2;
	_ =	sdelay $0x1  }
0xd5: {  	v2 =	vld [tilespmem:s0+$0xFFFFFFC0];
	v0 =	vshll.u32 v1, $0x3  }
0xd6: {  	v7 =	vld [tilespmem:s0+$0xFFFFFFE0];
	v1 =	vand.u32 $0x7F, v1;
	v8 =	vand.u32 $0xFFFFFC00, v0  }
0xd7: {  	v6 =	vld [tilespmem:s0+$0xFFFFFFD0];
	v0 =	vshll.u32 v3, $0x3;
	v1 =	vor.u32 v1, v8  }
0xd8: {  	v11 =	vor.u32 $0x80, v4;
	v9 =	vand.u32 $0xFFFFFC00, v0;
	v0 =	vshll.u32 v5, $0x3;
	v10 =	vld.idx.msk [tilespmem:v4+s3+$0x0], $0xffff  }
0xd9: {  	v12 =	vld [tilespmem:s0+$0xFFFFFFF0];
	v3 =	vand.u32 $0x7F, v3;
	v5 =	vand.u32 $0x7F, v5;
	v0 =	vand.u32 $0xFFFFFC00, v0  }
0xda: {  	v0 =	vor.u32 v5, v0;
	v13 =	vshll.u32 v2, $0x3;
	v8 =	vand.u32 $0x7F, v2  }
0xdb: {  	v2 =	vor.u32 v3, v9;
	v9 =	vshll.u32 v7, $0x3;
	v5 =	vand.u32 $0xFFFFFC00, v13  }
0xdc: {  	s25 =	simm.s32 $0xE3F0;
	v13 =	vshll.u32 v6, $0x3;
	v3 =	vor.u32 v8, v5;
	v5 =	vand.u32 $0xFFFFFC00, v9;
	v9 =	vld.idx.msk [tilespmem:v1+s3+$0x0], $0xffff  }
0xdd: {  	v15 =	vor.u32 $0x80, v1;
	v6 =	vand.u32 $0x7F, v6;
	v13 =	vand.u32 $0xFFFFFC00, v13;
	[tilespmem:s25+$0xFFFFFC80] =	vst v10  }
0xde: {  	v7 =	vand.u32 $0x7F, v7;
	v8 =	vshll.u32 v12, $0x3;
	v10 =	vor.u32 v6, v13;
	v6 =	vld.idx.msk [tilespmem:v11+s3+$0x0], $0xffff  }
0xdf: {  	v11 =	vor.u32 v7, v5;
	v5 =	vld.idx.msk [tilespmem:v0+s3+$0x0], $0xffff;
	v7 =	vand.u32 $0xFFFFFC00, v8;
	v8 =	vand.u32 $0x7F, v12  }
0xe0: {  	v13 =	vor.u32 $0x100, v4;
	v12 =	vor.u32 v8, v7;
	v7 =	vld.idx.msk [tilespmem:v2+s3+$0x0], $0xffff  }
0xe1: {  	v8 =	vor.u32 $0x80, v0;
	v14 =	vld.idx.msk [tilespmem:v3+s3+$0x0], $0xffff;
	[tilespmem:s25+$0xFFFFFC20] =	vst v9  }
0xe2: {  	v15 =	vld.idx.msk [tilespmem:v15+s3+$0x0], $0xffff  }
0xe3: {  	v17 =	vor.u32 $0x80, v2;
	v16 =	vld.idx.msk [tilespmem:v10+s3+$0x0], $0xffff  }
0xe4: {  	v18 =	vld.idx.msk [tilespmem:v11+s3+$0x0], $0xffff;
	[tilespmem:s25+$0xFFFFFD00] =	vst v6;
	v6 =	vor.u32 $0x80, v3  }
0xe5: {  	[tilespmem:s25+$0xFFFFFC10] =	vst v5;
	v5 =	vld.idx.msk [tilespmem:v13+s3+$0x0], $0xffff;
	v13 =	vor.u32 $0x80, v10  }
0xe6: {  	v19 =	vor.u32 $0x80, v11;
	v8 =	vld.idx.msk [tilespmem:v8+s3+$0x0], $0xffff;
	[tilespmem:s25+$0xFFFFFC30] =	vst v7  }
0xe7: {  	v9 =	vld.idx.msk [tilespmem:v12+s3+$0x0], $0xffff;
	v7 =	vor.u32 $0x180, v4;
	[tilespmem:s25+$0xFFFFFC40] =	vst v14  }
0xe8: {  	v14 =	vor.u32 $0x80, v12;
	v17 =	vld.idx.msk [tilespmem:v17+s3+$0x0], $0xffff;
	[tilespmem:s25+$0xFFFFFC50] =	vst v16  }
0xe9: {  	v16 =	vor.u32 $0x100, v0;
	v6 =	vld.idx.msk [tilespmem:v6+s3+$0x0], $0xffff;
	[tilespmem:s25+$0xFFFFFC60] =	vst v18  }
0xea: {  	v18 =	vor.u32 $0x100, v1;
	v13 =	vld.idx.msk [tilespmem:v13+s3+$0x0], $0xffff;
	[tilespmem:s25+$0xFFFFFD80] =	vst v5  }
0xeb: {  	v5 =	vor.u32 $0x100, v2;
	[tilespmem:s25+$0xFFFFFC90] =	vst v8;
	v8 =	vld.idx.msk [tilespmem:v19+s3+$0x0], $0xffff  }
0xec: {  	[tilespmem:s25+$0xFFFFFC70] =	vst v9;
	v9 =	vor.u32 $0x100, v3;
	v7 =	vld.idx.msk [tilespmem:v7+s3+$0x0], $0xffff  }
0xed: {  	[tilespmem:s25+$0xFFFFFCA0] =	vst v15;
	v19 =	vor.u32 $0x100, v10;
	v14 =	vld.idx.msk [tilespmem:v14+s3+$0x0], $0xffff  }
0xee: {  	[tilespmem:s25+$0xFFFFFCB0] =	vst v17;
	v17 =	vor.u32 $0x100, v11;
	v16 =	vld.idx.msk [tilespmem:v16+s3+$0x0], $0xffff  }
0xef: {  	v15 =	vor.u32 $0x200, v4;
	v18 =	vld.idx.msk [tilespmem:v18+s3+$0x0], $0xffff;
	[tilespmem:s25+$0xFFFFFCC0] =	vst v6  }
0xf0: {  	v6 =	vor.u32 $0x100, v12;
	v5 =	vld.idx.msk [tilespmem:v5+s3+$0x0], $0xffff;
	[tilespmem:s25+$0xFFFFFCD0] =	vst v13  }
0xf1: {  	v13 =	vor.u32 $0x180, v0;
	v9 =	vld.idx.msk [tilespmem:v9+s3+$0x0], $0xffff;
	[tilespmem:s25+$0xFFFFFCE0] =	vst v8  }
0xf2: {  	[tilespmem:s25+$0xFFFFFE00] =	vst v7;
	v7 =	vor.u32 $0x180, v1;
	v19 =	vld.idx.msk [tilespmem:v19+s3+$0x0], $0xffff  }
0xf3: {  	[tilespmem:s25+$0xFFFFFCF0] =	vst v14;
	v14 =	vld.idx.msk [tilespmem:v17+s3+$0x0], $0xffff;
	v17 =	vor.u32 $0x180, v3  }
0xf4: {  	v8 =	vld.idx.msk [tilespmem:v15+s3+$0x0], $0xffff;
	v15 =	vor.u32 $0x180, v2;
	[tilespmem:s25+$0xFFFFFD10] =	vst v16  }
0xf5: {  	v16 =	vor.u32 $0x280, v4;
	[tilespmem:s25+$0xFFFFFD20] =	vst v18;
	v6 =	vld.idx.msk [tilespmem:v6+s3+$0x0], $0xffff  }
0xf6: {  	v18 =	vor.u32 $0x180, v10;
	v13 =	vld.idx.msk [tilespmem:v13+s3+$0x0], $0xffff;
	[tilespmem:s25+$0xFFFFFD30] =	vst v5  }
0xf7: {  	v5 =	vor.u32 $0x180, v11;
	[tilespmem:s25+$0xFFFFFD40] =	vst v9;
	v7 =	vld.idx.msk [tilespmem:v7+s3+$0x0], $0xffff  }
0xf8: {  	v9 =	vor.u32 $0x180, v12;
	[tilespmem:s25+$0xFFFFFD50] =	vst v19;
	v17 =	vld.idx.msk [tilespmem:v17+s3+$0x0], $0xffff  }
0xf9: {  	v15 =	vld.idx.msk [tilespmem:v15+s3+$0x0], $0xffff;
	[tilespmem:s25+$0xFFFFFE80] =	vst v8;
	v8 =	vor.u32 $0x200, v0  }
0xfa: {  	v19 =	vor.u32 $0x200, v1;
	[tilespmem:s25+$0xFFFFFD60] =	vst v14;
	v16 =	vld.idx.msk [tilespmem:v16+s3+$0x0], $0xffff  }
0xfb: {  	v14 =	vld.idx.msk [tilespmem:v18+s3+$0x0], $0xffff;
	[tilespmem:s25+$0xFFFFFD70] =	vst v6;
	v6 =	vor.u32 $0x300, v4  }
0xfc: {  	v18 =	vor.u32 $0x200, v2;
	[tilespmem:s25+$0xFFFFFD90] =	vst v13;
	v5 =	vld.idx.msk [tilespmem:v5+s3+$0x0], $0xffff  }
0xfd: {  	v13 =	vor.u32 $0x200, v3;
	[tilespmem:s25+$0xFFFFFDA0] =	vst v7;
	v7 =	vld.idx.msk [tilespmem:v9+s3+$0x0], $0xffff  }
0xfe: {  	v9 =	vor.u32 $0x200, v10;
	v8 =	vld.idx.msk [tilespmem:v8+s3+$0x0], $0xffff;
	[tilespmem:s25+$0xFFFFFDB0] =	vst v15  }
0xff: {  	v15 =	vor.u32 $0x200, v11;
	v19 =	vld.idx.msk [tilespmem:v19+s3+$0x0], $0xffff;
	[tilespmem:s25+$0xFFFFFF00] =	vst v16  }
0x100: {  	[tilespmem:s25+$0xFFFFFDC0] =	vst v17;
	v16 =	vor.u32 $0x200, v12;
	v6 =	vld.idx.msk [tilespmem:v6+s3+$0x0], $0xffff  }
0x101: {  	v17 =	vor.u32 $0x280, v0;
	v18 =	vld.idx.msk [tilespmem:v18+s3+$0x0], $0xffff;
	[tilespmem:s25+$0xFFFFFDD0] =	vst v14  }
0x102: {  	v4 =	vor.u32 $0x380, v4;
	v13 =	vld.idx.msk [tilespmem:v13+s3+$0x0], $0xffff;
	[tilespmem:s25+$0xFFFFFDE0] =	vst v5  }
0x103: {  	v5 =	vor.u32 $0x280, v1;
	v9 =	vld.idx.msk [tilespmem:v9+s3+$0x0], $0xffff;
	[tilespmem:s25+$0xFFFFFDF0] =	vst v7  }
0x104: {  	v7 =	vor.u32 $0x280, v2;
	[tilespmem:s25+$0xFFFFFE10] =	vst v8;
	v8 =	vld.idx.msk [tilespmem:v15+s3+$0x0], $0xffff  }
0x105: {  	v14 =	vor.u32 $0x280, v3;
	[tilespmem:s25+$0xFFFFFE20] =	vst v19;
	v15 =	vld.idx.msk [tilespmem:v16+s3+$0x0], $0xffff  }
0x106: {  	v16 =	vor.u32 $0x280, v10;
	v17 =	vld.idx.msk [tilespmem:v17+s3+$0x0], $0xffff;
	[tilespmem:s25+$0xFFFFFF80] =	vst v6  }
0x107: {  	v6 =	vor.u32 $0x280, v11;
	[tilespmem:s25+$0xFFFFFE30] =	vst v18;
	v4 =	vld.idx.msk [tilespmem:v4+s3+$0x0], $0xffff  }
0x108: {  	v18 =	vor.u32 $0x280, v12;
	v5 =	vld.idx.msk [tilespmem:v5+s3+$0x0], $0xffff;
	[tilespmem:s25+$0xFFFFFE40] =	vst v13  }
0x109: {  	v13 =	vor.u32 $0x300, v0;
	v7 =	vld.idx.msk [tilespmem:v7+s3+$0x0], $0xffff;
	[tilespmem:s25+$0xFFFFFE50] =	vst v9  }
0x10a: {  	v9 =	vor.u32 $0x300, v1;
	v19 =	vld.idx.msk [tilespmem:v14+s3+$0x0], $0xffff;
	[tilespmem:s25+$0xFFFFFE60] =	vst v8  }
0x10b: {  	v20 =	vor.u32 $0x300, v2;
	v21 =	vld.idx.msk [tilespmem:v16+s3+$0x0], $0xffff;
	[tilespmem:s25+$0xFFFFFE70] =	vst v15  }
0x10c: {  	v22 =	vor.u32 $0x300, v3;
	[tilespmem:s25+$0xFFFFFE90] =	vst v17;
	v17 =	vld.idx.msk [tilespmem:v6+s3+$0x0], $0xffff  }
0x10d: {  	v23 =	vor.u32 $0x300, v10;
	v15 =	vld.idx.msk [tilespmem:v18+s3+$0x0], $0xffff;
	[tilespmem:s25+$0x0] =	vst v4  }
0x10e: {  	v14 =	vld.idx.msk [tilespmem:v13+s3+$0x0], $0xffff;
	[tilespmem:s25+$0xFFFFFEA0] =	vst v5  }
0x10f: {  	v13 =	vld.idx.msk [tilespmem:v9+s3+$0x0], $0xffff;
	[tilespmem:s25+$0xFFFFFEB0] =	vst v7  }
0x110: {  	v8 =	vor.u32 $0x300, v11;
	v6 =	vor.u32 $0x380, v1;
	v1 =	vor.u32 $0x380, v11;
	[tilespmem:s25+$0xFFFFFEC0] =	vst v19;
	v16 =	vld.idx.msk [tilespmem:v20+s3+$0x0], $0xffff  }
0x111: {  	v5 =	vor.u32 $0x380, v2;
	v4 =	vor.u32 $0x380, v3;
	v2 =	vor.u32 $0x380, v10;
	v3 =	vld.idx.msk [tilespmem:v22+s3+$0x0], $0xffff;
	[tilespmem:s25+$0xFFFFFED0] =	vst v21  }
0x112: {  	s28 =	simm.s32 $0x0;
	s29 =	simm.s32 $0x41F0;
	s26 =	simm.s32 $0xE3F0;
	v7 =	vor.u32 $0x380, v0;
	v9 =	vor.u32 $0x300, v12;
	v0 =	vor.u32 $0x380, v12;
	v10 =	vld.idx.msk [tilespmem:v23+s3+$0x0], $0xffff;
	[tilespmem:s25+$0xFFFFFEE0] =	vst v17  }
.LBB2_10:
0x113: {  	v11 =	vld [tilespmem:s29+$0x0];
	s28 =	sadd.s32 $0x8, s28;
	[tilespmem:s25+$0xFFFFFEF0] =	vst v15  }
0x114: {  	v12 =	vld [tilespmem:s29+$0xFFFFFFA0];
	p0 =	slt.u32 s28, $0xF8;
	[tilespmem:s25+$0xFFFFFF10] =	vst v14  }
0x115: {  	v14 =	vld [tilespmem:s29+$0xFFFFFFB0];
	[tilespmem:s25+$0xFFFFFF20] =	vst v13  }
0x116: {  	v13 =	vld [tilespmem:s29+$0xFFFFFFC0];
	[tilespmem:s25+$0xFFFFFF30] =	vst v16  }
0x117: {  	v15 =	vld [tilespmem:s29+$0xFFFFFFD0];
	[tilespmem:s25+$0xFFFFFF40] =	vst v3  }
0x118: {  	v16 =	vld [tilespmem:s29+$0xFFFFFFE0];
	v3 =	vshll.u32 v11, $0x3;
	[tilespmem:s25+$0xFFFFFF50] =	vst v10  }
0x119: {  	v11 =	vand.u32 $0x7F, v11;
	v10 =	vshll.u32 v12, $0x3;
	v17 =	vld [tilespmem:s29+$0xFFFFFFF0];
	v3 =	vand.u32 $0xFFFFFC00, v3  }
0x11a: {  	v18 =	vld [tilespmem:s29+$0xFFFFFF90];
	v10 =	vand.u32 $0xFFFFFC00, v10;
	v19 =	vshll.u32 v14, $0x3;
	v3 =	vor.u32 v11, v3  }
0x11b: {  	v11 =	vand.u32 $0x7F, v12;
	v12 =	vand.u32 $0xFFFFFC00, v19;
	v19 =	vshll.u32 v13, $0x3;
	v8 =	vld.idx.msk [tilespmem:v8+s3+$0x0], $0xffff  }
0x11c: {  	v14 =	vand.u32 $0x7F, v14;
	v19 =	vand.u32 $0xFFFFFC00, v19;
	v20 =	vshll.u32 v15, $0x3;
	v9 =	vld.idx.msk [tilespmem:v9+s3+$0x0], $0xffff  }
0x11d: {  	v13 =	vand.u32 $0x7F, v13;
	v20 =	vand.u32 $0xFFFFFC00, v20;
	v21 =	vshll.u32 v16, $0x3;
	v7 =	vld.idx.msk [tilespmem:v7+s3+$0x0], $0xffff  }
0x11e: {  	v15 =	vand.u32 $0x7F, v15;
	v21 =	vand.u32 $0xFFFFFC00, v21;
	v22 =	vshll.u32 v17, $0x3;
	v6 =	vld.idx.msk [tilespmem:v6+s3+$0x0], $0xffff  }
0x11f: {  	v23 =	vand.u32 $0x7F, v18;
	v18 =	vshll.u32 v18, $0x3;
	v22 =	vand.u32 $0xFFFFFC00, v22;
	v24 =	vld.idx.msk [tilespmem:v3+s3+$0x0], $0xffff  }
0x120: {  	v16 =	vand.u32 $0x7F, v16;
	v17 =	vand.u32 $0x7F, v17;
	v18 =	vand.u32 $0xFFFFFC00, v18;
	v5 =	vld.idx.msk [tilespmem:v5+s3+$0x0], $0xffff  }
0x121: {  	v25 =	vor.u32 v11, v10;
	v10 =	vor.u32 $0x80, v3;
	v23 =	vor.u32 v23, v18;
	v4 =	vld.idx.msk [tilespmem:v4+s3+$0x0], $0xffff;
	[tilespmem:s25+$0xFFFFFF60] =	vst v8  }
0x122: {  	v26 =	vor.u32 v14, v12;
	v27 =	vor.u32 v13, v19;
	v28 =	vor.u32 v15, v20;
	[tilespmem:s25+$0xFFFFFF70] =	vst v9  }
0x123: {  	v21 =	vor.u32 v16, v21;
	v22 =	vor.u32 v17, v22;
	v8 =	vor.u32 $0x80, v23;
	[tilespmem:s25+$0xFFFFFF90] =	vst v7;
	v2 =	vld.idx.msk [tilespmem:v2+s3+$0x0], $0xffff  }
0x124: {  	v29 =	vor.u32 $0x80, v27;
	v9 =	vor.u32 $0x80, v26;
	v7 =	vor.u32 $0x80, v25;
	s25 =	sadd.s32 $0x400, s25;
	[tilespmem:s26+$0xFFFFFFA0] =	vst v6;
	v1 =	vld.idx.msk [tilespmem:v1+s3+$0x0], $0xffff  }
0x125: {  	v30 =	vor.u32 $0x80, v28;
	v31 =	vor.u32 $0x80, v21;
	v32 =	vor.u32 $0x80, v22;
	[tilespmem:s25+$0xFFFFFC80] =	vst v24;
	v0 =	vld.idx.msk [tilespmem:v0+s3+$0x0], $0xffff  }
0x126: {  	v33 =	vor.u32 $0x100, v25;
	v34 =	vor.u32 $0x100, v26;
	v24 =	vor.u32 $0x100, v23;
	v6 =	vld.idx.msk [tilespmem:v10+s3+$0x0], $0xffff;
	[tilespmem:s26+$0xFFFFFFB0] =	vst v5  }
0x127: {  	v35 =	vor.u32 $0x100, v27;
	v36 =	vor.u32 $0x100, v28;
	v37 =	vor.u32 $0x100, v21;
	v5 =	vld.idx.msk [tilespmem:v23+s3+$0x0], $0xffff;
	[tilespmem:s26+$0xFFFFFFC0] =	vst v4  }
0x128: {  	v39 =	vor.u32 $0x100, v22;
	v38 =	vor.u32 $0x180, v23;
	v10 =	vor.u32 $0x100, v3;
	v4 =	vld.idx.msk [tilespmem:v25+s3+$0x0], $0xffff  }
0x129: {  	v40 =	vor.u32 $0x180, v25;
	v41 =	vor.u32 $0x180, v26;
	v42 =	vor.u32 $0x180, v27;
	v11 =	vld.idx.msk [tilespmem:v26+s3+$0x0], $0xffff;
	[tilespmem:s26+$0xFFFFFFD0] =	vst v2  }
0x12a: {  	v43 =	vor.u32 $0x180, v28;
	v44 =	vor.u32 $0x180, v21;
	v45 =	vor.u32 $0x180, v22;
	v2 =	vld.idx.msk [tilespmem:v27+s3+$0x0], $0xffff;
	[tilespmem:s26+$0xFFFFFFE0] =	vst v1  }
0x12b: {  	v47 =	vor.u32 $0x200, v25;
	v48 =	vor.u32 $0x200, v26;
	v46 =	vor.u32 $0x200, v23;
	v1 =	vld.idx.msk [tilespmem:v28+s3+$0x0], $0xffff;
	[tilespmem:s26+$0xFFFFFFF0] =	vst v0;
	s26 =	smov.u32 s25  }
0x12c: {  	v49 =	vor.u32 $0x200, v27;
	v50 =	vor.u32 $0x200, v28;
	v51 =	vor.u32 $0x200, v21;
	v0 =	vld.idx.msk [tilespmem:v21+s3+$0x0], $0xffff;
	[tilespmem:s25+$0xFFFFFD00] =	vst v6  }
0x12d: {  	v18 =	vor.u32 $0x280, v25;
	v53 =	vor.u32 $0x200, v22;
	v52 =	vor.u32 $0x280, v23;
	[tilespmem:s25+$0xFFFFFC10] =	vst v5;
	v54 =	vld.idx.msk [tilespmem:v10+s3+$0x0], $0xffff  }
0x12e: {  	v20 =	vor.u32 $0x280, v26;
	v19 =	vor.u32 $0x280, v27;
	v15 =	vor.u32 $0x280, v28;
	[tilespmem:s25+$0xFFFFFC20] =	vst v4;
	v55 =	vld.idx.msk [tilespmem:v22+s3+$0x0], $0xffff  }
0x12f: {  	v57 =	vor.u32 $0x180, v3;
	v17 =	vor.u32 $0x280, v21;
	v16 =	vor.u32 $0x280, v22;
	v56 =	vld.idx.msk [tilespmem:v8+s3+$0x0], $0xffff;
	[tilespmem:s25+$0xFFFFFC30] =	vst v11  }
0x130: {  	v13 =	vor.u32 $0x300, v25;
	v14 =	vor.u32 $0x300, v23;
	v10 =	vor.u32 $0x300, v26;
	v58 =	vld.idx.msk [tilespmem:v7+s3+$0x0], $0xffff;
	[tilespmem:s25+$0xFFFFFC40] =	vst v2  }
0x131: {  	v12 =	vor.u32 $0x300, v27;
	v11 =	vor.u32 $0x300, v28;
	v8 =	vor.u32 $0x300, v21;
	v59 =	vld.idx.msk [tilespmem:v9+s3+$0x0], $0xffff;
	[tilespmem:s25+$0xFFFFFC50] =	vst v1  }
0x132: {  	v6 =	vor.u32 $0x380, v25;
	v7 =	vor.u32 $0x380, v23;
	v9 =	vor.u32 $0x300, v22;
	v23 =	vld.idx.msk [tilespmem:v29+s3+$0x0], $0xffff;
	[tilespmem:s25+$0xFFFFFC60] =	vst v0  }
0x133: {  	v5 =	vor.u32 $0x380, v26;
	v4 =	vor.u32 $0x380, v27;
	v2 =	vor.u32 $0x380, v28;
	v25 =	vld.idx.msk [tilespmem:v30+s3+$0x0], $0xffff;
	[tilespmem:s25+$0xFFFFFD80] =	vst v54  }
0x134: {  	v1 =	vor.u32 $0x380, v21;
	v0 =	vor.u32 $0x380, v22;
	[tilespmem:s25+$0xFFFFFC70] =	vst v55;
	v21 =	vld.idx.msk [tilespmem:v57+s3+$0x0], $0xffff  }
0x135: {  	[tilespmem:s25+$0xFFFFFC90] =	vst v56;
	v22 =	vld.idx.msk [tilespmem:v31+s3+$0x0], $0xffff  }
0x136: {  	v27 =	vor.u32 $0x200, v3;
	[tilespmem:s25+$0xFFFFFCA0] =	vst v58;
	v26 =	vld.idx.msk [tilespmem:v32+s3+$0x0], $0xffff  }
0x137: {  	v24 =	vld.idx.msk [tilespmem:v24+s3+$0x0], $0xffff;
	[tilespmem:s25+$0xFFFFFCB0] =	vst v59  }
0x138: {  	v28 =	vld.idx.msk [tilespmem:v33+s3+$0x0], $0xffff;
	[tilespmem:s25+$0xFFFFFCC0] =	vst v23  }
0x139: {  	v23 =	vld.idx.msk [tilespmem:v34+s3+$0x0], $0xffff;
	[tilespmem:s25+$0xFFFFFCD0] =	vst v25  }
0x13a: {  	v25 =	vld.idx.msk [tilespmem:v35+s3+$0x0], $0xffff;
	[tilespmem:s25+$0xFFFFFE00] =	vst v21  }
0x13b: {  	[tilespmem:s25+$0xFFFFFCE0] =	vst v22;
	v21 =	vld.idx.msk [tilespmem:v27+s3+$0x0], $0xffff  }
0x13c: {  	v22 =	vld.idx.msk [tilespmem:v36+s3+$0x0], $0xffff;
	[tilespmem:s25+$0xFFFFFCF0] =	vst v26  }
0x13d: {  	v26 =	vor.u32 $0x280, v3;
	[tilespmem:s25+$0xFFFFFD10] =	vst v24;
	v24 =	vld.idx.msk [tilespmem:v37+s3+$0x0], $0xffff  }
0x13e: {  	[tilespmem:s25+$0xFFFFFD20] =	vst v28;
	v27 =	vld.idx.msk [tilespmem:v39+s3+$0x0], $0xffff  }
0x13f: {  	v28 =	vld.idx.msk [tilespmem:v38+s3+$0x0], $0xffff;
	[tilespmem:s25+$0xFFFFFD30] =	vst v23  }
0x140: {  	v23 =	vld.idx.msk [tilespmem:v40+s3+$0x0], $0xffff;
	[tilespmem:s25+$0xFFFFFD40] =	vst v25  }
0x141: {  	v25 =	vld.idx.msk [tilespmem:v41+s3+$0x0], $0xffff;
	[tilespmem:s25+$0xFFFFFE80] =	vst v21  }
0x142: {  	[tilespmem:s25+$0xFFFFFD50] =	vst v22;
	v21 =	vld.idx.msk [tilespmem:v26+s3+$0x0], $0xffff  }
0x143: {  	v22 =	vld.idx.msk [tilespmem:v42+s3+$0x0], $0xffff;
	[tilespmem:s25+$0xFFFFFD60] =	vst v24  }
0x144: {  	v26 =	vor.u32 $0x300, v3;
	v24 =	vld.idx.msk [tilespmem:v43+s3+$0x0], $0xffff;
	[tilespmem:s25+$0xFFFFFD70] =	vst v27  }
0x145: {  	[tilespmem:s25+$0xFFFFFD90] =	vst v28;
	v27 =	vld.idx.msk [tilespmem:v44+s3+$0x0], $0xffff  }
0x146: {  	[tilespmem:s25+$0xFFFFFDA0] =	vst v23;
	v23 =	vld.idx.msk [tilespmem:v45+s3+$0x0], $0xffff  }
0x147: {  	v28 =	vld.idx.msk [tilespmem:v46+s3+$0x0], $0xffff;
	[tilespmem:s25+$0xFFFFFDB0] =	vst v25  }
0x148: {  	v25 =	vld.idx.msk [tilespmem:v47+s3+$0x0], $0xffff;
	[tilespmem:s25+$0xFFFFFF00] =	vst v21  }
0x149: {  	[tilespmem:s25+$0xFFFFFDC0] =	vst v22;
	v21 =	vld.idx.msk [tilespmem:v26+s3+$0x0], $0xffff  }
0x14a: {  	v22 =	vld.idx.msk [tilespmem:v48+s3+$0x0], $0xffff;
	[tilespmem:s25+$0xFFFFFDD0] =	vst v24  }
0x14b: {  	v3 =	vor.u32 $0x380, v3;
	v24 =	vld.idx.msk [tilespmem:v49+s3+$0x0], $0xffff;
	[tilespmem:s25+$0xFFFFFDE0] =	vst v27  }
0x14c: {  	v26 =	vld.idx.msk [tilespmem:v50+s3+$0x0], $0xffff;
	[tilespmem:s25+$0xFFFFFDF0] =	vst v23  }
0x14d: {  	[tilespmem:s25+$0xFFFFFE10] =	vst v28;
	v23 =	vld.idx.msk [tilespmem:v51+s3+$0x0], $0xffff  }
0x14e: {  	[tilespmem:s25+$0xFFFFFE20] =	vst v25;
	v25 =	vld.idx.msk [tilespmem:v53+s3+$0x0], $0xffff  }
0x14f: {  	v27 =	vld.idx.msk [tilespmem:v52+s3+$0x0], $0xffff;
	[tilespmem:s25+$0xFFFFFF80] =	vst v21  }
0x150: {  	[tilespmem:s25+$0xFFFFFE30] =	vst v22;
	v3 =	vld.idx.msk [tilespmem:v3+s3+$0x0], $0xffff  }
0x151: {  	v18 =	vld.idx.msk [tilespmem:v18+s3+$0x0], $0xffff;
	[tilespmem:s25+$0xFFFFFE40] =	vst v24  }
0x152: {  	v20 =	vld.idx.msk [tilespmem:v20+s3+$0x0], $0xffff;
	[tilespmem:s25+$0xFFFFFE50] =	vst v26  }
0x153: {  	v19 =	vld.idx.msk [tilespmem:v19+s3+$0x0], $0xffff;
	[tilespmem:s25+$0xFFFFFE60] =	vst v23  }
0x154: {  	v21 =	vld.idx.msk [tilespmem:v15+s3+$0x0], $0xffff;
	[tilespmem:s25+$0xFFFFFE70] =	vst v25  }
0x155: {  	[tilespmem:s25+$0xFFFFFE90] =	vst v27;
	v17 =	vld.idx.msk [tilespmem:v17+s3+$0x0], $0xffff  }
0x156: {  	v15 =	vld.idx.msk [tilespmem:v16+s3+$0x0], $0xffff;
	[tilespmem:s25+$0x0] =	vst v3  }
.Ltmp4:
0x157: {  	v14 =	vld.idx.msk [tilespmem:v14+s3+$0x0], $0xffff;
	[tilespmem:s25+$0xFFFFFEA0] =	vst v18;
	(pc) =	sbr.rel @p0 .LBB2_10-.Ltmp4, $4  }
0x158: {  	v13 =	vld.idx.msk [tilespmem:v13+s3+$0x0], $0xffff;
	[tilespmem:s25+$0xFFFFFEB0] =	vst v20  }
0x159: {  	v16 =	vld.idx.msk [tilespmem:v10+s3+$0x0], $0xffff;
	[tilespmem:s25+$0xFFFFFEC0] =	vst v19  }
0x15a: {  	v3 =	vld.idx.msk [tilespmem:v12+s3+$0x0], $0xffff;
	[tilespmem:s25+$0xFFFFFED0] =	vst v21  }
0x15b: {  	s29 =	sadd.s32 $0x100, s29;
	v10 =	vld.idx.msk [tilespmem:v11+s3+$0x0], $0xffff;
	[tilespmem:s25+$0xFFFFFEE0] =	vst v17  }
0x15c: {  	_ =	sdelay $0x2  }
0x15d: {  	[tilespmem:s25+$0xFFFFFEF0] =	vst v15  }
0x15e: {  	[tilespmem:s25+$0xFFFFFF10] =	vst v14;
	v8 =	vld.idx.msk [tilespmem:v8+s3+$0x0], $0xffff  }
0x15f: {  	[tilespmem:s25+$0xFFFFFF20] =	vst v13;
	v9 =	vld.idx.msk [tilespmem:v9+s3+$0x0], $0xffff  }
0x160: {  	v7 =	vld.idx.msk [tilespmem:v7+s3+$0x0], $0xffff;
	[tilespmem:s25+$0xFFFFFF30] =	vst v16  }
0x161: {  	v63 =	vld.idx.msk [tilespmem:v6+s3+$0x0], $0xffff;
	[tilespmem:s25+$0xFFFFFF40] =	vst v3  }
0x162: {  	v5 =	vld.idx.msk [tilespmem:v5+s3+$0x0], $0xffff;
	[tilespmem:s25+$0xFFFFFF50] =	vst v10  }
0x163: {  	v4 =	vld.idx.msk [tilespmem:v4+s3+$0x0], $0xffff;
	[tilespmem:s25+$0xFFFFFF60] =	vst v8  }
0x164: {  	v2 =	vld.idx.msk [tilespmem:v2+s3+$0x0], $0xffff;
	[tilespmem:s25+$0xFFFFFF70] =	vst v9  }
0x165: {  	[tilespmem:s25+$0xFFFFFF90] =	vst v7;
	v1 =	vld.idx.msk [tilespmem:v1+s3+$0x0], $0xffff  }
0x166: {  	[tilespmem:s26+$0xFFFFFFA0] =	vst v63;
	v0 =	vld.idx.msk [tilespmem:v0+s3+$0x0], $0xffff  }
0x167: {  	[tilespmem:s26+$0xFFFFFFB0] =	vst v5  }
0x168: {  	[tilespmem:s26+$0xFFFFFFC0] =	vst v4  }
0x169: {  	[tilespmem:s26+$0xFFFFFFD0] =	vst v2  }
0x16a: {  	[tilespmem:s26+$0xFFFFFFE0] =	vst v1  }
0x16b: {  	s25 =	simm.s32 $0x1;
	[tilespmem:s26+$0xFFFFFFF0] =	vst v0  }
0x16c: {  	[hbm4b:s11+s3] =	stream.linear.scatter [tilespmem:s21], [sflag:$0x4], $0x8000, $0x38;
	[tilespmem:$0x16000] =	vst v63  }
.LBB2_12:
0x16d: {  	s26 =	sshll.u32 s25, $0xC  }
0x16e: {  	s29 =	simm.s32 $0x4080;
	s28 =	sadd.s32 s16, s26  }
0x16f: {  	s30 =	simm.s32 $0x80;
	s31 =	simm.s32 $0x4180;
	s0 =	sadd.s32 $0x0, s28  }
.LBB2_13:
0x170: {  	[tilespmem:s29], [sflag:$0x2] =	stream.linear.gather [hbm4b:s0+s3], $0x80, $0x38;
	[tilespmem:$0x16000] =	vst v63  }
0x171: {  	s0 =	smov.u32 s30;
	s29 =	smov.u32 s31;
	p0 =	sne.s32 s30, $0xF80  }
.Ltmp5:
0x172: {  	s30 =	sadd.s32 $0x80, s30;
	(pc) =	sbr.rel @p0 .LBB2_13-.Ltmp5, $2  }
0x173: {  	_ =	sdelay $0x2  }
0x174: {  	s31 =	sadd.s32 $0x100, s31;
	s0 =	sadd.s32 s0, s28  }
0x175: {  	[tilespmem:s29], [sflag:$0x2] =	stream.linear.gather [hbm4b:s0+s3], $0x80, $0x38;
	[tilespmem:$0x16000] =	vst v63  }
0x176: {  	_ =	swait.ge [sflag:s18], $0x1000  }
0x177: {  	[sflag:s18] =	ssyncset.done $0x0  }
0x178: {  	[sflag:s18] =	ssyncadd.s32 $0xFFFFF000  }
0x179: {  	_ =	swait.ge [sflag:s22], $0x8000  }
0x17a: {  	[sflag:s22] =	ssyncset.done $0x0  }
0x17b: {  	s0 =	simm.s32 $0x4040;
	[sflag:s22] =	ssyncadd.s32 $0xFFFF8000  }
0x17c: {  	v0 =	vld [tilespmem:s0+$0x30];
	_ =	sdelay $0x3  }
0x17d: {  	v1 =	vld [tilespmem:s0+$0xFFFFFFD0]  }
0x17e: {  	v2 =	vshll.u32 v0, $0x3  }
0x17f: {  	v3 =	vld [tilespmem:s0+$0xFFFFFFE0];
	v0 =	vand.u32 $0x7F, v0;
	v2 =	vand.u32 $0xFFFFFC00, v2  }
0x180: {  	v5 =	vld [tilespmem:s0+$0xFFFFFFC0];
	v4 =	vor.u32 v0, v2;
	_ =	sdelay $0x1  }
0x181: {  	v2 =	vld [tilespmem:s0+$0xFFFFFFF0];
	v0 =	vshll.u32 v1, $0x3  }
0x182: {  	v7 =	vld [tilespmem:s0+$0x10];
	v1 =	vand.u32 $0x7F, v1;
	v8 =	vand.u32 $0xFFFFFC00, v0  }
0x183: {  	v6 =	vld [tilespmem:s0+$0x0];
	v0 =	vshll.u32 v3, $0x3;
	v1 =	vor.u32 v1, v8  }
0x184: {  	v11 =	vor.u32 $0x80, v4;
	v9 =	vand.u32 $0xFFFFFC00, v0;
	v0 =	vshll.u32 v5, $0x3;
	v10 =	vld.idx.msk [tilespmem:v4+s3+$0x0], $0xffff  }
0x185: {  	v12 =	vld [tilespmem:s0+$0x20];
	v3 =	vand.u32 $0x7F, v3;
	v5 =	vand.u32 $0x7F, v5;
	v0 =	vand.u32 $0xFFFFFC00, v0  }
0x186: {  	v0 =	vor.u32 v5, v0;
	v13 =	vshll.u32 v2, $0x3;
	v8 =	vand.u32 $0x7F, v2  }
0x187: {  	v2 =	vor.u32 v3, v9;
	v9 =	vshll.u32 v7, $0x3;
	v5 =	vand.u32 $0xFFFFFC00, v13  }
0x188: {  	s28 =	simm.s32 $0x6200;
	v13 =	vshll.u32 v6, $0x3;
	v3 =	vor.u32 v8, v5;
	v5 =	vand.u32 $0xFFFFFC00, v9;
	v9 =	vld.idx.msk [tilespmem:v1+s3+$0x0], $0xffff  }
0x189: {  	v15 =	vor.u32 $0x80, v1;
	v6 =	vand.u32 $0x7F, v6;
	v13 =	vand.u32 $0xFFFFFC00, v13;
	[tilespmem:s28+$0xFFFFFE70] =	vst v10  }
0x18a: {  	v7 =	vand.u32 $0x7F, v7;
	v8 =	vshll.u32 v12, $0x3;
	v10 =	vor.u32 v6, v13;
	v6 =	vld.idx.msk [tilespmem:v11+s3+$0x0], $0xffff  }
0x18b: {  	v11 =	vor.u32 v7, v5;
	v5 =	vld.idx.msk [tilespmem:v0+s3+$0x0], $0xffff;
	v7 =	vand.u32 $0xFFFFFC00, v8;
	v8 =	vand.u32 $0x7F, v12  }
0x18c: {  	v13 =	vor.u32 $0x100, v4;
	v12 =	vor.u32 v8, v7;
	v7 =	vld.idx.msk [tilespmem:v2+s3+$0x0], $0xffff  }
0x18d: {  	v8 =	vor.u32 $0x80, v0;
	v14 =	vld.idx.msk [tilespmem:v3+s3+$0x0], $0xffff;
	[tilespmem:s28+$0xFFFFFE10] =	vst v9  }
0x18e: {  	v15 =	vld.idx.msk [tilespmem:v15+s3+$0x0], $0xffff  }
0x18f: {  	v17 =	vor.u32 $0x80, v2;
	v16 =	vld.idx.msk [tilespmem:v10+s3+$0x0], $0xffff  }
0x190: {  	v18 =	vld.idx.msk [tilespmem:v11+s3+$0x0], $0xffff;
	[tilespmem:s28+$0xFFFFFEF0] =	vst v6;
	v6 =	vor.u32 $0x80, v3  }
0x191: {  	[tilespmem:s28+$0xFFFFFE00] =	vst v5;
	v5 =	vld.idx.msk [tilespmem:v13+s3+$0x0], $0xffff;
	v13 =	vor.u32 $0x80, v10  }
0x192: {  	v19 =	vor.u32 $0x80, v11;
	v8 =	vld.idx.msk [tilespmem:v8+s3+$0x0], $0xffff;
	[tilespmem:s28+$0xFFFFFE20] =	vst v7  }
0x193: {  	v9 =	vld.idx.msk [tilespmem:v12+s3+$0x0], $0xffff;
	v7 =	vor.u32 $0x180, v4;
	[tilespmem:s28+$0xFFFFFE30] =	vst v14  }
0x194: {  	v14 =	vor.u32 $0x80, v12;
	v17 =	vld.idx.msk [tilespmem:v17+s3+$0x0], $0xffff;
	[tilespmem:s28+$0xFFFFFE40] =	vst v16  }
0x195: {  	v16 =	vor.u32 $0x100, v0;
	v6 =	vld.idx.msk [tilespmem:v6+s3+$0x0], $0xffff;
	[tilespmem:s28+$0xFFFFFE50] =	vst v18  }
0x196: {  	v18 =	vor.u32 $0x100, v1;
	v13 =	vld.idx.msk [tilespmem:v13+s3+$0x0], $0xffff;
	[tilespmem:s28+$0xFFFFFF70] =	vst v5  }
0x197: {  	v5 =	vor.u32 $0x100, v2;
	[tilespmem:s28+$0xFFFFFE80] =	vst v8;
	v8 =	vld.idx.msk [tilespmem:v19+s3+$0x0], $0xffff  }
0x198: {  	[tilespmem:s28+$0xFFFFFE60] =	vst v9;
	v9 =	vor.u32 $0x100, v3;
	v7 =	vld.idx.msk [tilespmem:v7+s3+$0x0], $0xffff  }
0x199: {  	[tilespmem:s28+$0xFFFFFE90] =	vst v15;
	v19 =	vor.u32 $0x100, v10;
	v14 =	vld.idx.msk [tilespmem:v14+s3+$0x0], $0xffff  }
0x19a: {  	[tilespmem:s28+$0xFFFFFEA0] =	vst v17;
	v17 =	vor.u32 $0x100, v11;
	v16 =	vld.idx.msk [tilespmem:v16+s3+$0x0], $0xffff  }
0x19b: {  	v15 =	vor.u32 $0x200, v4;
	v18 =	vld.idx.msk [tilespmem:v18+s3+$0x0], $0xffff;
	[tilespmem:s28+$0xFFFFFEB0] =	vst v6  }
0x19c: {  	v6 =	vor.u32 $0x100, v12;
	v5 =	vld.idx.msk [tilespmem:v5+s3+$0x0], $0xffff;
	[tilespmem:s28+$0xFFFFFEC0] =	vst v13  }
0x19d: {  	v13 =	vor.u32 $0x180, v0;
	v9 =	vld.idx.msk [tilespmem:v9+s3+$0x0], $0xffff;
	[tilespmem:s28+$0xFFFFFED0] =	vst v8  }
0x19e: {  	[tilespmem:s28+$0xFFFFFFF0] =	vst v7;
	v7 =	vor.u32 $0x180, v1;
	v19 =	vld.idx.msk [tilespmem:v19+s3+$0x0], $0xffff  }
0x19f: {  	[tilespmem:s28+$0xFFFFFEE0] =	vst v14;
	v14 =	vld.idx.msk [tilespmem:v17+s3+$0x0], $0xffff;
	v17 =	vor.u32 $0x180, v3  }
0x1a0: {  	v8 =	vld.idx.msk [tilespmem:v15+s3+$0x0], $0xffff;
	v15 =	vor.u32 $0x180, v2;
	[tilespmem:s28+$0xFFFFFF00] =	vst v16  }
0x1a1: {  	v16 =	vor.u32 $0x280, v4;
	[tilespmem:s28+$0xFFFFFF10] =	vst v18;
	v6 =	vld.idx.msk [tilespmem:v6+s3+$0x0], $0xffff  }
0x1a2: {  	v18 =	vor.u32 $0x180, v10;
	v13 =	vld.idx.msk [tilespmem:v13+s3+$0x0], $0xffff;
	[tilespmem:s28+$0xFFFFFF20] =	vst v5  }
0x1a3: {  	v5 =	vor.u32 $0x180, v11;
	[tilespmem:s28+$0xFFFFFF30] =	vst v9;
	v7 =	vld.idx.msk [tilespmem:v7+s3+$0x0], $0xffff  }
0x1a4: {  	v9 =	vor.u32 $0x180, v12;
	[tilespmem:s28+$0xFFFFFF40] =	vst v19;
	v17 =	vld.idx.msk [tilespmem:v17+s3+$0x0], $0xffff  }
0x1a5: {  	v15 =	vld.idx.msk [tilespmem:v15+s3+$0x0], $0xffff;
	[tilespmem:s28+$0x70] =	vst v8;
	v8 =	vor.u32 $0x200, v0  }
0x1a6: {  	v19 =	vor.u32 $0x200, v1;
	[tilespmem:s28+$0xFFFFFF50] =	vst v14;
	v16 =	vld.idx.msk [tilespmem:v16+s3+$0x0], $0xffff  }
0x1a7: {  	v14 =	vld.idx.msk [tilespmem:v18+s3+$0x0], $0xffff;
	[tilespmem:s28+$0xFFFFFF60] =	vst v6;
	v6 =	vor.u32 $0x300, v4  }
0x1a8: {  	v18 =	vor.u32 $0x200, v2;
	[tilespmem:s28+$0xFFFFFF80] =	vst v13;
	v5 =	vld.idx.msk [tilespmem:v5+s3+$0x0], $0xffff  }
0x1a9: {  	v13 =	vor.u32 $0x200, v3;
	[tilespmem:s28+$0xFFFFFF90] =	vst v7;
	v7 =	vld.idx.msk [tilespmem:v9+s3+$0x0], $0xffff  }
0x1aa: {  	v9 =	vor.u32 $0x200, v10;
	v8 =	vld.idx.msk [tilespmem:v8+s3+$0x0], $0xffff;
	[tilespmem:s28+$0xFFFFFFA0] =	vst v15  }
0x1ab: {  	v15 =	vor.u32 $0x200, v11;
	v19 =	vld.idx.msk [tilespmem:v19+s3+$0x0], $0xffff;
	[tilespmem:s28+$0xF0] =	vst v16  }
0x1ac: {  	[tilespmem:s28+$0xFFFFFFB0] =	vst v17;
	v16 =	vor.u32 $0x200, v12;
	v6 =	vld.idx.msk [tilespmem:v6+s3+$0x0], $0xffff  }
0x1ad: {  	v17 =	vor.u32 $0x280, v0;
	v18 =	vld.idx.msk [tilespmem:v18+s3+$0x0], $0xffff;
	[tilespmem:s28+$0xFFFFFFC0] =	vst v14  }
0x1ae: {  	v4 =	vor.u32 $0x380, v4;
	v13 =	vld.idx.msk [tilespmem:v13+s3+$0x0], $0xffff;
	[tilespmem:s28+$0xFFFFFFD0] =	vst v5  }
0x1af: {  	v5 =	vor.u32 $0x280, v1;
	v9 =	vld.idx.msk [tilespmem:v9+s3+$0x0], $0xffff;
	[tilespmem:s28+$0xFFFFFFE0] =	vst v7  }
0x1b0: {  	v7 =	vor.u32 $0x280, v2;
	[tilespmem:s28+$0x0] =	vst v8;
	v8 =	vld.idx.msk [tilespmem:v15+s3+$0x0], $0xffff  }
0x1b1: {  	v14 =	vor.u32 $0x280, v3;
	[tilespmem:s28+$0x10] =	vst v19;
	v15 =	vld.idx.msk [tilespmem:v16+s3+$0x0], $0xffff  }
0x1b2: {  	v16 =	vor.u32 $0x280, v10;
	v17 =	vld.idx.msk [tilespmem:v17+s3+$0x0], $0xffff;
	[tilespmem:s28+$0x170] =	vst v6  }
0x1b3: {  	v6 =	vor.u32 $0x280, v11;
	[tilespmem:s28+$0x20] =	vst v18;
	v4 =	vld.idx.msk [tilespmem:v4+s3+$0x0], $0xffff  }
0x1b4: {  	v18 =	vor.u32 $0x280, v12;
	v5 =	vld.idx.msk [tilespmem:v5+s3+$0x0], $0xffff;
	[tilespmem:s28+$0x30] =	vst v13  }
0x1b5: {  	v13 =	vor.u32 $0x300, v0;
	v7 =	vld.idx.msk [tilespmem:v7+s3+$0x0], $0xffff;
	[tilespmem:s28+$0x40] =	vst v9  }
0x1b6: {  	v9 =	vor.u32 $0x300, v1;
	v19 =	vld.idx.msk [tilespmem:v14+s3+$0x0], $0xffff;
	[tilespmem:s28+$0x50] =	vst v8  }
0x1b7: {  	v20 =	vor.u32 $0x300, v2;
	v21 =	vld.idx.msk [tilespmem:v16+s3+$0x0], $0xffff;
	[tilespmem:s28+$0x60] =	vst v15  }
0x1b8: {  	v22 =	vor.u32 $0x300, v3;
	[tilespmem:s28+$0x80] =	vst v17;
	v17 =	vld.idx.msk [tilespmem:v6+s3+$0x0], $0xffff  }
0x1b9: {  	v23 =	vor.u32 $0x300, v10;
	v15 =	vld.idx.msk [tilespmem:v18+s3+$0x0], $0xffff;
	[tilespmem:s28+$0x1F0] =	vst v4  }
0x1ba: {  	v14 =	vld.idx.msk [tilespmem:v13+s3+$0x0], $0xffff;
	[tilespmem:s28+$0x90] =	vst v5  }
0x1bb: {  	v13 =	vld.idx.msk [tilespmem:v9+s3+$0x0], $0xffff;
	[tilespmem:s28+$0xA0] =	vst v7  }
0x1bc: {  	v8 =	vor.u32 $0x300, v11;
	v6 =	vor.u32 $0x380, v1;
	v1 =	vor.u32 $0x380, v11;
	[tilespmem:s28+$0xB0] =	vst v19;
	v16 =	vld.idx.msk [tilespmem:v20+s3+$0x0], $0xffff  }
0x1bd: {  	v5 =	vor.u32 $0x380, v2;
	v4 =	vor.u32 $0x380, v3;
	v2 =	vor.u32 $0x380, v10;
	v3 =	vld.idx.msk [tilespmem:v22+s3+$0x0], $0xffff;
	[tilespmem:s28+$0xC0] =	vst v21  }
0x1be: {  	s30 =	simm.s32 $0x0;
	s31 =	simm.s32 $0x4140;
	s29 =	simm.s32 $0x6200;
	v7 =	vor.u32 $0x380, v0;
	v9 =	vor.u32 $0x300, v12;
	v0 =	vor.u32 $0x380, v12;
	v10 =	vld.idx.msk [tilespmem:v23+s3+$0x0], $0xffff;
	[tilespmem:s28+$0xD0] =	vst v17  }
.LBB2_15:
0x1bf: {  	v11 =	vld [tilespmem:s31+$0x30];
	s30 =	sadd.s32 $0x8, s30;
	[tilespmem:s28+$0xE0] =	vst v15  }
0x1c0: {  	v12 =	vld [tilespmem:s31+$0xFFFFFFD0];
	p0 =	slt.u32 s30, $0xF8;
	[tilespmem:s28+$0x100] =	vst v14  }
0x1c1: {  	v14 =	vld [tilespmem:s31+$0xFFFFFFE0];
	[tilespmem:s28+$0x110] =	vst v13  }
0x1c2: {  	v13 =	vld [tilespmem:s31+$0xFFFFFFF0];
	[tilespmem:s28+$0x120] =	vst v16  }
0x1c3: {  	v15 =	vld [tilespmem:s31+$0x0];
	[tilespmem:s28+$0x130] =	vst v3  }
0x1c4: {  	v16 =	vld [tilespmem:s31+$0x10];
	v3 =	vshll.u32 v11, $0x3;
	[tilespmem:s28+$0x140] =	vst v10  }
0x1c5: {  	v11 =	vand.u32 $0x7F, v11;
	v10 =	vshll.u32 v12, $0x3;
	v17 =	vld [tilespmem:s31+$0x20];
	v3 =	vand.u32 $0xFFFFFC00, v3  }
0x1c6: {  	v18 =	vld [tilespmem:s31+$0xFFFFFFC0];
	v10 =	vand.u32 $0xFFFFFC00, v10;
	v19 =	vshll.u32 v14, $0x3;
	v3 =	vor.u32 v11, v3  }
0x1c7: {  	v11 =	vand.u32 $0x7F, v12;
	v12 =	vand.u32 $0xFFFFFC00, v19;
	v19 =	vshll.u32 v13, $0x3;
	v8 =	vld.idx.msk [tilespmem:v8+s3+$0x0], $0xffff  }
0x1c8: {  	v14 =	vand.u32 $0x7F, v14;
	v19 =	vand.u32 $0xFFFFFC00, v19;
	v20 =	vshll.u32 v15, $0x3;
	v9 =	vld.idx.msk [tilespmem:v9+s3+$0x0], $0xffff  }
0x1c9: {  	v13 =	vand.u32 $0x7F, v13;
	v20 =	vand.u32 $0xFFFFFC00, v20;
	v21 =	vshll.u32 v16, $0x3;
	v7 =	vld.idx.msk [tilespmem:v7+s3+$0x0], $0xffff  }
0x1ca: {  	v15 =	vand.u32 $0x7F, v15;
	v21 =	vand.u32 $0xFFFFFC00, v21;
	v22 =	vshll.u32 v17, $0x3;
	v6 =	vld.idx.msk [tilespmem:v6+s3+$0x0], $0xffff  }
0x1cb: {  	v23 =	vand.u32 $0x7F, v18;
	v18 =	vshll.u32 v18, $0x3;
	v22 =	vand.u32 $0xFFFFFC00, v22;
	v24 =	vld.idx.msk [tilespmem:v3+s3+$0x0], $0xffff  }
0x1cc: {  	v16 =	vand.u32 $0x7F, v16;
	v17 =	vand.u32 $0x7F, v17;
	v18 =	vand.u32 $0xFFFFFC00, v18;
	v5 =	vld.idx.msk [tilespmem:v5+s3+$0x0], $0xffff  }
0x1cd: {  	v25 =	vor.u32 v11, v10;
	v10 =	vor.u32 $0x80, v3;
	v23 =	vor.u32 v23, v18;
	v4 =	vld.idx.msk [tilespmem:v4+s3+$0x0], $0xffff;
	[tilespmem:s28+$0x150] =	vst v8  }
0x1ce: {  	v26 =	vor.u32 v14, v12;
	v27 =	vor.u32 v13, v19;
	v28 =	vor.u32 v15, v20;
	[tilespmem:s28+$0x160] =	vst v9  }
0x1cf: {  	v21 =	vor.u32 v16, v21;
	v22 =	vor.u32 v17, v22;
	v8 =	vor.u32 $0x80, v23;
	[tilespmem:s28+$0x180] =	vst v7;
	v2 =	vld.idx.msk [tilespmem:v2+s3+$0x0], $0xffff  }
0x1d0: {  	v29 =	vor.u32 $0x80, v27;
	v9 =	vor.u32 $0x80, v26;
	v7 =	vor.u32 $0x80, v25;
	s28 =	sadd.s32 $0x400, s28;
	[tilespmem:s29+$0x190] =	vst v6;
	v1 =	vld.idx.msk [tilespmem:v1+s3+$0x0], $0xffff  }
0x1d1: {  	v30 =	vor.u32 $0x80, v28;
	v31 =	vor.u32 $0x80, v21;
	v32 =	vor.u32 $0x80, v22;
	[tilespmem:s28+$0xFFFFFE70] =	vst v24;
	v0 =	vld.idx.msk [tilespmem:v0+s3+$0x0], $0xffff  }
0x1d2: {  	v33 =	vor.u32 $0x100, v25;
	v34 =	vor.u32 $0x100, v26;
	v24 =	vor.u32 $0x100, v23;
	v6 =	vld.idx.msk [tilespmem:v10+s3+$0x0], $0xffff;
	[tilespmem:s29+$0x1A0] =	vst v5  }
0x1d3: {  	v35 =	vor.u32 $0x100, v27;
	v36 =	vor.u32 $0x100, v28;
	v37 =	vor.u32 $0x100, v21;
	v5 =	vld.idx.msk [tilespmem:v23+s3+$0x0], $0xffff;
	[tilespmem:s29+$0x1B0] =	vst v4  }
0x1d4: {  	v39 =	vor.u32 $0x100, v22;
	v38 =	vor.u32 $0x180, v23;
	v10 =	vor.u32 $0x100, v3;
	v4 =	vld.idx.msk [tilespmem:v25+s3+$0x0], $0xffff  }
0x1d5: {  	v40 =	vor.u32 $0x180, v25;
	v41 =	vor.u32 $0x180, v26;
	v42 =	vor.u32 $0x180, v27;
	v11 =	vld.idx.msk [tilespmem:v26+s3+$0x0], $0xffff;
	[tilespmem:s29+$0x1C0] =	vst v2  }
0x1d6: {  	v43 =	vor.u32 $0x180, v28;
	v44 =	vor.u32 $0x180, v21;
	v45 =	vor.u32 $0x180, v22;
	v2 =	vld.idx.msk [tilespmem:v27+s3+$0x0], $0xffff;
	[tilespmem:s29+$0x1D0] =	vst v1  }
0x1d7: {  	v47 =	vor.u32 $0x200, v25;
	v48 =	vor.u32 $0x200, v26;
	v46 =	vor.u32 $0x200, v23;
	v1 =	vld.idx.msk [tilespmem:v28+s3+$0x0], $0xffff;
	[tilespmem:s29+$0x1E0] =	vst v0;
	s29 =	smov.u32 s28  }
0x1d8: {  	v49 =	vor.u32 $0x200, v27;
	v50 =	vor.u32 $0x200, v28;
	v51 =	vor.u32 $0x200, v21;
	v0 =	vld.idx.msk [tilespmem:v21+s3+$0x0], $0xffff;
	[tilespmem:s28+$0xFFFFFEF0] =	vst v6  }
0x1d9: {  	v18 =	vor.u32 $0x280, v25;
	v53 =	vor.u32 $0x200, v22;
	v52 =	vor.u32 $0x280, v23;
	[tilespmem:s28+$0xFFFFFE00] =	vst v5;
	v54 =	vld.idx.msk [tilespmem:v10+s3+$0x0], $0xffff  }
0x1da: {  	v20 =	vor.u32 $0x280, v26;
	v19 =	vor.u32 $0x280, v27;
	v15 =	vor.u32 $0x280, v28;
	[tilespmem:s28+$0xFFFFFE10] =	vst v4;
	v55 =	vld.idx.msk [tilespmem:v22+s3+$0x0], $0xffff  }
0x1db: {  	v57 =	vor.u32 $0x180, v3;
	v17 =	vor.u32 $0x280, v21;
	v16 =	vor.u32 $0x280, v22;
	v56 =	vld.idx.msk [tilespmem:v8+s3+$0x0], $0xffff;
	[tilespmem:s28+$0xFFFFFE20] =	vst v11  }
0x1dc: {  	v13 =	vor.u32 $0x300, v25;
	v14 =	vor.u32 $0x300, v23;
	v10 =	vor.u32 $0x300, v26;
	v58 =	vld.idx.msk [tilespmem:v7+s3+$0x0], $0xffff;
	[tilespmem:s28+$0xFFFFFE30] =	vst v2  }
0x1dd: {  	v12 =	vor.u32 $0x300, v27;
	v11 =	vor.u32 $0x300, v28;
	v8 =	vor.u32 $0x300, v21;
	v59 =	vld.idx.msk [tilespmem:v9+s3+$0x0], $0xffff;
	[tilespmem:s28+$0xFFFFFE40] =	vst v1  }
0x1de: {  	v6 =	vor.u32 $0x380, v25;
	v7 =	vor.u32 $0x380, v23;
	v9 =	vor.u32 $0x300, v22;
	v23 =	vld.idx.msk [tilespmem:v29+s3+$0x0], $0xffff;
	[tilespmem:s28+$0xFFFFFE50] =	vst v0  }
0x1df: {  	v5 =	vor.u32 $0x380, v26;
	v4 =	vor.u32 $0x380, v27;
	v2 =	vor.u32 $0x380, v28;
	v25 =	vld.idx.msk [tilespmem:v30+s3+$0x0], $0xffff;
	[tilespmem:s28+$0xFFFFFF70] =	vst v54  }
0x1e0: {  	v1 =	vor.u32 $0x380, v21;
	v0 =	vor.u32 $0x380, v22;
	[tilespmem:s28+$0xFFFFFE60] =	vst v55;
	v21 =	vld.idx.msk [tilespmem:v57+s3+$0x0], $0xffff  }
0x1e1: {  	[tilespmem:s28+$0xFFFFFE80] =	vst v56;
	v22 =	vld.idx.msk [tilespmem:v31+s3+$0x0], $0xffff  }
0x1e2: {  	v27 =	vor.u32 $0x200, v3;
	[tilespmem:s28+$0xFFFFFE90] =	vst v58;
	v26 =	vld.idx.msk [tilespmem:v32+s3+$0x0], $0xffff  }
0x1e3: {  	v24 =	vld.idx.msk [tilespmem:v24+s3+$0x0], $0xffff;
	[tilespmem:s28+$0xFFFFFEA0] =	vst v59  }
0x1e4: {  	v28 =	vld.idx.msk [tilespmem:v33+s3+$0x0], $0xffff;
	[tilespmem:s28+$0xFFFFFEB0] =	vst v23  }
0x1e5: {  	v23 =	vld.idx.msk [tilespmem:v34+s3+$0x0], $0xffff;
	[tilespmem:s28+$0xFFFFFEC0] =	vst v25  }
0x1e6: {  	v25 =	vld.idx.msk [tilespmem:v35+s3+$0x0], $0xffff;
	[tilespmem:s28+$0xFFFFFFF0] =	vst v21  }
0x1e7: {  	[tilespmem:s28+$0xFFFFFED0] =	vst v22;
	v21 =	vld.idx.msk [tilespmem:v27+s3+$0x0], $0xffff  }
0x1e8: {  	v22 =	vld.idx.msk [tilespmem:v36+s3+$0x0], $0xffff;
	[tilespmem:s28+$0xFFFFFEE0] =	vst v26  }
0x1e9: {  	v26 =	vor.u32 $0x280, v3;
	[tilespmem:s28+$0xFFFFFF00] =	vst v24;
	v24 =	vld.idx.msk [tilespmem:v37+s3+$0x0], $0xffff  }
0x1ea: {  	[tilespmem:s28+$0xFFFFFF10] =	vst v28;
	v27 =	vld.idx.msk [tilespmem:v39+s3+$0x0], $0xffff  }
0x1eb: {  	v28 =	vld.idx.msk [tilespmem:v38+s3+$0x0], $0xffff;
	[tilespmem:s28+$0xFFFFFF20] =	vst v23  }
0x1ec: {  	v23 =	vld.idx.msk [tilespmem:v40+s3+$0x0], $0xffff;
	[tilespmem:s28+$0xFFFFFF30] =	vst v25  }
0x1ed: {  	v25 =	vld.idx.msk [tilespmem:v41+s3+$0x0], $0xffff;
	[tilespmem:s28+$0x70] =	vst v21  }
0x1ee: {  	[tilespmem:s28+$0xFFFFFF40] =	vst v22;
	v21 =	vld.idx.msk [tilespmem:v26+s3+$0x0], $0xffff  }
0x1ef: {  	v22 =	vld.idx.msk [tilespmem:v42+s3+$0x0], $0xffff;
	[tilespmem:s28+$0xFFFFFF50] =	vst v24  }
0x1f0: {  	v26 =	vor.u32 $0x300, v3;
	v24 =	vld.idx.msk [tilespmem:v43+s3+$0x0], $0xffff;
	[tilespmem:s28+$0xFFFFFF60] =	vst v27  }
0x1f1: {  	[tilespmem:s28+$0xFFFFFF80] =	vst v28;
	v27 =	vld.idx.msk [tilespmem:v44+s3+$0x0], $0xffff  }
0x1f2: {  	[tilespmem:s28+$0xFFFFFF90] =	vst v23;
	v23 =	vld.idx.msk [tilespmem:v45+s3+$0x0], $0xffff  }
0x1f3: {  	v28 =	vld.idx.msk [tilespmem:v46+s3+$0x0], $0xffff;
	[tilespmem:s28+$0xFFFFFFA0] =	vst v25  }
0x1f4: {  	v25 =	vld.idx.msk [tilespmem:v47+s3+$0x0], $0xffff;
	[tilespmem:s28+$0xF0] =	vst v21  }
0x1f5: {  	[tilespmem:s28+$0xFFFFFFB0] =	vst v22;
	v21 =	vld.idx.msk [tilespmem:v26+s3+$0x0], $0xffff  }
0x1f6: {  	v22 =	vld.idx.msk [tilespmem:v48+s3+$0x0], $0xffff;
	[tilespmem:s28+$0xFFFFFFC0] =	vst v24  }
0x1f7: {  	v3 =	vor.u32 $0x380, v3;
	v24 =	vld.idx.msk [tilespmem:v49+s3+$0x0], $0xffff;
	[tilespmem:s28+$0xFFFFFFD0] =	vst v27  }
0x1f8: {  	v26 =	vld.idx.msk [tilespmem:v50+s3+$0x0], $0xffff;
	[tilespmem:s28+$0xFFFFFFE0] =	vst v23  }
0x1f9: {  	[tilespmem:s28+$0x0] =	vst v28;
	v23 =	vld.idx.msk [tilespmem:v51+s3+$0x0], $0xffff  }
0x1fa: {  	[tilespmem:s28+$0x10] =	vst v25;
	v25 =	vld.idx.msk [tilespmem:v53+s3+$0x0], $0xffff  }
0x1fb: {  	v27 =	vld.idx.msk [tilespmem:v52+s3+$0x0], $0xffff;
	[tilespmem:s28+$0x170] =	vst v21  }
0x1fc: {  	[tilespmem:s28+$0x20] =	vst v22;
	v3 =	vld.idx.msk [tilespmem:v3+s3+$0x0], $0xffff  }
0x1fd: {  	v18 =	vld.idx.msk [tilespmem:v18+s3+$0x0], $0xffff;
	[tilespmem:s28+$0x30] =	vst v24  }
0x1fe: {  	v20 =	vld.idx.msk [tilespmem:v20+s3+$0x0], $0xffff;
	[tilespmem:s28+$0x40] =	vst v26  }
0x1ff: {  	v19 =	vld.idx.msk [tilespmem:v19+s3+$0x0], $0xffff;
	[tilespmem:s28+$0x50] =	vst v23  }
0x200: {  	v21 =	vld.idx.msk [tilespmem:v15+s3+$0x0], $0xffff;
	[tilespmem:s28+$0x60] =	vst v25  }
0x201: {  	[tilespmem:s28+$0x80] =	vst v27;
	v17 =	vld.idx.msk [tilespmem:v17+s3+$0x0], $0xffff  }
0x202: {  	v15 =	vld.idx.msk [tilespmem:v16+s3+$0x0], $0xffff;
	[tilespmem:s28+$0x1F0] =	vst v3  }
.Ltmp6:
0x203: {  	v14 =	vld.idx.msk [tilespmem:v14+s3+$0x0], $0xffff;
	[tilespmem:s28+$0x90] =	vst v18;
	(pc) =	sbr.rel @p0 .LBB2_15-.Ltmp6, $4  }
0x204: {  	v13 =	vld.idx.msk [tilespmem:v13+s3+$0x0], $0xffff;
	[tilespmem:s28+$0xA0] =	vst v20  }
0x205: {  	v16 =	vld.idx.msk [tilespmem:v10+s3+$0x0], $0xffff;
	[tilespmem:s28+$0xB0] =	vst v19  }
0x206: {  	v3 =	vld.idx.msk [tilespmem:v12+s3+$0x0], $0xffff;
	[tilespmem:s28+$0xC0] =	vst v21  }
0x207: {  	s31 =	sadd.s32 $0x100, s31;
	v10 =	vld.idx.msk [tilespmem:v11+s3+$0x0], $0xffff;
	[tilespmem:s28+$0xD0] =	vst v17  }
0x208: {  	_ =	sdelay $0x2  }
0x209: {  	[tilespmem:s28+$0xE0] =	vst v15  }
0x20a: {  	[tilespmem:s28+$0x100] =	vst v14;
	v8 =	vld.idx.msk [tilespmem:v8+s3+$0x0], $0xffff  }
0x20b: {  	[tilespmem:s28+$0x110] =	vst v13;
	v9 =	vld.idx.msk [tilespmem:v9+s3+$0x0], $0xffff  }
0x20c: {  	v7 =	vld.idx.msk [tilespmem:v7+s3+$0x0], $0xffff;
	[tilespmem:s28+$0x120] =	vst v16  }
0x20d: {  	v63 =	vld.idx.msk [tilespmem:v6+s3+$0x0], $0xffff;
	[tilespmem:s28+$0x130] =	vst v3  }
0x20e: {  	v5 =	vld.idx.msk [tilespmem:v5+s3+$0x0], $0xffff;
	[tilespmem:s28+$0x140] =	vst v10  }
0x20f: {  	v4 =	vld.idx.msk [tilespmem:v4+s3+$0x0], $0xffff;
	[tilespmem:s28+$0x150] =	vst v8  }
0x210: {  	v2 =	vld.idx.msk [tilespmem:v2+s3+$0x0], $0xffff;
	[tilespmem:s28+$0x160] =	vst v9  }
0x211: {  	[tilespmem:s28+$0x180] =	vst v7;
	v1 =	vld.idx.msk [tilespmem:v1+s3+$0x0], $0xffff  }
0x212: {  	[tilespmem:s29+$0x190] =	vst v63;
	v0 =	vld.idx.msk [tilespmem:v0+s3+$0x0], $0xffff  }
0x213: {  	[tilespmem:s29+$0x1A0] =	vst v5  }
0x214: {  	s28 =	sshll.u32 s25, $0x15;
	[tilespmem:s29+$0x1B0] =	vst v4  }
0x215: {  	s0 =	sor.u32 s5, s28;
	[tilespmem:s29+$0x1C0] =	vst v2  }
0x216: {  	s26 =	sadd.s32 s26, s9;
	s0 =	sshrl.u32 s0, $0x3;
	[tilespmem:s29+$0x1D0] =	vst v1  }
0x217: {  	s30 =	simm.s32 $0x80;
	s0 =	sadd.s32 s2, s0;
	[tilespmem:s29+$0x1E0] =	vst v0;
	s29 =	simm.s32 $0x0  }
0x218: {  	[hbm4b:s0+s29] =	stream.linear.scatter [tilespmem:s19], [sflag:$0x3], $0x8000, $0x38;
	[tilespmem:$0x16000] =	vst v63  }
0x219: {  	s31 =	simm.s32 $0x4100;
	s29 =	simm.s32 $0x4000;
	s0 =	sadd.s32 $0x0, s26  }
.LBB2_17:
0x21a: {  	[tilespmem:s29], [sflag:$0x1] =	stream.linear.gather [hbm4b:s0+s3], $0x80, $0x38;
	[tilespmem:$0x16000] =	vst v63  }
0x21b: {  	s0 =	smov.u32 s30;
	s29 =	smov.u32 s31;
	p0 =	sne.s32 s30, $0xF80  }
.Ltmp7:
0x21c: {  	s30 =	sadd.s32 $0x80, s30;
	(pc) =	sbr.rel @p0 .LBB2_17-.Ltmp7, $2  }
0x21d: {  	_ =	sdelay $0x2  }
0x21e: {  	s31 =	sadd.s32 $0x100, s31;
	s0 =	sadd.s32 s0, s26  }
0x21f: {  	[tilespmem:s29], [sflag:$0x1] =	stream.linear.gather [hbm4b:s0+s3], $0x80, $0x38;
	[tilespmem:$0x16000] =	vst v63  }
0x220: {  	_ =	swait.ge [sflag:s20], $0x1000  }
0x221: {  	[sflag:s20] =	ssyncset.done $0x0  }
0x222: {  	[sflag:s20] =	ssyncadd.s32 $0xFFFFF000  }
0x223: {  	_ =	swait.ge [sflag:s23], $0x8000  }
0x224: {  	[sflag:s23] =	ssyncset.done $0x0  }
0x225: {  	s26 =	simm.s32 $0x40F0;
	[sflag:s23] =	ssyncadd.s32 $0xFFFF8000  }
0x226: {  	v0 =	vld [tilespmem:s26+$0x0];
	_ =	sdelay $0x3  }
0x227: {  	v1 =	vld [tilespmem:s26+$0xFFFFFFA0]  }
0x228: {  	v2 =	vshll.u32 v0, $0x3  }
0x229: {  	v3 =	vld [tilespmem:s26+$0xFFFFFFB0];
	v0 =	vand.u32 $0x7F, v0;
	v2 =	vand.u32 $0xFFFFFC00, v2  }
0x22a: {  	v5 =	vld [tilespmem:s26+$0xFFFFFF90];
	v4 =	vor.u32 v0, v2;
	_ =	sdelay $0x1  }
0x22b: {  	v2 =	vld [tilespmem:s26+$0xFFFFFFC0];
	v0 =	vshll.u32 v1, $0x3  }
0x22c: {  	v7 =	vld [tilespmem:s26+$0xFFFFFFE0];
	v1 =	vand.u32 $0x7F, v1;
	v8 =	vand.u32 $0xFFFFFC00, v0  }
0x22d: {  	v6 =	vld [tilespmem:s26+$0xFFFFFFD0];
	v0 =	vshll.u32 v3, $0x3;
	v1 =	vor.u32 v1, v8  }
0x22e: {  	v11 =	vor.u32 $0x80, v4;
	v9 =	vand.u32 $0xFFFFFC00, v0;
	v0 =	vshll.u32 v5, $0x3;
	v10 =	vld.idx.msk [tilespmem:v4+s3+$0x0], $0xffff  }
0x22f: {  	v12 =	vld [tilespmem:s26+$0xFFFFFFF0];
	v3 =	vand.u32 $0x7F, v3;
	v5 =	vand.u32 $0x7F, v5;
	v0 =	vand.u32 $0xFFFFFC00, v0  }
0x230: {  	v0 =	vor.u32 v5, v0;
	v13 =	vshll.u32 v2, $0x3;
	v8 =	vand.u32 $0x7F, v2  }
0x231: {  	v2 =	vor.u32 v3, v9;
	v9 =	vshll.u32 v7, $0x3;
	v5 =	vand.u32 $0xFFFFFC00, v13  }
0x232: {  	s26 =	simm.s32 $0xE3F0;
	v13 =	vshll.u32 v6, $0x3;
	v3 =	vor.u32 v8, v5;
	v5 =	vand.u32 $0xFFFFFC00, v9;
	v9 =	vld.idx.msk [tilespmem:v1+s3+$0x0], $0xffff  }
0x233: {  	v15 =	vor.u32 $0x80, v1;
	v6 =	vand.u32 $0x7F, v6;
	v13 =	vand.u32 $0xFFFFFC00, v13;
	[tilespmem:s26+$0xFFFFFC80] =	vst v10  }
0x234: {  	v7 =	vand.u32 $0x7F, v7;
	v8 =	vshll.u32 v12, $0x3;
	v10 =	vor.u32 v6, v13;
	v6 =	vld.idx.msk [tilespmem:v11+s3+$0x0], $0xffff  }
0x235: {  	v11 =	vor.u32 v7, v5;
	v5 =	vld.idx.msk [tilespmem:v0+s3+$0x0], $0xffff;
	v7 =	vand.u32 $0xFFFFFC00, v8;
	v8 =	vand.u32 $0x7F, v12  }
0x236: {  	v13 =	vor.u32 $0x100, v4;
	v12 =	vor.u32 v8, v7;
	v7 =	vld.idx.msk [tilespmem:v2+s3+$0x0], $0xffff  }
0x237: {  	v8 =	vor.u32 $0x80, v0;
	v14 =	vld.idx.msk [tilespmem:v3+s3+$0x0], $0xffff;
	[tilespmem:s26+$0xFFFFFC20] =	vst v9  }
0x238: {  	v15 =	vld.idx.msk [tilespmem:v15+s3+$0x0], $0xffff  }
0x239: {  	v17 =	vor.u32 $0x80, v2;
	v16 =	vld.idx.msk [tilespmem:v10+s3+$0x0], $0xffff  }
0x23a: {  	v18 =	vld.idx.msk [tilespmem:v11+s3+$0x0], $0xffff;
	[tilespmem:s26+$0xFFFFFD00] =	vst v6;
	v6 =	vor.u32 $0x80, v3  }
0x23b: {  	[tilespmem:s26+$0xFFFFFC10] =	vst v5;
	v5 =	vld.idx.msk [tilespmem:v13+s3+$0x0], $0xffff;
	v13 =	vor.u32 $0x80, v10  }
0x23c: {  	v19 =	vor.u32 $0x80, v11;
	v8 =	vld.idx.msk [tilespmem:v8+s3+$0x0], $0xffff;
	[tilespmem:s26+$0xFFFFFC30] =	vst v7  }
0x23d: {  	v9 =	vld.idx.msk [tilespmem:v12+s3+$0x0], $0xffff;
	v7 =	vor.u32 $0x180, v4;
	[tilespmem:s26+$0xFFFFFC40] =	vst v14  }
0x23e: {  	v14 =	vor.u32 $0x80, v12;
	v17 =	vld.idx.msk [tilespmem:v17+s3+$0x0], $0xffff;
	[tilespmem:s26+$0xFFFFFC50] =	vst v16  }
0x23f: {  	v16 =	vor.u32 $0x100, v0;
	v6 =	vld.idx.msk [tilespmem:v6+s3+$0x0], $0xffff;
	[tilespmem:s26+$0xFFFFFC60] =	vst v18  }
0x240: {  	v18 =	vor.u32 $0x100, v1;
	v13 =	vld.idx.msk [tilespmem:v13+s3+$0x0], $0xffff;
	[tilespmem:s26+$0xFFFFFD80] =	vst v5  }
0x241: {  	v5 =	vor.u32 $0x100, v2;
	[tilespmem:s26+$0xFFFFFC90] =	vst v8;
	v8 =	vld.idx.msk [tilespmem:v19+s3+$0x0], $0xffff  }
0x242: {  	[tilespmem:s26+$0xFFFFFC70] =	vst v9;
	v9 =	vor.u32 $0x100, v3;
	v7 =	vld.idx.msk [tilespmem:v7+s3+$0x0], $0xffff  }
0x243: {  	[tilespmem:s26+$0xFFFFFCA0] =	vst v15;
	v19 =	vor.u32 $0x100, v10;
	v14 =	vld.idx.msk [tilespmem:v14+s3+$0x0], $0xffff  }
0x244: {  	[tilespmem:s26+$0xFFFFFCB0] =	vst v17;
	v17 =	vor.u32 $0x100, v11;
	v16 =	vld.idx.msk [tilespmem:v16+s3+$0x0], $0xffff  }
0x245: {  	v15 =	vor.u32 $0x200, v4;
	v18 =	vld.idx.msk [tilespmem:v18+s3+$0x0], $0xffff;
	[tilespmem:s26+$0xFFFFFCC0] =	vst v6  }
0x246: {  	v6 =	vor.u32 $0x100, v12;
	v5 =	vld.idx.msk [tilespmem:v5+s3+$0x0], $0xffff;
	[tilespmem:s26+$0xFFFFFCD0] =	vst v13  }
0x247: {  	v13 =	vor.u32 $0x180, v0;
	v9 =	vld.idx.msk [tilespmem:v9+s3+$0x0], $0xffff;
	[tilespmem:s26+$0xFFFFFCE0] =	vst v8  }
0x248: {  	[tilespmem:s26+$0xFFFFFE00] =	vst v7;
	v7 =	vor.u32 $0x180, v1;
	v19 =	vld.idx.msk [tilespmem:v19+s3+$0x0], $0xffff  }
0x249: {  	[tilespmem:s26+$0xFFFFFCF0] =	vst v14;
	v14 =	vld.idx.msk [tilespmem:v17+s3+$0x0], $0xffff;
	v17 =	vor.u32 $0x180, v3  }
0x24a: {  	v8 =	vld.idx.msk [tilespmem:v15+s3+$0x0], $0xffff;
	v15 =	vor.u32 $0x180, v2;
	[tilespmem:s26+$0xFFFFFD10] =	vst v16  }
0x24b: {  	v16 =	vor.u32 $0x280, v4;
	[tilespmem:s26+$0xFFFFFD20] =	vst v18;
	v6 =	vld.idx.msk [tilespmem:v6+s3+$0x0], $0xffff  }
0x24c: {  	v18 =	vor.u32 $0x180, v10;
	v13 =	vld.idx.msk [tilespmem:v13+s3+$0x0], $0xffff;
	[tilespmem:s26+$0xFFFFFD30] =	vst v5  }
0x24d: {  	v5 =	vor.u32 $0x180, v11;
	[tilespmem:s26+$0xFFFFFD40] =	vst v9;
	v7 =	vld.idx.msk [tilespmem:v7+s3+$0x0], $0xffff  }
0x24e: {  	v9 =	vor.u32 $0x180, v12;
	[tilespmem:s26+$0xFFFFFD50] =	vst v19;
	v17 =	vld.idx.msk [tilespmem:v17+s3+$0x0], $0xffff  }
0x24f: {  	v15 =	vld.idx.msk [tilespmem:v15+s3+$0x0], $0xffff;
	[tilespmem:s26+$0xFFFFFE80] =	vst v8;
	v8 =	vor.u32 $0x200, v0  }
0x250: {  	v19 =	vor.u32 $0x200, v1;
	[tilespmem:s26+$0xFFFFFD60] =	vst v14;
	v16 =	vld.idx.msk [tilespmem:v16+s3+$0x0], $0xffff  }
0x251: {  	v14 =	vld.idx.msk [tilespmem:v18+s3+$0x0], $0xffff;
	[tilespmem:s26+$0xFFFFFD70] =	vst v6;
	v6 =	vor.u32 $0x300, v4  }
0x252: {  	v18 =	vor.u32 $0x200, v2;
	[tilespmem:s26+$0xFFFFFD90] =	vst v13;
	v5 =	vld.idx.msk [tilespmem:v5+s3+$0x0], $0xffff  }
0x253: {  	v13 =	vor.u32 $0x200, v3;
	[tilespmem:s26+$0xFFFFFDA0] =	vst v7;
	v7 =	vld.idx.msk [tilespmem:v9+s3+$0x0], $0xffff  }
0x254: {  	v9 =	vor.u32 $0x200, v10;
	v8 =	vld.idx.msk [tilespmem:v8+s3+$0x0], $0xffff;
	[tilespmem:s26+$0xFFFFFDB0] =	vst v15  }
0x255: {  	v15 =	vor.u32 $0x200, v11;
	v19 =	vld.idx.msk [tilespmem:v19+s3+$0x0], $0xffff;
	[tilespmem:s26+$0xFFFFFF00] =	vst v16  }
0x256: {  	[tilespmem:s26+$0xFFFFFDC0] =	vst v17;
	v16 =	vor.u32 $0x200, v12;
	v6 =	vld.idx.msk [tilespmem:v6+s3+$0x0], $0xffff  }
0x257: {  	v17 =	vor.u32 $0x280, v0;
	v18 =	vld.idx.msk [tilespmem:v18+s3+$0x0], $0xffff;
	[tilespmem:s26+$0xFFFFFDD0] =	vst v14  }
0x258: {  	v4 =	vor.u32 $0x380, v4;
	v13 =	vld.idx.msk [tilespmem:v13+s3+$0x0], $0xffff;
	[tilespmem:s26+$0xFFFFFDE0] =	vst v5  }
0x259: {  	v5 =	vor.u32 $0x280, v1;
	v9 =	vld.idx.msk [tilespmem:v9+s3+$0x0], $0xffff;
	[tilespmem:s26+$0xFFFFFDF0] =	vst v7  }
0x25a: {  	v7 =	vor.u32 $0x280, v2;
	[tilespmem:s26+$0xFFFFFE10] =	vst v8;
	v8 =	vld.idx.msk [tilespmem:v15+s3+$0x0], $0xffff  }
0x25b: {  	v14 =	vor.u32 $0x280, v3;
	[tilespmem:s26+$0xFFFFFE20] =	vst v19;
	v15 =	vld.idx.msk [tilespmem:v16+s3+$0x0], $0xffff  }
0x25c: {  	v16 =	vor.u32 $0x280, v10;
	v17 =	vld.idx.msk [tilespmem:v17+s3+$0x0], $0xffff;
	[tilespmem:s26+$0xFFFFFF80] =	vst v6  }
0x25d: {  	v6 =	vor.u32 $0x280, v11;
	[tilespmem:s26+$0xFFFFFE30] =	vst v18;
	v4 =	vld.idx.msk [tilespmem:v4+s3+$0x0], $0xffff  }
0x25e: {  	v18 =	vor.u32 $0x280, v12;
	v5 =	vld.idx.msk [tilespmem:v5+s3+$0x0], $0xffff;
	[tilespmem:s26+$0xFFFFFE40] =	vst v13  }
0x25f: {  	v13 =	vor.u32 $0x300, v0;
	v7 =	vld.idx.msk [tilespmem:v7+s3+$0x0], $0xffff;
	[tilespmem:s26+$0xFFFFFE50] =	vst v9  }
0x260: {  	v9 =	vor.u32 $0x300, v1;
	v19 =	vld.idx.msk [tilespmem:v14+s3+$0x0], $0xffff;
	[tilespmem:s26+$0xFFFFFE60] =	vst v8  }
0x261: {  	v20 =	vor.u32 $0x300, v2;
	v21 =	vld.idx.msk [tilespmem:v16+s3+$0x0], $0xffff;
	[tilespmem:s26+$0xFFFFFE70] =	vst v15  }
0x262: {  	v22 =	vor.u32 $0x300, v3;
	[tilespmem:s26+$0xFFFFFE90] =	vst v17;
	v17 =	vld.idx.msk [tilespmem:v6+s3+$0x0], $0xffff  }
0x263: {  	v23 =	vor.u32 $0x300, v10;
	v15 =	vld.idx.msk [tilespmem:v18+s3+$0x0], $0xffff;
	[tilespmem:s26+$0x0] =	vst v4  }
0x264: {  	v14 =	vld.idx.msk [tilespmem:v13+s3+$0x0], $0xffff;
	[tilespmem:s26+$0xFFFFFEA0] =	vst v5  }
0x265: {  	v13 =	vld.idx.msk [tilespmem:v9+s3+$0x0], $0xffff;
	[tilespmem:s26+$0xFFFFFEB0] =	vst v7  }
0x266: {  	v8 =	vor.u32 $0x300, v11;
	v6 =	vor.u32 $0x380, v1;
	v1 =	vor.u32 $0x380, v11;
	[tilespmem:s26+$0xFFFFFEC0] =	vst v19;
	v16 =	vld.idx.msk [tilespmem:v20+s3+$0x0], $0xffff  }
0x267: {  	v5 =	vor.u32 $0x380, v2;
	v4 =	vor.u32 $0x380, v3;
	v2 =	vor.u32 $0x380, v10;
	v3 =	vld.idx.msk [tilespmem:v22+s3+$0x0], $0xffff;
	[tilespmem:s26+$0xFFFFFED0] =	vst v21  }
0x268: {  	s30 =	simm.s32 $0x0;
	s31 =	simm.s32 $0x41F0;
	s29 =	simm.s32 $0xE3F0;
	v7 =	vor.u32 $0x380, v0;
	v9 =	vor.u32 $0x300, v12;
	v0 =	vor.u32 $0x380, v12;
	v10 =	vld.idx.msk [tilespmem:v23+s3+$0x0], $0xffff;
	[tilespmem:s26+$0xFFFFFEE0] =	vst v17  }
.LBB2_19:
0x269: {  	v11 =	vld [tilespmem:s31+$0x0];
	s30 =	sadd.s32 $0x8, s30;
	[tilespmem:s26+$0xFFFFFEF0] =	vst v15  }
0x26a: {  	v12 =	vld [tilespmem:s31+$0xFFFFFFA0];
	p0 =	slt.u32 s30, $0xF8;
	[tilespmem:s26+$0xFFFFFF10] =	vst v14  }
0x26b: {  	v14 =	vld [tilespmem:s31+$0xFFFFFFB0];
	[tilespmem:s26+$0xFFFFFF20] =	vst v13  }
0x26c: {  	v13 =	vld [tilespmem:s31+$0xFFFFFFC0];
	[tilespmem:s26+$0xFFFFFF30] =	vst v16  }
0x26d: {  	v15 =	vld [tilespmem:s31+$0xFFFFFFD0];
	[tilespmem:s26+$0xFFFFFF40] =	vst v3  }
0x26e: {  	v16 =	vld [tilespmem:s31+$0xFFFFFFE0];
	v3 =	vshll.u32 v11, $0x3;
	[tilespmem:s26+$0xFFFFFF50] =	vst v10  }
0x26f: {  	v11 =	vand.u32 $0x7F, v11;
	v10 =	vshll.u32 v12, $0x3;
	v17 =	vld [tilespmem:s31+$0xFFFFFFF0];
	v3 =	vand.u32 $0xFFFFFC00, v3  }
0x270: {  	v18 =	vld [tilespmem:s31+$0xFFFFFF90];
	v10 =	vand.u32 $0xFFFFFC00, v10;
	v19 =	vshll.u32 v14, $0x3;
	v3 =	vor.u32 v11, v3  }
0x271: {  	v11 =	vand.u32 $0x7F, v12;
	v12 =	vand.u32 $0xFFFFFC00, v19;
	v19 =	vshll.u32 v13, $0x3;
	v8 =	vld.idx.msk [tilespmem:v8+s3+$0x0], $0xffff  }
0x272: {  	v14 =	vand.u32 $0x7F, v14;
	v19 =	vand.u32 $0xFFFFFC00, v19;
	v20 =	vshll.u32 v15, $0x3;
	v9 =	vld.idx.msk [tilespmem:v9+s3+$0x0], $0xffff  }
0x273: {  	v13 =	vand.u32 $0x7F, v13;
	v20 =	vand.u32 $0xFFFFFC00, v20;
	v21 =	vshll.u32 v16, $0x3;
	v7 =	vld.idx.msk [tilespmem:v7+s3+$0x0], $0xffff  }
0x274: {  	v15 =	vand.u32 $0x7F, v15;
	v21 =	vand.u32 $0xFFFFFC00, v21;
	v22 =	vshll.u32 v17, $0x3;
	v6 =	vld.idx.msk [tilespmem:v6+s3+$0x0], $0xffff  }
0x275: {  	v23 =	vand.u32 $0x7F, v18;
	v18 =	vshll.u32 v18, $0x3;
	v22 =	vand.u32 $0xFFFFFC00, v22;
	v24 =	vld.idx.msk [tilespmem:v3+s3+$0x0], $0xffff  }
0x276: {  	v16 =	vand.u32 $0x7F, v16;
	v17 =	vand.u32 $0x7F, v17;
	v18 =	vand.u32 $0xFFFFFC00, v18;
	v5 =	vld.idx.msk [tilespmem:v5+s3+$0x0], $0xffff  }
0x277: {  	v25 =	vor.u32 v11, v10;
	v10 =	vor.u32 $0x80, v3;
	v23 =	vor.u32 v23, v18;
	v4 =	vld.idx.msk [tilespmem:v4+s3+$0x0], $0xffff;
	[tilespmem:s26+$0xFFFFFF60] =	vst v8  }
0x278: {  	v26 =	vor.u32 v14, v12;
	v27 =	vor.u32 v13, v19;
	v28 =	vor.u32 v15, v20;
	[tilespmem:s26+$0xFFFFFF70] =	vst v9  }
0x279: {  	v21 =	vor.u32 v16, v21;
	v22 =	vor.u32 v17, v22;
	v8 =	vor.u32 $0x80, v23;
	[tilespmem:s26+$0xFFFFFF90] =	vst v7;
	v2 =	vld.idx.msk [tilespmem:v2+s3+$0x0], $0xffff  }
0x27a: {  	v29 =	vor.u32 $0x80, v27;
	v9 =	vor.u32 $0x80, v26;
	v7 =	vor.u32 $0x80, v25;
	s26 =	sadd.s32 $0x400, s26;
	[tilespmem:s29+$0xFFFFFFA0] =	vst v6;
	v1 =	vld.idx.msk [tilespmem:v1+s3+$0x0], $0xffff  }
0x27b: {  	v30 =	vor.u32 $0x80, v28;
	v31 =	vor.u32 $0x80, v21;
	v32 =	vor.u32 $0x80, v22;
	[tilespmem:s26+$0xFFFFFC80] =	vst v24;
	v0 =	vld.idx.msk [tilespmem:v0+s3+$0x0], $0xffff  }
0x27c: {  	v33 =	vor.u32 $0x100, v25;
	v34 =	vor.u32 $0x100, v26;
	v24 =	vor.u32 $0x100, v23;
	v6 =	vld.idx.msk [tilespmem:v10+s3+$0x0], $0xffff;
	[tilespmem:s29+$0xFFFFFFB0] =	vst v5  }
0x27d: {  	v35 =	vor.u32 $0x100, v27;
	v36 =	vor.u32 $0x100, v28;
	v37 =	vor.u32 $0x100, v21;
	v5 =	vld.idx.msk [tilespmem:v23+s3+$0x0], $0xffff;
	[tilespmem:s29+$0xFFFFFFC0] =	vst v4  }
0x27e: {  	v39 =	vor.u32 $0x100, v22;
	v38 =	vor.u32 $0x180, v23;
	v10 =	vor.u32 $0x100, v3;
	v4 =	vld.idx.msk [tilespmem:v25+s3+$0x0], $0xffff  }
0x27f: {  	v40 =	vor.u32 $0x180, v25;
	v41 =	vor.u32 $0x180, v26;
	v42 =	vor.u32 $0x180, v27;
	v11 =	vld.idx.msk [tilespmem:v26+s3+$0x0], $0xffff;
	[tilespmem:s29+$0xFFFFFFD0] =	vst v2  }
0x280: {  	v43 =	vor.u32 $0x180, v28;
	v44 =	vor.u32 $0x180, v21;
	v45 =	vor.u32 $0x180, v22;
	v2 =	vld.idx.msk [tilespmem:v27+s3+$0x0], $0xffff;
	[tilespmem:s29+$0xFFFFFFE0] =	vst v1  }
0x281: {  	v47 =	vor.u32 $0x200, v25;
	v48 =	vor.u32 $0x200, v26;
	v46 =	vor.u32 $0x200, v23;
	v1 =	vld.idx.msk [tilespmem:v28+s3+$0x0], $0xffff;
	[tilespmem:s29+$0xFFFFFFF0] =	vst v0;
	s29 =	smov.u32 s26  }
0x282: {  	v49 =	vor.u32 $0x200, v27;
	v50 =	vor.u32 $0x200, v28;
	v51 =	vor.u32 $0x200, v21;
	v0 =	vld.idx.msk [tilespmem:v21+s3+$0x0], $0xffff;
	[tilespmem:s26+$0xFFFFFD00] =	vst v6  }
0x283: {  	v18 =	vor.u32 $0x280, v25;
	v53 =	vor.u32 $0x200, v22;
	v52 =	vor.u32 $0x280, v23;
	[tilespmem:s26+$0xFFFFFC10] =	vst v5;
	v54 =	vld.idx.msk [tilespmem:v10+s3+$0x0], $0xffff  }
0x284: {  	v20 =	vor.u32 $0x280, v26;
	v19 =	vor.u32 $0x280, v27;
	v15 =	vor.u32 $0x280, v28;
	[tilespmem:s26+$0xFFFFFC20] =	vst v4;
	v55 =	vld.idx.msk [tilespmem:v22+s3+$0x0], $0xffff  }
0x285: {  	v57 =	vor.u32 $0x180, v3;
	v17 =	vor.u32 $0x280, v21;
	v16 =	vor.u32 $0x280, v22;
	v56 =	vld.idx.msk [tilespmem:v8+s3+$0x0], $0xffff;
	[tilespmem:s26+$0xFFFFFC30] =	vst v11  }
0x286: {  	v13 =	vor.u32 $0x300, v25;
	v14 =	vor.u32 $0x300, v23;
	v10 =	vor.u32 $0x300, v26;
	v58 =	vld.idx.msk [tilespmem:v7+s3+$0x0], $0xffff;
	[tilespmem:s26+$0xFFFFFC40] =	vst v2  }
0x287: {  	v12 =	vor.u32 $0x300, v27;
	v11 =	vor.u32 $0x300, v28;
	v8 =	vor.u32 $0x300, v21;
	v59 =	vld.idx.msk [tilespmem:v9+s3+$0x0], $0xffff;
	[tilespmem:s26+$0xFFFFFC50] =	vst v1  }
0x288: {  	v6 =	vor.u32 $0x380, v25;
	v7 =	vor.u32 $0x380, v23;
	v9 =	vor.u32 $0x300, v22;
	v23 =	vld.idx.msk [tilespmem:v29+s3+$0x0], $0xffff;
	[tilespmem:s26+$0xFFFFFC60] =	vst v0  }
0x289: {  	v5 =	vor.u32 $0x380, v26;
	v4 =	vor.u32 $0x380, v27;
	v2 =	vor.u32 $0x380, v28;
	v25 =	vld.idx.msk [tilespmem:v30+s3+$0x0], $0xffff;
	[tilespmem:s26+$0xFFFFFD80] =	vst v54  }
0x28a: {  	v1 =	vor.u32 $0x380, v21;
	v0 =	vor.u32 $0x380, v22;
	[tilespmem:s26+$0xFFFFFC70] =	vst v55;
	v21 =	vld.idx.msk [tilespmem:v57+s3+$0x0], $0xffff  }
0x28b: {  	[tilespmem:s26+$0xFFFFFC90] =	vst v56;
	v22 =	vld.idx.msk [tilespmem:v31+s3+$0x0], $0xffff  }
0x28c: {  	v27 =	vor.u32 $0x200, v3;
	[tilespmem:s26+$0xFFFFFCA0] =	vst v58;
	v26 =	vld.idx.msk [tilespmem:v32+s3+$0x0], $0xffff  }
0x28d: {  	v24 =	vld.idx.msk [tilespmem:v24+s3+$0x0], $0xffff;
	[tilespmem:s26+$0xFFFFFCB0] =	vst v59  }
0x28e: {  	v28 =	vld.idx.msk [tilespmem:v33+s3+$0x0], $0xffff;
	[tilespmem:s26+$0xFFFFFCC0] =	vst v23  }
0x28f: {  	v23 =	vld.idx.msk [tilespmem:v34+s3+$0x0], $0xffff;
	[tilespmem:s26+$0xFFFFFCD0] =	vst v25  }
0x290: {  	v25 =	vld.idx.msk [tilespmem:v35+s3+$0x0], $0xffff;
	[tilespmem:s26+$0xFFFFFE00] =	vst v21  }
0x291: {  	[tilespmem:s26+$0xFFFFFCE0] =	vst v22;
	v21 =	vld.idx.msk [tilespmem:v27+s3+$0x0], $0xffff  }
0x292: {  	v22 =	vld.idx.msk [tilespmem:v36+s3+$0x0], $0xffff;
	[tilespmem:s26+$0xFFFFFCF0] =	vst v26  }
0x293: {  	v26 =	vor.u32 $0x280, v3;
	[tilespmem:s26+$0xFFFFFD10] =	vst v24;
	v24 =	vld.idx.msk [tilespmem:v37+s3+$0x0], $0xffff  }
0x294: {  	[tilespmem:s26+$0xFFFFFD20] =	vst v28;
	v27 =	vld.idx.msk [tilespmem:v39+s3+$0x0], $0xffff  }
0x295: {  	v28 =	vld.idx.msk [tilespmem:v38+s3+$0x0], $0xffff;
	[tilespmem:s26+$0xFFFFFD30] =	vst v23  }
0x296: {  	v23 =	vld.idx.msk [tilespmem:v40+s3+$0x0], $0xffff;
	[tilespmem:s26+$0xFFFFFD40] =	vst v25  }
0x297: {  	v25 =	vld.idx.msk [tilespmem:v41+s3+$0x0], $0xffff;
	[tilespmem:s26+$0xFFFFFE80] =	vst v21  }
0x298: {  	[tilespmem:s26+$0xFFFFFD50] =	vst v22;
	v21 =	vld.idx.msk [tilespmem:v26+s3+$0x0], $0xffff  }
0x299: {  	v22 =	vld.idx.msk [tilespmem:v42+s3+$0x0], $0xffff;
	[tilespmem:s26+$0xFFFFFD60] =	vst v24  }
0x29a: {  	v26 =	vor.u32 $0x300, v3;
	v24 =	vld.idx.msk [tilespmem:v43+s3+$0x0], $0xffff;
	[tilespmem:s26+$0xFFFFFD70] =	vst v27  }
0x29b: {  	[tilespmem:s26+$0xFFFFFD90] =	vst v28;
	v27 =	vld.idx.msk [tilespmem:v44+s3+$0x0], $0xffff  }
0x29c: {  	[tilespmem:s26+$0xFFFFFDA0] =	vst v23;
	v23 =	vld.idx.msk [tilespmem:v45+s3+$0x0], $0xffff  }
0x29d: {  	v28 =	vld.idx.msk [tilespmem:v46+s3+$0x0], $0xffff;
	[tilespmem:s26+$0xFFFFFDB0] =	vst v25  }
0x29e: {  	v25 =	vld.idx.msk [tilespmem:v47+s3+$0x0], $0xffff;
	[tilespmem:s26+$0xFFFFFF00] =	vst v21  }
0x29f: {  	[tilespmem:s26+$0xFFFFFDC0] =	vst v22;
	v21 =	vld.idx.msk [tilespmem:v26+s3+$0x0], $0xffff  }
0x2a0: {  	v22 =	vld.idx.msk [tilespmem:v48+s3+$0x0], $0xffff;
	[tilespmem:s26+$0xFFFFFDD0] =	vst v24  }
0x2a1: {  	v3 =	vor.u32 $0x380, v3;
	v24 =	vld.idx.msk [tilespmem:v49+s3+$0x0], $0xffff;
	[tilespmem:s26+$0xFFFFFDE0] =	vst v27  }
0x2a2: {  	v26 =	vld.idx.msk [tilespmem:v50+s3+$0x0], $0xffff;
	[tilespmem:s26+$0xFFFFFDF0] =	vst v23  }
0x2a3: {  	[tilespmem:s26+$0xFFFFFE10] =	vst v28;
	v23 =	vld.idx.msk [tilespmem:v51+s3+$0x0], $0xffff  }
0x2a4: {  	[tilespmem:s26+$0xFFFFFE20] =	vst v25;
	v25 =	vld.idx.msk [tilespmem:v53+s3+$0x0], $0xffff  }
0x2a5: {  	v27 =	vld.idx.msk [tilespmem:v52+s3+$0x0], $0xffff;
	[tilespmem:s26+$0xFFFFFF80] =	vst v21  }
0x2a6: {  	[tilespmem:s26+$0xFFFFFE30] =	vst v22;
	v3 =	vld.idx.msk [tilespmem:v3+s3+$0x0], $0xffff  }
0x2a7: {  	v18 =	vld.idx.msk [tilespmem:v18+s3+$0x0], $0xffff;
	[tilespmem:s26+$0xFFFFFE40] =	vst v24  }
0x2a8: {  	v20 =	vld.idx.msk [tilespmem:v20+s3+$0x0], $0xffff;
	[tilespmem:s26+$0xFFFFFE50] =	vst v26  }
0x2a9: {  	v19 =	vld.idx.msk [tilespmem:v19+s3+$0x0], $0xffff;
	[tilespmem:s26+$0xFFFFFE60] =	vst v23  }
0x2aa: {  	v21 =	vld.idx.msk [tilespmem:v15+s3+$0x0], $0xffff;
	[tilespmem:s26+$0xFFFFFE70] =	vst v25  }
0x2ab: {  	[tilespmem:s26+$0xFFFFFE90] =	vst v27;
	v17 =	vld.idx.msk [tilespmem:v17+s3+$0x0], $0xffff  }
0x2ac: {  	v15 =	vld.idx.msk [tilespmem:v16+s3+$0x0], $0xffff;
	[tilespmem:s26+$0x0] =	vst v3  }
.Ltmp8:
0x2ad: {  	v14 =	vld.idx.msk [tilespmem:v14+s3+$0x0], $0xffff;
	[tilespmem:s26+$0xFFFFFEA0] =	vst v18;
	(pc) =	sbr.rel @p0 .LBB2_19-.Ltmp8, $4  }
0x2ae: {  	v13 =	vld.idx.msk [tilespmem:v13+s3+$0x0], $0xffff;
	[tilespmem:s26+$0xFFFFFEB0] =	vst v20  }
0x2af: {  	v16 =	vld.idx.msk [tilespmem:v10+s3+$0x0], $0xffff;
	[tilespmem:s26+$0xFFFFFEC0] =	vst v19  }
0x2b0: {  	v3 =	vld.idx.msk [tilespmem:v12+s3+$0x0], $0xffff;
	[tilespmem:s26+$0xFFFFFED0] =	vst v21  }
0x2b1: {  	s31 =	sadd.s32 $0x100, s31;
	v10 =	vld.idx.msk [tilespmem:v11+s3+$0x0], $0xffff;
	[tilespmem:s26+$0xFFFFFEE0] =	vst v17  }
0x2b2: {  	_ =	sdelay $0x2  }
0x2b3: {  	[tilespmem:s26+$0xFFFFFEF0] =	vst v15  }
0x2b4: {  	[tilespmem:s26+$0xFFFFFF10] =	vst v14;
	v8 =	vld.idx.msk [tilespmem:v8+s3+$0x0], $0xffff  }
0x2b5: {  	[tilespmem:s26+$0xFFFFFF20] =	vst v13;
	v9 =	vld.idx.msk [tilespmem:v9+s3+$0x0], $0xffff  }
0x2b6: {  	v7 =	vld.idx.msk [tilespmem:v7+s3+$0x0], $0xffff;
	[tilespmem:s26+$0xFFFFFF30] =	vst v16  }
0x2b7: {  	v63 =	vld.idx.msk [tilespmem:v6+s3+$0x0], $0xffff;
	[tilespmem:s26+$0xFFFFFF40] =	vst v3  }
0x2b8: {  	v5 =	vld.idx.msk [tilespmem:v5+s3+$0x0], $0xffff;
	[tilespmem:s26+$0xFFFFFF50] =	vst v10  }
0x2b9: {  	v4 =	vld.idx.msk [tilespmem:v4+s3+$0x0], $0xffff;
	[tilespmem:s26+$0xFFFFFF60] =	vst v8  }
0x2ba: {  	v2 =	vld.idx.msk [tilespmem:v2+s3+$0x0], $0xffff;
	[tilespmem:s26+$0xFFFFFF70] =	vst v9  }
0x2bb: {  	[tilespmem:s26+$0xFFFFFF90] =	vst v7;
	v1 =	vld.idx.msk [tilespmem:v1+s3+$0x0], $0xffff  }
0x2bc: {  	s25 =	sadd.s32 $0x1, s25;
	[tilespmem:s29+$0xFFFFFFA0] =	vst v63;
	v0 =	vld.idx.msk [tilespmem:v0+s3+$0x0], $0xffff  }
0x2bd: {  	p0 =	sne.s32 s25, $0x18;
	[tilespmem:s29+$0xFFFFFFB0] =	vst v5  }
.Ltmp9:
0x2be: {  	[tilespmem:s29+$0xFFFFFFC0] =	vst v4;
	(pc) =	sbr.rel @p0 .LBB2_12-.Ltmp9, $4  }
0x2bf: {  	s0 =	sor.u32 s10, s28;
	[tilespmem:s29+$0xFFFFFFD0] =	vst v2  }
0x2c0: {  	s0 =	sshrl.u32 s0, $0x3;
	[tilespmem:s29+$0xFFFFFFE0] =	vst v1  }
0x2c1: {  	s0 =	sadd.s32 s2, s0;
	[tilespmem:s29+$0xFFFFFFF0] =	vst v0  }
0x2c2: {  	[hbm4b:s0+s3] =	stream.linear.scatter [tilespmem:s21], [sflag:$0x4], $0x8000, $0x38;
	[tilespmem:$0x16000] =	vst v63  }
0x2c3: {  	s25 =	simm.s32 $0x4080  }
0x2c4: {  	s26 =	simm.s32 $0x80;
	s0 =	sadd.s32 $0x0, s12;
	s28 =	simm.s32 $0x4180  }
.LBB2_22:
0x2c5: {  	[tilespmem:s25], [sflag:$0x2] =	stream.linear.gather [hbm4b:s0+s3], $0x80, $0x38;
	[tilespmem:$0x16000] =	vst v63  }
0x2c6: {  	s0 =	smov.u32 s26;
	s25 =	smov.u32 s28;
	p0 =	sne.s32 s26, $0xF80  }
.Ltmp10:
0x2c7: {  	s26 =	sadd.s32 $0x80, s26;
	(pc) =	sbr.rel @p0 .LBB2_22-.Ltmp10, $2  }
0x2c8: {  	_ =	sdelay $0x2  }
0x2c9: {  	s28 =	sadd.s32 $0x100, s28;
	s0 =	sadd.s32 s0, s12  }
0x2ca: {  	[tilespmem:s25], [sflag:$0x2] =	stream.linear.gather [hbm4b:s0+s3], $0x80, $0x38;
	[tilespmem:$0x16000] =	vst v63  }
0x2cb: {  	_ =	swait.ge [sflag:s18], $0x1000  }
0x2cc: {  	[sflag:s18] =	ssyncset.done $0x0  }
0x2cd: {  	[sflag:s18] =	ssyncadd.s32 $0xFFFFF000  }
0x2ce: {  	_ =	swait.ge [sflag:s22], $0x8000  }
0x2cf: {  	[sflag:s22] =	ssyncset.done $0x0  }
0x2d0: {  	s31 =	simm.s32 $0x4040;
	[sflag:s22] =	ssyncadd.s32 $0xFFFF8000  }
0x2d1: {  	v0 =	vld [tilespmem:s31+$0x30];
	_ =	sdelay $0x3  }
0x2d2: {  	v1 =	vld [tilespmem:s31+$0xFFFFFFD0]  }
0x2d3: {  	v2 =	vshll.u32 v0, $0x3  }
0x2d4: {  	v3 =	vld [tilespmem:s31+$0xFFFFFFE0];
	v0 =	vand.u32 $0x7F, v0;
	v2 =	vand.u32 $0xFFFFFC00, v2  }
0x2d5: {  	v5 =	vld [tilespmem:s31+$0xFFFFFFC0];
	v4 =	vor.u32 v0, v2;
	_ =	sdelay $0x1  }
0x2d6: {  	v2 =	vld [tilespmem:s31+$0xFFFFFFF0];
	v0 =	vshll.u32 v1, $0x3  }
0x2d7: {  	v7 =	vld [tilespmem:s31+$0x10];
	v1 =	vand.u32 $0x7F, v1;
	v8 =	vand.u32 $0xFFFFFC00, v0  }
0x2d8: {  	v6 =	vld [tilespmem:s31+$0x0];
	v0 =	vshll.u32 v3, $0x3;
	v1 =	vor.u32 v1, v8  }
0x2d9: {  	v11 =	vor.u32 $0x80, v4;
	v9 =	vand.u32 $0xFFFFFC00, v0;
	v0 =	vshll.u32 v5, $0x3;
	v10 =	vld.idx.msk [tilespmem:v4+s3+$0x0], $0xffff  }
0x2da: {  	v12 =	vld [tilespmem:s31+$0x20];
	v3 =	vand.u32 $0x7F, v3;
	v5 =	vand.u32 $0x7F, v5;
	v0 =	vand.u32 $0xFFFFFC00, v0  }
0x2db: {  	v0 =	vor.u32 v5, v0;
	v13 =	vshll.u32 v2, $0x3;
	v8 =	vand.u32 $0x7F, v2  }
0x2dc: {  	v2 =	vor.u32 v3, v9;
	v9 =	vshll.u32 v7, $0x3;
	v5 =	vand.u32 $0xFFFFFC00, v13  }
0x2dd: {  	s25 =	simm.s32 $0x6200;
	v13 =	vshll.u32 v6, $0x3;
	v3 =	vor.u32 v8, v5;
	v5 =	vand.u32 $0xFFFFFC00, v9;
	v9 =	vld.idx.msk [tilespmem:v1+s3+$0x0], $0xffff  }
0x2de: {  	v15 =	vor.u32 $0x80, v1;
	v6 =	vand.u32 $0x7F, v6;
	v13 =	vand.u32 $0xFFFFFC00, v13;
	[tilespmem:s25+$0xFFFFFE70] =	vst v10  }
0x2df: {  	v7 =	vand.u32 $0x7F, v7;
	v8 =	vshll.u32 v12, $0x3;
	v10 =	vor.u32 v6, v13;
	v6 =	vld.idx.msk [tilespmem:v11+s3+$0x0], $0xffff  }
0x2e0: {  	v11 =	vor.u32 v7, v5;
	v5 =	vld.idx.msk [tilespmem:v0+s3+$0x0], $0xffff;
	v7 =	vand.u32 $0xFFFFFC00, v8;
	v8 =	vand.u32 $0x7F, v12  }
0x2e1: {  	v13 =	vor.u32 $0x100, v4;
	v12 =	vor.u32 v8, v7;
	v7 =	vld.idx.msk [tilespmem:v2+s3+$0x0], $0xffff  }
0x2e2: {  	v8 =	vor.u32 $0x80, v0;
	v14 =	vld.idx.msk [tilespmem:v3+s3+$0x0], $0xffff;
	[tilespmem:s25+$0xFFFFFE10] =	vst v9  }
0x2e3: {  	v15 =	vld.idx.msk [tilespmem:v15+s3+$0x0], $0xffff  }
0x2e4: {  	v17 =	vor.u32 $0x80, v2;
	v16 =	vld.idx.msk [tilespmem:v10+s3+$0x0], $0xffff  }
0x2e5: {  	v18 =	vld.idx.msk [tilespmem:v11+s3+$0x0], $0xffff;
	[tilespmem:s25+$0xFFFFFEF0] =	vst v6;
	v6 =	vor.u32 $0x80, v3  }
0x2e6: {  	[tilespmem:s25+$0xFFFFFE00] =	vst v5;
	v5 =	vld.idx.msk [tilespmem:v13+s3+$0x0], $0xffff;
	v13 =	vor.u32 $0x80, v10  }
0x2e7: {  	v19 =	vor.u32 $0x80, v11;
	v8 =	vld.idx.msk [tilespmem:v8+s3+$0x0], $0xffff;
	[tilespmem:s25+$0xFFFFFE20] =	vst v7  }
0x2e8: {  	v9 =	vld.idx.msk [tilespmem:v12+s3+$0x0], $0xffff;
	v7 =	vor.u32 $0x180, v4;
	[tilespmem:s25+$0xFFFFFE30] =	vst v14  }
0x2e9: {  	v14 =	vor.u32 $0x80, v12;
	v17 =	vld.idx.msk [tilespmem:v17+s3+$0x0], $0xffff;
	[tilespmem:s25+$0xFFFFFE40] =	vst v16  }
0x2ea: {  	v16 =	vor.u32 $0x100, v0;
	v6 =	vld.idx.msk [tilespmem:v6+s3+$0x0], $0xffff;
	[tilespmem:s25+$0xFFFFFE50] =	vst v18  }
0x2eb: {  	v18 =	vor.u32 $0x100, v1;
	v13 =	vld.idx.msk [tilespmem:v13+s3+$0x0], $0xffff;
	[tilespmem:s25+$0xFFFFFF70] =	vst v5  }
0x2ec: {  	v5 =	vor.u32 $0x100, v2;
	[tilespmem:s25+$0xFFFFFE80] =	vst v8;
	v8 =	vld.idx.msk [tilespmem:v19+s3+$0x0], $0xffff  }
0x2ed: {  	[tilespmem:s25+$0xFFFFFE60] =	vst v9;
	v9 =	vor.u32 $0x100, v3;
	v7 =	vld.idx.msk [tilespmem:v7+s3+$0x0], $0xffff  }
0x2ee: {  	[tilespmem:s25+$0xFFFFFE90] =	vst v15;
	v19 =	vor.u32 $0x100, v10;
	v14 =	vld.idx.msk [tilespmem:v14+s3+$0x0], $0xffff  }
0x2ef: {  	[tilespmem:s25+$0xFFFFFEA0] =	vst v17;
	v17 =	vor.u32 $0x100, v11;
	v16 =	vld.idx.msk [tilespmem:v16+s3+$0x0], $0xffff  }
0x2f0: {  	v15 =	vor.u32 $0x200, v4;
	v18 =	vld.idx.msk [tilespmem:v18+s3+$0x0], $0xffff;
	[tilespmem:s25+$0xFFFFFEB0] =	vst v6  }
0x2f1: {  	v6 =	vor.u32 $0x100, v12;
	v5 =	vld.idx.msk [tilespmem:v5+s3+$0x0], $0xffff;
	[tilespmem:s25+$0xFFFFFEC0] =	vst v13  }
0x2f2: {  	v13 =	vor.u32 $0x180, v0;
	v9 =	vld.idx.msk [tilespmem:v9+s3+$0x0], $0xffff;
	[tilespmem:s25+$0xFFFFFED0] =	vst v8  }
0x2f3: {  	[tilespmem:s25+$0xFFFFFFF0] =	vst v7;
	v7 =	vor.u32 $0x180, v1;
	v19 =	vld.idx.msk [tilespmem:v19+s3+$0x0], $0xffff  }
0x2f4: {  	[tilespmem:s25+$0xFFFFFEE0] =	vst v14;
	v14 =	vld.idx.msk [tilespmem:v17+s3+$0x0], $0xffff;
	v17 =	vor.u32 $0x180, v3  }
0x2f5: {  	v8 =	vld.idx.msk [tilespmem:v15+s3+$0x0], $0xffff;
	v15 =	vor.u32 $0x180, v2;
	[tilespmem:s25+$0xFFFFFF00] =	vst v16  }
0x2f6: {  	v16 =	vor.u32 $0x280, v4;
	[tilespmem:s25+$0xFFFFFF10] =	vst v18;
	v6 =	vld.idx.msk [tilespmem:v6+s3+$0x0], $0xffff  }
0x2f7: {  	v18 =	vor.u32 $0x180, v10;
	v13 =	vld.idx.msk [tilespmem:v13+s3+$0x0], $0xffff;
	[tilespmem:s25+$0xFFFFFF20] =	vst v5  }
0x2f8: {  	v5 =	vor.u32 $0x180, v11;
	[tilespmem:s25+$0xFFFFFF30] =	vst v9;
	v7 =	vld.idx.msk [tilespmem:v7+s3+$0x0], $0xffff  }
0x2f9: {  	v9 =	vor.u32 $0x180, v12;
	[tilespmem:s25+$0xFFFFFF40] =	vst v19;
	v17 =	vld.idx.msk [tilespmem:v17+s3+$0x0], $0xffff  }
0x2fa: {  	v15 =	vld.idx.msk [tilespmem:v15+s3+$0x0], $0xffff;
	[tilespmem:s25+$0x70] =	vst v8;
	v8 =	vor.u32 $0x200, v0  }
0x2fb: {  	v19 =	vor.u32 $0x200, v1;
	[tilespmem:s25+$0xFFFFFF50] =	vst v14;
	v16 =	vld.idx.msk [tilespmem:v16+s3+$0x0], $0xffff  }
0x2fc: {  	v14 =	vld.idx.msk [tilespmem:v18+s3+$0x0], $0xffff;
	[tilespmem:s25+$0xFFFFFF60] =	vst v6;
	v6 =	vor.u32 $0x300, v4  }
0x2fd: {  	v18 =	vor.u32 $0x200, v2;
	[tilespmem:s25+$0xFFFFFF80] =	vst v13;
	v5 =	vld.idx.msk [tilespmem:v5+s3+$0x0], $0xffff  }
0x2fe: {  	v13 =	vor.u32 $0x200, v3;
	[tilespmem:s25+$0xFFFFFF90] =	vst v7;
	v7 =	vld.idx.msk [tilespmem:v9+s3+$0x0], $0xffff  }
0x2ff: {  	v9 =	vor.u32 $0x200, v10;
	v8 =	vld.idx.msk [tilespmem:v8+s3+$0x0], $0xffff;
	[tilespmem:s25+$0xFFFFFFA0] =	vst v15  }
0x300: {  	v15 =	vor.u32 $0x200, v11;
	v19 =	vld.idx.msk [tilespmem:v19+s3+$0x0], $0xffff;
	[tilespmem:s25+$0xF0] =	vst v16  }
0x301: {  	[tilespmem:s25+$0xFFFFFFB0] =	vst v17;
	v16 =	vor.u32 $0x200, v12;
	v6 =	vld.idx.msk [tilespmem:v6+s3+$0x0], $0xffff  }
0x302: {  	v17 =	vor.u32 $0x280, v0;
	v18 =	vld.idx.msk [tilespmem:v18+s3+$0x0], $0xffff;
	[tilespmem:s25+$0xFFFFFFC0] =	vst v14  }
0x303: {  	v4 =	vor.u32 $0x380, v4;
	v13 =	vld.idx.msk [tilespmem:v13+s3+$0x0], $0xffff;
	[tilespmem:s25+$0xFFFFFFD0] =	vst v5  }
0x304: {  	v5 =	vor.u32 $0x280, v1;
	v9 =	vld.idx.msk [tilespmem:v9+s3+$0x0], $0xffff;
	[tilespmem:s25+$0xFFFFFFE0] =	vst v7  }
0x305: {  	v7 =	vor.u32 $0x280, v2;
	[tilespmem:s25+$0x0] =	vst v8;
	v8 =	vld.idx.msk [tilespmem:v15+s3+$0x0], $0xffff  }
0x306: {  	v14 =	vor.u32 $0x280, v3;
	[tilespmem:s25+$0x10] =	vst v19;
	v15 =	vld.idx.msk [tilespmem:v16+s3+$0x0], $0xffff  }
0x307: {  	v16 =	vor.u32 $0x280, v10;
	v17 =	vld.idx.msk [tilespmem:v17+s3+$0x0], $0xffff;
	[tilespmem:s25+$0x170] =	vst v6  }
0x308: {  	v6 =	vor.u32 $0x280, v11;
	[tilespmem:s25+$0x20] =	vst v18;
	v4 =	vld.idx.msk [tilespmem:v4+s3+$0x0], $0xffff  }
0x309: {  	v18 =	vor.u32 $0x280, v12;
	v5 =	vld.idx.msk [tilespmem:v5+s3+$0x0], $0xffff;
	[tilespmem:s25+$0x30] =	vst v13  }
0x30a: {  	v13 =	vor.u32 $0x300, v0;
	v7 =	vld.idx.msk [tilespmem:v7+s3+$0x0], $0xffff;
	[tilespmem:s25+$0x40] =	vst v9  }
0x30b: {  	v9 =	vor.u32 $0x300, v1;
	v19 =	vld.idx.msk [tilespmem:v14+s3+$0x0], $0xffff;
	[tilespmem:s25+$0x50] =	vst v8  }
0x30c: {  	v20 =	vor.u32 $0x300, v2;
	v21 =	vld.idx.msk [tilespmem:v16+s3+$0x0], $0xffff;
	[tilespmem:s25+$0x60] =	vst v15  }
0x30d: {  	v22 =	vor.u32 $0x300, v3;
	[tilespmem:s25+$0x80] =	vst v17;
	v17 =	vld.idx.msk [tilespmem:v6+s3+$0x0], $0xffff  }
0x30e: {  	v23 =	vor.u32 $0x300, v10;
	v15 =	vld.idx.msk [tilespmem:v18+s3+$0x0], $0xffff;
	[tilespmem:s25+$0x1F0] =	vst v4  }
0x30f: {  	v14 =	vld.idx.msk [tilespmem:v13+s3+$0x0], $0xffff;
	[tilespmem:s25+$0x90] =	vst v5  }
0x310: {  	v13 =	vld.idx.msk [tilespmem:v9+s3+$0x0], $0xffff;
	[tilespmem:s25+$0xA0] =	vst v7  }
0x311: {  	v8 =	vor.u32 $0x300, v11;
	v6 =	vor.u32 $0x380, v1;
	v1 =	vor.u32 $0x380, v11;
	[tilespmem:s25+$0xB0] =	vst v19;
	v16 =	vld.idx.msk [tilespmem:v20+s3+$0x0], $0xffff  }
0x312: {  	v5 =	vor.u32 $0x380, v2;
	v4 =	vor.u32 $0x380, v3;
	v2 =	vor.u32 $0x380, v10;
	v3 =	vld.idx.msk [tilespmem:v22+s3+$0x0], $0xffff;
	[tilespmem:s25+$0xC0] =	vst v21  }
0x313: {  	s28 =	simm.s32 $0x0;
	s29 =	simm.s32 $0x4140;
	s26 =	simm.s32 $0x6200;
	v7 =	vor.u32 $0x380, v0;
	v9 =	vor.u32 $0x300, v12;
	v0 =	vor.u32 $0x380, v12;
	v10 =	vld.idx.msk [tilespmem:v23+s3+$0x0], $0xffff;
	[tilespmem:s25+$0xD0] =	vst v17  }
.LBB2_24:
0x314: {  	v11 =	vld [tilespmem:s29+$0x30];
	s28 =	sadd.s32 $0x8, s28;
	[tilespmem:s25+$0xE0] =	vst v15  }
0x315: {  	v12 =	vld [tilespmem:s29+$0xFFFFFFD0];
	p0 =	slt.u32 s28, $0xF8;
	[tilespmem:s25+$0x100] =	vst v14  }
0x316: {  	v14 =	vld [tilespmem:s29+$0xFFFFFFE0];
	[tilespmem:s25+$0x110] =	vst v13  }
0x317: {  	v13 =	vld [tilespmem:s29+$0xFFFFFFF0];
	[tilespmem:s25+$0x120] =	vst v16  }
0x318: {  	v15 =	vld [tilespmem:s29+$0x0];
	[tilespmem:s25+$0x130] =	vst v3  }
0x319: {  	v16 =	vld [tilespmem:s29+$0x10];
	v3 =	vshll.u32 v11, $0x3;
	[tilespmem:s25+$0x140] =	vst v10  }
0x31a: {  	v11 =	vand.u32 $0x7F, v11;
	v10 =	vshll.u32 v12, $0x3;
	v17 =	vld [tilespmem:s29+$0x20];
	v3 =	vand.u32 $0xFFFFFC00, v3  }
0x31b: {  	v18 =	vld [tilespmem:s29+$0xFFFFFFC0];
	v10 =	vand.u32 $0xFFFFFC00, v10;
	v19 =	vshll.u32 v14, $0x3;
	v3 =	vor.u32 v11, v3  }
0x31c: {  	v11 =	vand.u32 $0x7F, v12;
	v12 =	vand.u32 $0xFFFFFC00, v19;
	v19 =	vshll.u32 v13, $0x3;
	v8 =	vld.idx.msk [tilespmem:v8+s3+$0x0], $0xffff  }
0x31d: {  	v14 =	vand.u32 $0x7F, v14;
	v19 =	vand.u32 $0xFFFFFC00, v19;
	v20 =	vshll.u32 v15, $0x3;
	v9 =	vld.idx.msk [tilespmem:v9+s3+$0x0], $0xffff  }
0x31e: {  	v13 =	vand.u32 $0x7F, v13;
	v20 =	vand.u32 $0xFFFFFC00, v20;
	v21 =	vshll.u32 v16, $0x3;
	v7 =	vld.idx.msk [tilespmem:v7+s3+$0x0], $0xffff  }
0x31f: {  	v15 =	vand.u32 $0x7F, v15;
	v21 =	vand.u32 $0xFFFFFC00, v21;
	v22 =	vshll.u32 v17, $0x3;
	v6 =	vld.idx.msk [tilespmem:v6+s3+$0x0], $0xffff  }
0x320: {  	v23 =	vand.u32 $0x7F, v18;
	v18 =	vshll.u32 v18, $0x3;
	v22 =	vand.u32 $0xFFFFFC00, v22;
	v24 =	vld.idx.msk [tilespmem:v3+s3+$0x0], $0xffff  }
0x321: {  	v16 =	vand.u32 $0x7F, v16;
	v17 =	vand.u32 $0x7F, v17;
	v18 =	vand.u32 $0xFFFFFC00, v18;
	v5 =	vld.idx.msk [tilespmem:v5+s3+$0x0], $0xffff  }
0x322: {  	v25 =	vor.u32 v11, v10;
	v10 =	vor.u32 $0x80, v3;
	v23 =	vor.u32 v23, v18;
	v4 =	vld.idx.msk [tilespmem:v4+s3+$0x0], $0xffff;
	[tilespmem:s25+$0x150] =	vst v8  }
0x323: {  	v26 =	vor.u32 v14, v12;
	v27 =	vor.u32 v13, v19;
	v28 =	vor.u32 v15, v20;
	[tilespmem:s25+$0x160] =	vst v9  }
0x324: {  	v21 =	vor.u32 v16, v21;
	v22 =	vor.u32 v17, v22;
	v8 =	vor.u32 $0x80, v23;
	[tilespmem:s25+$0x180] =	vst v7;
	v2 =	vld.idx.msk [tilespmem:v2+s3+$0x0], $0xffff  }
0x325: {  	v29 =	vor.u32 $0x80, v27;
	v9 =	vor.u32 $0x80, v26;
	v7 =	vor.u32 $0x80, v25;
	s25 =	sadd.s32 $0x400, s25;
	[tilespmem:s26+$0x190] =	vst v6;
	v1 =	vld.idx.msk [tilespmem:v1+s3+$0x0], $0xffff  }
0x326: {  	v30 =	vor.u32 $0x80, v28;
	v31 =	vor.u32 $0x80, v21;
	v32 =	vor.u32 $0x80, v22;
	[tilespmem:s25+$0xFFFFFE70] =	vst v24;
	v0 =	vld.idx.msk [tilespmem:v0+s3+$0x0], $0xffff  }
0x327: {  	v33 =	vor.u32 $0x100, v25;
	v34 =	vor.u32 $0x100, v26;
	v24 =	vor.u32 $0x100, v23;
	v6 =	vld.idx.msk [tilespmem:v10+s3+$0x0], $0xffff;
	[tilespmem:s26+$0x1A0] =	vst v5  }
0x328: {  	v35 =	vor.u32 $0x100, v27;
	v36 =	vor.u32 $0x100, v28;
	v37 =	vor.u32 $0x100, v21;
	v5 =	vld.idx.msk [tilespmem:v23+s3+$0x0], $0xffff;
	[tilespmem:s26+$0x1B0] =	vst v4  }
0x329: {  	v39 =	vor.u32 $0x100, v22;
	v38 =	vor.u32 $0x180, v23;
	v10 =	vor.u32 $0x100, v3;
	v4 =	vld.idx.msk [tilespmem:v25+s3+$0x0], $0xffff  }
0x32a: {  	v40 =	vor.u32 $0x180, v25;
	v41 =	vor.u32 $0x180, v26;
	v42 =	vor.u32 $0x180, v27;
	v11 =	vld.idx.msk [tilespmem:v26+s3+$0x0], $0xffff;
	[tilespmem:s26+$0x1C0] =	vst v2  }
0x32b: {  	v43 =	vor.u32 $0x180, v28;
	v44 =	vor.u32 $0x180, v21;
	v45 =	vor.u32 $0x180, v22;
	v2 =	vld.idx.msk [tilespmem:v27+s3+$0x0], $0xffff;
	[tilespmem:s26+$0x1D0] =	vst v1  }
0x32c: {  	v47 =	vor.u32 $0x200, v25;
	v48 =	vor.u32 $0x200, v26;
	v46 =	vor.u32 $0x200, v23;
	v1 =	vld.idx.msk [tilespmem:v28+s3+$0x0], $0xffff;
	[tilespmem:s26+$0x1E0] =	vst v0;
	s26 =	smov.u32 s25  }
0x32d: {  	v49 =	vor.u32 $0x200, v27;
	v50 =	vor.u32 $0x200, v28;
	v51 =	vor.u32 $0x200, v21;
	v0 =	vld.idx.msk [tilespmem:v21+s3+$0x0], $0xffff;
	[tilespmem:s25+$0xFFFFFEF0] =	vst v6  }
0x32e: {  	v18 =	vor.u32 $0x280, v25;
	v53 =	vor.u32 $0x200, v22;
	v52 =	vor.u32 $0x280, v23;
	[tilespmem:s25+$0xFFFFFE00] =	vst v5;
	v54 =	vld.idx.msk [tilespmem:v10+s3+$0x0], $0xffff  }
0x32f: {  	v20 =	vor.u32 $0x280, v26;
	v19 =	vor.u32 $0x280, v27;
	v15 =	vor.u32 $0x280, v28;
	[tilespmem:s25+$0xFFFFFE10] =	vst v4;
	v55 =	vld.idx.msk [tilespmem:v22+s3+$0x0], $0xffff  }
0x330: {  	v57 =	vor.u32 $0x180, v3;
	v17 =	vor.u32 $0x280, v21;
	v16 =	vor.u32 $0x280, v22;
	v56 =	vld.idx.msk [tilespmem:v8+s3+$0x0], $0xffff;
	[tilespmem:s25+$0xFFFFFE20] =	vst v11  }
0x331: {  	v13 =	vor.u32 $0x300, v25;
	v14 =	vor.u32 $0x300, v23;
	v10 =	vor.u32 $0x300, v26;
	v58 =	vld.idx.msk [tilespmem:v7+s3+$0x0], $0xffff;
	[tilespmem:s25+$0xFFFFFE30] =	vst v2  }
0x332: {  	v12 =	vor.u32 $0x300, v27;
	v11 =	vor.u32 $0x300, v28;
	v8 =	vor.u32 $0x300, v21;
	v59 =	vld.idx.msk [tilespmem:v9+s3+$0x0], $0xffff;
	[tilespmem:s25+$0xFFFFFE40] =	vst v1  }
0x333: {  	v6 =	vor.u32 $0x380, v25;
	v7 =	vor.u32 $0x380, v23;
	v9 =	vor.u32 $0x300, v22;
	v23 =	vld.idx.msk [tilespmem:v29+s3+$0x0], $0xffff;
	[tilespmem:s25+$0xFFFFFE50] =	vst v0  }
0x334: {  	v5 =	vor.u32 $0x380, v26;
	v4 =	vor.u32 $0x380, v27;
	v2 =	vor.u32 $0x380, v28;
	v25 =	vld.idx.msk [tilespmem:v30+s3+$0x0], $0xffff;
	[tilespmem:s25+$0xFFFFFF70] =	vst v54  }
0x335: {  	v1 =	vor.u32 $0x380, v21;
	v0 =	vor.u32 $0x380, v22;
	[tilespmem:s25+$0xFFFFFE60] =	vst v55;
	v21 =	vld.idx.msk [tilespmem:v57+s3+$0x0], $0xffff  }
0x336: {  	[tilespmem:s25+$0xFFFFFE80] =	vst v56;
	v22 =	vld.idx.msk [tilespmem:v31+s3+$0x0], $0xffff  }
0x337: {  	v27 =	vor.u32 $0x200, v3;
	[tilespmem:s25+$0xFFFFFE90] =	vst v58;
	v26 =	vld.idx.msk [tilespmem:v32+s3+$0x0], $0xffff  }
0x338: {  	v24 =	vld.idx.msk [tilespmem:v24+s3+$0x0], $0xffff;
	[tilespmem:s25+$0xFFFFFEA0] =	vst v59  }
0x339: {  	v28 =	vld.idx.msk [tilespmem:v33+s3+$0x0], $0xffff;
	[tilespmem:s25+$0xFFFFFEB0] =	vst v23  }
0x33a: {  	v23 =	vld.idx.msk [tilespmem:v34+s3+$0x0], $0xffff;
	[tilespmem:s25+$0xFFFFFEC0] =	vst v25  }
0x33b: {  	v25 =	vld.idx.msk [tilespmem:v35+s3+$0x0], $0xffff;
	[tilespmem:s25+$0xFFFFFFF0] =	vst v21  }
0x33c: {  	[tilespmem:s25+$0xFFFFFED0] =	vst v22;
	v21 =	vld.idx.msk [tilespmem:v27+s3+$0x0], $0xffff  }
0x33d: {  	v22 =	vld.idx.msk [tilespmem:v36+s3+$0x0], $0xffff;
	[tilespmem:s25+$0xFFFFFEE0] =	vst v26  }
0x33e: {  	v26 =	vor.u32 $0x280, v3;
	[tilespmem:s25+$0xFFFFFF00] =	vst v24;
	v24 =	vld.idx.msk [tilespmem:v37+s3+$0x0], $0xffff  }
0x33f: {  	[tilespmem:s25+$0xFFFFFF10] =	vst v28;
	v27 =	vld.idx.msk [tilespmem:v39+s3+$0x0], $0xffff  }
0x340: {  	v28 =	vld.idx.msk [tilespmem:v38+s3+$0x0], $0xffff;
	[tilespmem:s25+$0xFFFFFF20] =	vst v23  }
0x341: {  	v23 =	vld.idx.msk [tilespmem:v40+s3+$0x0], $0xffff;
	[tilespmem:s25+$0xFFFFFF30] =	vst v25  }
0x342: {  	v25 =	vld.idx.msk [tilespmem:v41+s3+$0x0], $0xffff;
	[tilespmem:s25+$0x70] =	vst v21  }
0x343: {  	[tilespmem:s25+$0xFFFFFF40] =	vst v22;
	v21 =	vld.idx.msk [tilespmem:v26+s3+$0x0], $0xffff  }
0x344: {  	v22 =	vld.idx.msk [tilespmem:v42+s3+$0x0], $0xffff;
	[tilespmem:s25+$0xFFFFFF50] =	vst v24  }
0x345: {  	v26 =	vor.u32 $0x300, v3;
	v24 =	vld.idx.msk [tilespmem:v43+s3+$0x0], $0xffff;
	[tilespmem:s25+$0xFFFFFF60] =	vst v27  }
0x346: {  	[tilespmem:s25+$0xFFFFFF80] =	vst v28;
	v27 =	vld.idx.msk [tilespmem:v44+s3+$0x0], $0xffff  }
0x347: {  	[tilespmem:s25+$0xFFFFFF90] =	vst v23;
	v23 =	vld.idx.msk [tilespmem:v45+s3+$0x0], $0xffff  }
0x348: {  	v28 =	vld.idx.msk [tilespmem:v46+s3+$0x0], $0xffff;
	[tilespmem:s25+$0xFFFFFFA0] =	vst v25  }
0x349: {  	v25 =	vld.idx.msk [tilespmem:v47+s3+$0x0], $0xffff;
	[tilespmem:s25+$0xF0] =	vst v21  }
0x34a: {  	[tilespmem:s25+$0xFFFFFFB0] =	vst v22;
	v21 =	vld.idx.msk [tilespmem:v26+s3+$0x0], $0xffff  }
0x34b: {  	v22 =	vld.idx.msk [tilespmem:v48+s3+$0x0], $0xffff;
	[tilespmem:s25+$0xFFFFFFC0] =	vst v24  }
0x34c: {  	v3 =	vor.u32 $0x380, v3;
	v24 =	vld.idx.msk [tilespmem:v49+s3+$0x0], $0xffff;
	[tilespmem:s25+$0xFFFFFFD0] =	vst v27  }
0x34d: {  	v26 =	vld.idx.msk [tilespmem:v50+s3+$0x0], $0xffff;
	[tilespmem:s25+$0xFFFFFFE0] =	vst v23  }
0x34e: {  	[tilespmem:s25+$0x0] =	vst v28;
	v23 =	vld.idx.msk [tilespmem:v51+s3+$0x0], $0xffff  }
0x34f: {  	[tilespmem:s25+$0x10] =	vst v25;
	v25 =	vld.idx.msk [tilespmem:v53+s3+$0x0], $0xffff  }
0x350: {  	v27 =	vld.idx.msk [tilespmem:v52+s3+$0x0], $0xffff;
	[tilespmem:s25+$0x170] =	vst v21  }
0x351: {  	[tilespmem:s25+$0x20] =	vst v22;
	v3 =	vld.idx.msk [tilespmem:v3+s3+$0x0], $0xffff  }
0x352: {  	v18 =	vld.idx.msk [tilespmem:v18+s3+$0x0], $0xffff;
	[tilespmem:s25+$0x30] =	vst v24  }
0x353: {  	v20 =	vld.idx.msk [tilespmem:v20+s3+$0x0], $0xffff;
	[tilespmem:s25+$0x40] =	vst v26  }
0x354: {  	v19 =	vld.idx.msk [tilespmem:v19+s3+$0x0], $0xffff;
	[tilespmem:s25+$0x50] =	vst v23  }
0x355: {  	v21 =	vld.idx.msk [tilespmem:v15+s3+$0x0], $0xffff;
	[tilespmem:s25+$0x60] =	vst v25  }
0x356: {  	[tilespmem:s25+$0x80] =	vst v27;
	v17 =	vld.idx.msk [tilespmem:v17+s3+$0x0], $0xffff  }
0x357: {  	v15 =	vld.idx.msk [tilespmem:v16+s3+$0x0], $0xffff;
	[tilespmem:s25+$0x1F0] =	vst v3  }
.Ltmp11:
0x358: {  	v14 =	vld.idx.msk [tilespmem:v14+s3+$0x0], $0xffff;
	[tilespmem:s25+$0x90] =	vst v18;
	(pc) =	sbr.rel @p0 .LBB2_24-.Ltmp11, $4  }
0x359: {  	v13 =	vld.idx.msk [tilespmem:v13+s3+$0x0], $0xffff;
	[tilespmem:s25+$0xA0] =	vst v20  }
0x35a: {  	v16 =	vld.idx.msk [tilespmem:v10+s3+$0x0], $0xffff;
	[tilespmem:s25+$0xB0] =	vst v19  }
0x35b: {  	v3 =	vld.idx.msk [tilespmem:v12+s3+$0x0], $0xffff;
	[tilespmem:s25+$0xC0] =	vst v21  }
0x35c: {  	s29 =	sadd.s32 $0x100, s29;
	v10 =	vld.idx.msk [tilespmem:v11+s3+$0x0], $0xffff;
	[tilespmem:s25+$0xD0] =	vst v17  }
0x35d: {  	_ =	sdelay $0x2  }
0x35e: {  	[tilespmem:s25+$0xE0] =	vst v15  }
0x35f: {  	[tilespmem:s25+$0x100] =	vst v14;
	v8 =	vld.idx.msk [tilespmem:v8+s3+$0x0], $0xffff  }
0x360: {  	[tilespmem:s25+$0x110] =	vst v13;
	v9 =	vld.idx.msk [tilespmem:v9+s3+$0x0], $0xffff  }
0x361: {  	v7 =	vld.idx.msk [tilespmem:v7+s3+$0x0], $0xffff;
	[tilespmem:s25+$0x120] =	vst v16  }
0x362: {  	[tilespmem:s25+$0x130] =	vst v3;
	v3 =	vld.idx.msk [tilespmem:v6+s3+$0x0], $0xffff  }
0x363: {  	v5 =	vld.idx.msk [tilespmem:v5+s3+$0x0], $0xffff;
	[tilespmem:s25+$0x140] =	vst v10  }
0x364: {  	v4 =	vld.idx.msk [tilespmem:v4+s3+$0x0], $0xffff;
	[tilespmem:s25+$0x150] =	vst v8  }
0x365: {  	v2 =	vld.idx.msk [tilespmem:v2+s3+$0x0], $0xffff;
	[tilespmem:s25+$0x160] =	vst v9  }
0x366: {  	[tilespmem:s25+$0x180] =	vst v7;
	v1 =	vld.idx.msk [tilespmem:v1+s3+$0x0], $0xffff  }
0x367: {  	v0 =	vld.idx.msk [tilespmem:v0+s3+$0x0], $0xffff;
	[tilespmem:s26+$0x190] =	vst v3  }
0x368: {  	[tilespmem:s26+$0x1A0] =	vst v5  }
0x369: {  	[tilespmem:s26+$0x1B0] =	vst v4  }
0x36a: {  	[tilespmem:s26+$0x1C0] =	vst v2  }
0x36b: {  	[tilespmem:s26+$0x1D0] =	vst v1  }
0x36c: {  	[tilespmem:s26+$0x1E0] =	vst v0  }
0x36d: {  	[hbm4b:s13+s3] =	stream.linear.scatter [tilespmem:s19], [sflag:$0x3], $0x8000, $0x38;
	[tilespmem:$0x16000] =	vst v63  }
0x36e: {  	_ =	swait.ge [sflag:s20], $0x1000  }
0x36f: {  	[sflag:s20] =	ssyncset.done $0x0  }
0x370: {  	[sflag:s20] =	ssyncadd.s32 $0xFFFFF000  }
0x371: {  	_ =	swait.ge [sflag:s23], $0x8000  }
0x372: {  	[sflag:s23] =	ssyncset.done $0x0  }
0x373: {  	s0 =	simm.s32 $0x40F0;
	[sflag:s23] =	ssyncadd.s32 $0xFFFF8000  }
0x374: {  	v0 =	vld [tilespmem:s0+$0x0];
	_ =	sdelay $0x3  }
0x375: {  	v1 =	vld [tilespmem:s0+$0xFFFFFFA0]  }
0x376: {  	v2 =	vshll.u32 v0, $0x3  }
0x377: {  	v3 =	vld [tilespmem:s0+$0xFFFFFFB0];
	v0 =	vand.u32 $0x7F, v0;
	v2 =	vand.u32 $0xFFFFFC00, v2  }
0x378: {  	v5 =	vld [tilespmem:s0+$0xFFFFFF90];
	v4 =	vor.u32 v0, v2;
	_ =	sdelay $0x1  }
0x379: {  	v2 =	vld [tilespmem:s0+$0xFFFFFFC0];
	v0 =	vshll.u32 v1, $0x3  }
0x37a: {  	v7 =	vld [tilespmem:s0+$0xFFFFFFE0];
	v1 =	vand.u32 $0x7F, v1;
	v8 =	vand.u32 $0xFFFFFC00, v0  }
0x37b: {  	v6 =	vld [tilespmem:s0+$0xFFFFFFD0];
	v0 =	vshll.u32 v3, $0x3;
	v1 =	vor.u32 v1, v8  }
0x37c: {  	v11 =	vor.u32 $0x80, v4;
	v9 =	vand.u32 $0xFFFFFC00, v0;
	v0 =	vshll.u32 v5, $0x3;
	v10 =	vld.idx.msk [tilespmem:v4+s3+$0x0], $0xffff  }
0x37d: {  	v12 =	vld [tilespmem:s0+$0xFFFFFFF0];
	v3 =	vand.u32 $0x7F, v3;
	v5 =	vand.u32 $0x7F, v5;
	v0 =	vand.u32 $0xFFFFFC00, v0  }
0x37e: {  	v0 =	vor.u32 v5, v0;
	v13 =	vshll.u32 v2, $0x3;
	v8 =	vand.u32 $0x7F, v2  }
0x37f: {  	v2 =	vor.u32 v3, v9;
	v9 =	vshll.u32 v7, $0x3;
	v5 =	vand.u32 $0xFFFFFC00, v13  }
0x380: {  	s25 =	simm.s32 $0xE3F0;
	v13 =	vshll.u32 v6, $0x3;
	v3 =	vor.u32 v8, v5;
	v5 =	vand.u32 $0xFFFFFC00, v9;
	v9 =	vld.idx.msk [tilespmem:v1+s3+$0x0], $0xffff  }
0x381: {  	v15 =	vor.u32 $0x80, v1;
	v6 =	vand.u32 $0x7F, v6;
	v13 =	vand.u32 $0xFFFFFC00, v13;
	[tilespmem:s25+$0xFFFFFC80] =	vst v10  }
0x382: {  	v7 =	vand.u32 $0x7F, v7;
	v8 =	vshll.u32 v12, $0x3;
	v10 =	vor.u32 v6, v13;
	v6 =	vld.idx.msk [tilespmem:v11+s3+$0x0], $0xffff  }
0x383: {  	v11 =	vor.u32 v7, v5;
	v5 =	vld.idx.msk [tilespmem:v0+s3+$0x0], $0xffff;
	v7 =	vand.u32 $0xFFFFFC00, v8;
	v8 =	vand.u32 $0x7F, v12  }
0x384: {  	v13 =	vor.u32 $0x100, v4;
	v12 =	vor.u32 v8, v7;
	v7 =	vld.idx.msk [tilespmem:v2+s3+$0x0], $0xffff  }
0x385: {  	v8 =	vor.u32 $0x80, v0;
	v14 =	vld.idx.msk [tilespmem:v3+s3+$0x0], $0xffff;
	[tilespmem:s25+$0xFFFFFC20] =	vst v9  }
0x386: {  	v15 =	vld.idx.msk [tilespmem:v15+s3+$0x0], $0xffff  }
0x387: {  	v17 =	vor.u32 $0x80, v2;
	v16 =	vld.idx.msk [tilespmem:v10+s3+$0x0], $0xffff  }
0x388: {  	v18 =	vld.idx.msk [tilespmem:v11+s3+$0x0], $0xffff;
	[tilespmem:s25+$0xFFFFFD00] =	vst v6;
	v6 =	vor.u32 $0x80, v3  }
0x389: {  	[tilespmem:s25+$0xFFFFFC10] =	vst v5;
	v5 =	vld.idx.msk [tilespmem:v13+s3+$0x0], $0xffff;
	v13 =	vor.u32 $0x80, v10  }
0x38a: {  	v19 =	vor.u32 $0x80, v11;
	v8 =	vld.idx.msk [tilespmem:v8+s3+$0x0], $0xffff;
	[tilespmem:s25+$0xFFFFFC30] =	vst v7  }
0x38b: {  	v9 =	vld.idx.msk [tilespmem:v12+s3+$0x0], $0xffff;
	v7 =	vor.u32 $0x180, v4;
	[tilespmem:s25+$0xFFFFFC40] =	vst v14  }
0x38c: {  	v14 =	vor.u32 $0x80, v12;
	v17 =	vld.idx.msk [tilespmem:v17+s3+$0x0], $0xffff;
	[tilespmem:s25+$0xFFFFFC50] =	vst v16  }
0x38d: {  	v16 =	vor.u32 $0x100, v0;
	v6 =	vld.idx.msk [tilespmem:v6+s3+$0x0], $0xffff;
	[tilespmem:s25+$0xFFFFFC60] =	vst v18  }
0x38e: {  	v18 =	vor.u32 $0x100, v1;
	v13 =	vld.idx.msk [tilespmem:v13+s3+$0x0], $0xffff;
	[tilespmem:s25+$0xFFFFFD80] =	vst v5  }
0x38f: {  	v5 =	vor.u32 $0x100, v2;
	[tilespmem:s25+$0xFFFFFC90] =	vst v8;
	v8 =	vld.idx.msk [tilespmem:v19+s3+$0x0], $0xffff  }
0x390: {  	[tilespmem:s25+$0xFFFFFC70] =	vst v9;
	v9 =	vor.u32 $0x100, v3;
	v7 =	vld.idx.msk [tilespmem:v7+s3+$0x0], $0xffff  }
0x391: {  	[tilespmem:s25+$0xFFFFFCA0] =	vst v15;
	v19 =	vor.u32 $0x100, v10;
	v14 =	vld.idx.msk [tilespmem:v14+s3+$0x0], $0xffff  }
0x392: {  	[tilespmem:s25+$0xFFFFFCB0] =	vst v17;
	v17 =	vor.u32 $0x100, v11;
	v16 =	vld.idx.msk [tilespmem:v16+s3+$0x0], $0xffff  }
0x393: {  	v15 =	vor.u32 $0x200, v4;
	v18 =	vld.idx.msk [tilespmem:v18+s3+$0x0], $0xffff;
	[tilespmem:s25+$0xFFFFFCC0] =	vst v6  }
0x394: {  	v6 =	vor.u32 $0x100, v12;
	v5 =	vld.idx.msk [tilespmem:v5+s3+$0x0], $0xffff;
	[tilespmem:s25+$0xFFFFFCD0] =	vst v13  }
0x395: {  	v13 =	vor.u32 $0x180, v0;
	v9 =	vld.idx.msk [tilespmem:v9+s3+$0x0], $0xffff;
	[tilespmem:s25+$0xFFFFFCE0] =	vst v8  }
0x396: {  	[tilespmem:s25+$0xFFFFFE00] =	vst v7;
	v7 =	vor.u32 $0x180, v1;
	v19 =	vld.idx.msk [tilespmem:v19+s3+$0x0], $0xffff  }
0x397: {  	[tilespmem:s25+$0xFFFFFCF0] =	vst v14;
	v14 =	vld.idx.msk [tilespmem:v17+s3+$0x0], $0xffff;
	v17 =	vor.u32 $0x180, v3  }
0x398: {  	v8 =	vld.idx.msk [tilespmem:v15+s3+$0x0], $0xffff;
	v15 =	vor.u32 $0x180, v2;
	[tilespmem:s25+$0xFFFFFD10] =	vst v16  }
0x399: {  	v16 =	vor.u32 $0x280, v4;
	[tilespmem:s25+$0xFFFFFD20] =	vst v18;
	v6 =	vld.idx.msk [tilespmem:v6+s3+$0x0], $0xffff  }
0x39a: {  	v18 =	vor.u32 $0x180, v10;
	v13 =	vld.idx.msk [tilespmem:v13+s3+$0x0], $0xffff;
	[tilespmem:s25+$0xFFFFFD30] =	vst v5  }
0x39b: {  	v5 =	vor.u32 $0x180, v11;
	[tilespmem:s25+$0xFFFFFD40] =	vst v9;
	v7 =	vld.idx.msk [tilespmem:v7+s3+$0x0], $0xffff  }
0x39c: {  	v9 =	vor.u32 $0x180, v12;
	[tilespmem:s25+$0xFFFFFD50] =	vst v19;
	v17 =	vld.idx.msk [tilespmem:v17+s3+$0x0], $0xffff  }
0x39d: {  	v15 =	vld.idx.msk [tilespmem:v15+s3+$0x0], $0xffff;
	[tilespmem:s25+$0xFFFFFE80] =	vst v8;
	v8 =	vor.u32 $0x200, v0  }
0x39e: {  	v19 =	vor.u32 $0x200, v1;
	[tilespmem:s25+$0xFFFFFD60] =	vst v14;
	v16 =	vld.idx.msk [tilespmem:v16+s3+$0x0], $0xffff  }
0x39f: {  	v14 =	vld.idx.msk [tilespmem:v18+s3+$0x0], $0xffff;
	[tilespmem:s25+$0xFFFFFD70] =	vst v6;
	v6 =	vor.u32 $0x300, v4  }
0x3a0: {  	v18 =	vor.u32 $0x200, v2;
	[tilespmem:s25+$0xFFFFFD90] =	vst v13;
	v5 =	vld.idx.msk [tilespmem:v5+s3+$0x0], $0xffff  }
0x3a1: {  	v13 =	vor.u32 $0x200, v3;
	[tilespmem:s25+$0xFFFFFDA0] =	vst v7;
	v7 =	vld.idx.msk [tilespmem:v9+s3+$0x0], $0xffff  }
0x3a2: {  	v9 =	vor.u32 $0x200, v10;
	v8 =	vld.idx.msk [tilespmem:v8+s3+$0x0], $0xffff;
	[tilespmem:s25+$0xFFFFFDB0] =	vst v15  }
0x3a3: {  	v15 =	vor.u32 $0x200, v11;
	v19 =	vld.idx.msk [tilespmem:v19+s3+$0x0], $0xffff;
	[tilespmem:s25+$0xFFFFFF00] =	vst v16  }
0x3a4: {  	[tilespmem:s25+$0xFFFFFDC0] =	vst v17;
	v16 =	vor.u32 $0x200, v12;
	v6 =	vld.idx.msk [tilespmem:v6+s3+$0x0], $0xffff  }
0x3a5: {  	v17 =	vor.u32 $0x280, v0;
	v18 =	vld.idx.msk [tilespmem:v18+s3+$0x0], $0xffff;
	[tilespmem:s25+$0xFFFFFDD0] =	vst v14  }
0x3a6: {  	v4 =	vor.u32 $0x380, v4;
	v13 =	vld.idx.msk [tilespmem:v13+s3+$0x0], $0xffff;
	[tilespmem:s25+$0xFFFFFDE0] =	vst v5  }
0x3a7: {  	v5 =	vor.u32 $0x280, v1;
	v9 =	vld.idx.msk [tilespmem:v9+s3+$0x0], $0xffff;
	[tilespmem:s25+$0xFFFFFDF0] =	vst v7  }
0x3a8: {  	v7 =	vor.u32 $0x280, v2;
	[tilespmem:s25+$0xFFFFFE10] =	vst v8;
	v8 =	vld.idx.msk [tilespmem:v15+s3+$0x0], $0xffff  }
0x3a9: {  	v14 =	vor.u32 $0x280, v3;
	[tilespmem:s25+$0xFFFFFE20] =	vst v19;
	v15 =	vld.idx.msk [tilespmem:v16+s3+$0x0], $0xffff  }
0x3aa: {  	v16 =	vor.u32 $0x280, v10;
	v17 =	vld.idx.msk [tilespmem:v17+s3+$0x0], $0xffff;
	[tilespmem:s25+$0xFFFFFF80] =	vst v6  }
0x3ab: {  	v6 =	vor.u32 $0x280, v11;
	[tilespmem:s25+$0xFFFFFE30] =	vst v18;
	v4 =	vld.idx.msk [tilespmem:v4+s3+$0x0], $0xffff  }
0x3ac: {  	v18 =	vor.u32 $0x280, v12;
	v5 =	vld.idx.msk [tilespmem:v5+s3+$0x0], $0xffff;
	[tilespmem:s25+$0xFFFFFE40] =	vst v13  }
0x3ad: {  	v13 =	vor.u32 $0x300, v0;
	v7 =	vld.idx.msk [tilespmem:v7+s3+$0x0], $0xffff;
	[tilespmem:s25+$0xFFFFFE50] =	vst v9  }
0x3ae: {  	v9 =	vor.u32 $0x300, v1;
	v19 =	vld.idx.msk [tilespmem:v14+s3+$0x0], $0xffff;
	[tilespmem:s25+$0xFFFFFE60] =	vst v8  }
0x3af: {  	v20 =	vor.u32 $0x300, v2;
	v21 =	vld.idx.msk [tilespmem:v16+s3+$0x0], $0xffff;
	[tilespmem:s25+$0xFFFFFE70] =	vst v15  }
0x3b0: {  	v22 =	vor.u32 $0x300, v3;
	[tilespmem:s25+$0xFFFFFE90] =	vst v17;
	v17 =	vld.idx.msk [tilespmem:v6+s3+$0x0], $0xffff  }
0x3b1: {  	v23 =	vor.u32 $0x300, v10;
	v15 =	vld.idx.msk [tilespmem:v18+s3+$0x0], $0xffff;
	[tilespmem:s25+$0x0] =	vst v4  }
0x3b2: {  	v14 =	vld.idx.msk [tilespmem:v13+s3+$0x0], $0xffff;
	[tilespmem:s25+$0xFFFFFEA0] =	vst v5  }
0x3b3: {  	v13 =	vld.idx.msk [tilespmem:v9+s3+$0x0], $0xffff;
	[tilespmem:s25+$0xFFFFFEB0] =	vst v7  }
0x3b4: {  	v8 =	vor.u32 $0x300, v11;
	v6 =	vor.u32 $0x380, v1;
	v1 =	vor.u32 $0x380, v11;
	[tilespmem:s25+$0xFFFFFEC0] =	vst v19;
	v16 =	vld.idx.msk [tilespmem:v20+s3+$0x0], $0xffff  }
0x3b5: {  	v5 =	vor.u32 $0x380, v2;
	v4 =	vor.u32 $0x380, v3;
	v2 =	vor.u32 $0x380, v10;
	v3 =	vld.idx.msk [tilespmem:v22+s3+$0x0], $0xffff;
	[tilespmem:s25+$0xFFFFFED0] =	vst v21  }
0x3b6: {  	s28 =	simm.s32 $0x0;
	s29 =	simm.s32 $0x41F0;
	s26 =	simm.s32 $0xE3F0;
	v7 =	vor.u32 $0x380, v0;
	v9 =	vor.u32 $0x300, v12;
	v0 =	vor.u32 $0x380, v12;
	v10 =	vld.idx.msk [tilespmem:v23+s3+$0x0], $0xffff;
	[tilespmem:s25+$0xFFFFFEE0] =	vst v17  }
.LBB2_26:
0x3b7: {  	v11 =	vld [tilespmem:s29+$0x0];
	s28 =	sadd.s32 $0x8, s28;
	[tilespmem:s25+$0xFFFFFEF0] =	vst v15  }
0x3b8: {  	v12 =	vld [tilespmem:s29+$0xFFFFFFA0];
	p0 =	slt.u32 s28, $0xF8;
	[tilespmem:s25+$0xFFFFFF10] =	vst v14  }
0x3b9: {  	v14 =	vld [tilespmem:s29+$0xFFFFFFB0];
	[tilespmem:s25+$0xFFFFFF20] =	vst v13  }
0x3ba: {  	v13 =	vld [tilespmem:s29+$0xFFFFFFC0];
	[tilespmem:s25+$0xFFFFFF30] =	vst v16  }
0x3bb: {  	v15 =	vld [tilespmem:s29+$0xFFFFFFD0];
	[tilespmem:s25+$0xFFFFFF40] =	vst v3  }
0x3bc: {  	v16 =	vld [tilespmem:s29+$0xFFFFFFE0];
	v3 =	vshll.u32 v11, $0x3;
	[tilespmem:s25+$0xFFFFFF50] =	vst v10  }
0x3bd: {  	v11 =	vand.u32 $0x7F, v11;
	v10 =	vshll.u32 v12, $0x3;
	v17 =	vld [tilespmem:s29+$0xFFFFFFF0];
	v3 =	vand.u32 $0xFFFFFC00, v3  }
0x3be: {  	v18 =	vld [tilespmem:s29+$0xFFFFFF90];
	v10 =	vand.u32 $0xFFFFFC00, v10;
	v19 =	vshll.u32 v14, $0x3;
	v3 =	vor.u32 v11, v3  }
0x3bf: {  	v11 =	vand.u32 $0x7F, v12;
	v12 =	vand.u32 $0xFFFFFC00, v19;
	v19 =	vshll.u32 v13, $0x3;
	v8 =	vld.idx.msk [tilespmem:v8+s3+$0x0], $0xffff  }
0x3c0: {  	v14 =	vand.u32 $0x7F, v14;
	v19 =	vand.u32 $0xFFFFFC00, v19;
	v20 =	vshll.u32 v15, $0x3;
	v9 =	vld.idx.msk [tilespmem:v9+s3+$0x0], $0xffff  }
0x3c1: {  	v13 =	vand.u32 $0x7F, v13;
	v20 =	vand.u32 $0xFFFFFC00, v20;
	v21 =	vshll.u32 v16, $0x3;
	v7 =	vld.idx.msk [tilespmem:v7+s3+$0x0], $0xffff  }
0x3c2: {  	v15 =	vand.u32 $0x7F, v15;
	v21 =	vand.u32 $0xFFFFFC00, v21;
	v22 =	vshll.u32 v17, $0x3;
	v6 =	vld.idx.msk [tilespmem:v6+s3+$0x0], $0xffff  }
0x3c3: {  	v23 =	vand.u32 $0x7F, v18;
	v18 =	vshll.u32 v18, $0x3;
	v22 =	vand.u32 $0xFFFFFC00, v22;
	v24 =	vld.idx.msk [tilespmem:v3+s3+$0x0], $0xffff  }
0x3c4: {  	v16 =	vand.u32 $0x7F, v16;
	v17 =	vand.u32 $0x7F, v17;
	v18 =	vand.u32 $0xFFFFFC00, v18;
	v5 =	vld.idx.msk [tilespmem:v5+s3+$0x0], $0xffff  }
0x3c5: {  	v25 =	vor.u32 v11, v10;
	v10 =	vor.u32 $0x80, v3;
	v23 =	vor.u32 v23, v18;
	v4 =	vld.idx.msk [tilespmem:v4+s3+$0x0], $0xffff;
	[tilespmem:s25+$0xFFFFFF60] =	vst v8  }
0x3c6: {  	v26 =	vor.u32 v14, v12;
	v27 =	vor.u32 v13, v19;
	v28 =	vor.u32 v15, v20;
	[tilespmem:s25+$0xFFFFFF70] =	vst v9  }
0x3c7: {  	v21 =	vor.u32 v16, v21;
	v22 =	vor.u32 v17, v22;
	v8 =	vor.u32 $0x80, v23;
	[tilespmem:s25+$0xFFFFFF90] =	vst v7;
	v2 =	vld.idx.msk [tilespmem:v2+s3+$0x0], $0xffff  }
0x3c8: {  	v29 =	vor.u32 $0x80, v27;
	v9 =	vor.u32 $0x80, v26;
	v7 =	vor.u32 $0x80, v25;
	s25 =	sadd.s32 $0x400, s25;
	[tilespmem:s26+$0xFFFFFFA0] =	vst v6;
	v1 =	vld.idx.msk [tilespmem:v1+s3+$0x0], $0xffff  }
0x3c9: {  	v30 =	vor.u32 $0x80, v28;
	v31 =	vor.u32 $0x80, v21;
	v32 =	vor.u32 $0x80, v22;
	[tilespmem:s25+$0xFFFFFC80] =	vst v24;
	v0 =	vld.idx.msk [tilespmem:v0+s3+$0x0], $0xffff  }
0x3ca: {  	v33 =	vor.u32 $0x100, v25;
	v34 =	vor.u32 $0x100, v26;
	v24 =	vor.u32 $0x100, v23;
	v6 =	vld.idx.msk [tilespmem:v10+s3+$0x0], $0xffff;
	[tilespmem:s26+$0xFFFFFFB0] =	vst v5  }
0x3cb: {  	v35 =	vor.u32 $0x100, v27;
	v36 =	vor.u32 $0x100, v28;
	v37 =	vor.u32 $0x100, v21;
	v5 =	vld.idx.msk [tilespmem:v23+s3+$0x0], $0xffff;
	[tilespmem:s26+$0xFFFFFFC0] =	vst v4  }
0x3cc: {  	v39 =	vor.u32 $0x100, v22;
	v38 =	vor.u32 $0x180, v23;
	v10 =	vor.u32 $0x100, v3;
	v4 =	vld.idx.msk [tilespmem:v25+s3+$0x0], $0xffff  }
0x3cd: {  	v40 =	vor.u32 $0x180, v25;
	v41 =	vor.u32 $0x180, v26;
	v42 =	vor.u32 $0x180, v27;
	v11 =	vld.idx.msk [tilespmem:v26+s3+$0x0], $0xffff;
	[tilespmem:s26+$0xFFFFFFD0] =	vst v2  }
0x3ce: {  	v43 =	vor.u32 $0x180, v28;
	v44 =	vor.u32 $0x180, v21;
	v45 =	vor.u32 $0x180, v22;
	v2 =	vld.idx.msk [tilespmem:v27+s3+$0x0], $0xffff;
	[tilespmem:s26+$0xFFFFFFE0] =	vst v1  }
0x3cf: {  	v47 =	vor.u32 $0x200, v25;
	v48 =	vor.u32 $0x200, v26;
	v46 =	vor.u32 $0x200, v23;
	v1 =	vld.idx.msk [tilespmem:v28+s3+$0x0], $0xffff;
	[tilespmem:s26+$0xFFFFFFF0] =	vst v0;
	s26 =	smov.u32 s25  }
0x3d0: {  	v49 =	vor.u32 $0x200, v27;
	v50 =	vor.u32 $0x200, v28;
	v51 =	vor.u32 $0x200, v21;
	v0 =	vld.idx.msk [tilespmem:v21+s3+$0x0], $0xffff;
	[tilespmem:s25+$0xFFFFFD00] =	vst v6  }
0x3d1: {  	v18 =	vor.u32 $0x280, v25;
	v53 =	vor.u32 $0x200, v22;
	v52 =	vor.u32 $0x280, v23;
	[tilespmem:s25+$0xFFFFFC10] =	vst v5;
	v54 =	vld.idx.msk [tilespmem:v10+s3+$0x0], $0xffff  }
0x3d2: {  	v20 =	vor.u32 $0x280, v26;
	v19 =	vor.u32 $0x280, v27;
	v15 =	vor.u32 $0x280, v28;
	[tilespmem:s25+$0xFFFFFC20] =	vst v4;
	v55 =	vld.idx.msk [tilespmem:v22+s3+$0x0], $0xffff  }
0x3d3: {  	v57 =	vor.u32 $0x180, v3;
	v17 =	vor.u32 $0x280, v21;
	v16 =	vor.u32 $0x280, v22;
	v56 =	vld.idx.msk [tilespmem:v8+s3+$0x0], $0xffff;
	[tilespmem:s25+$0xFFFFFC30] =	vst v11  }
0x3d4: {  	v13 =	vor.u32 $0x300, v25;
	v14 =	vor.u32 $0x300, v23;
	v10 =	vor.u32 $0x300, v26;
	v58 =	vld.idx.msk [tilespmem:v7+s3+$0x0], $0xffff;
	[tilespmem:s25+$0xFFFFFC40] =	vst v2  }
0x3d5: {  	v12 =	vor.u32 $0x300, v27;
	v11 =	vor.u32 $0x300, v28;
	v8 =	vor.u32 $0x300, v21;
	v59 =	vld.idx.msk [tilespmem:v9+s3+$0x0], $0xffff;
	[tilespmem:s25+$0xFFFFFC50] =	vst v1  }
0x3d6: {  	v6 =	vor.u32 $0x380, v25;
	v7 =	vor.u32 $0x380, v23;
	v9 =	vor.u32 $0x300, v22;
	v23 =	vld.idx.msk [tilespmem:v29+s3+$0x0], $0xffff;
	[tilespmem:s25+$0xFFFFFC60] =	vst v0  }
0x3d7: {  	v5 =	vor.u32 $0x380, v26;
	v4 =	vor.u32 $0x380, v27;
	v2 =	vor.u32 $0x380, v28;
	v25 =	vld.idx.msk [tilespmem:v30+s3+$0x0], $0xffff;
	[tilespmem:s25+$0xFFFFFD80] =	vst v54  }
0x3d8: {  	v1 =	vor.u32 $0x380, v21;
	v0 =	vor.u32 $0x380, v22;
	[tilespmem:s25+$0xFFFFFC70] =	vst v55;
	v21 =	vld.idx.msk [tilespmem:v57+s3+$0x0], $0xffff  }
0x3d9: {  	[tilespmem:s25+$0xFFFFFC90] =	vst v56;
	v22 =	vld.idx.msk [tilespmem:v31+s3+$0x0], $0xffff  }
0x3da: {  	v27 =	vor.u32 $0x200, v3;
	[tilespmem:s25+$0xFFFFFCA0] =	vst v58;
	v26 =	vld.idx.msk [tilespmem:v32+s3+$0x0], $0xffff  }
0x3db: {  	v24 =	vld.idx.msk [tilespmem:v24+s3+$0x0], $0xffff;
	[tilespmem:s25+$0xFFFFFCB0] =	vst v59  }
0x3dc: {  	v28 =	vld.idx.msk [tilespmem:v33+s3+$0x0], $0xffff;
	[tilespmem:s25+$0xFFFFFCC0] =	vst v23  }
0x3dd: {  	v23 =	vld.idx.msk [tilespmem:v34+s3+$0x0], $0xffff;
	[tilespmem:s25+$0xFFFFFCD0] =	vst v25  }
0x3de: {  	v25 =	vld.idx.msk [tilespmem:v35+s3+$0x0], $0xffff;
	[tilespmem:s25+$0xFFFFFE00] =	vst v21  }
0x3df: {  	[tilespmem:s25+$0xFFFFFCE0] =	vst v22;
	v21 =	vld.idx.msk [tilespmem:v27+s3+$0x0], $0xffff  }
0x3e0: {  	v22 =	vld.idx.msk [tilespmem:v36+s3+$0x0], $0xffff;
	[tilespmem:s25+$0xFFFFFCF0] =	vst v26  }
0x3e1: {  	v26 =	vor.u32 $0x280, v3;
	[tilespmem:s25+$0xFFFFFD10] =	vst v24;
	v24 =	vld.idx.msk [tilespmem:v37+s3+$0x0], $0xffff  }
0x3e2: {  	[tilespmem:s25+$0xFFFFFD20] =	vst v28;
	v27 =	vld.idx.msk [tilespmem:v39+s3+$0x0], $0xffff  }
0x3e3: {  	v28 =	vld.idx.msk [tilespmem:v38+s3+$0x0], $0xffff;
	[tilespmem:s25+$0xFFFFFD30] =	vst v23  }
0x3e4: {  	v23 =	vld.idx.msk [tilespmem:v40+s3+$0x0], $0xffff;
	[tilespmem:s25+$0xFFFFFD40] =	vst v25  }
0x3e5: {  	v25 =	vld.idx.msk [tilespmem:v41+s3+$0x0], $0xffff;
	[tilespmem:s25+$0xFFFFFE80] =	vst v21  }
0x3e6: {  	[tilespmem:s25+$0xFFFFFD50] =	vst v22;
	v21 =	vld.idx.msk [tilespmem:v26+s3+$0x0], $0xffff  }
0x3e7: {  	v22 =	vld.idx.msk [tilespmem:v42+s3+$0x0], $0xffff;
	[tilespmem:s25+$0xFFFFFD60] =	vst v24  }
0x3e8: {  	v26 =	vor.u32 $0x300, v3;
	v24 =	vld.idx.msk [tilespmem:v43+s3+$0x0], $0xffff;
	[tilespmem:s25+$0xFFFFFD70] =	vst v27  }
0x3e9: {  	[tilespmem:s25+$0xFFFFFD90] =	vst v28;
	v27 =	vld.idx.msk [tilespmem:v44+s3+$0x0], $0xffff  }
0x3ea: {  	[tilespmem:s25+$0xFFFFFDA0] =	vst v23;
	v23 =	vld.idx.msk [tilespmem:v45+s3+$0x0], $0xffff  }
0x3eb: {  	v28 =	vld.idx.msk [tilespmem:v46+s3+$0x0], $0xffff;
	[tilespmem:s25+$0xFFFFFDB0] =	vst v25  }
0x3ec: {  	v25 =	vld.idx.msk [tilespmem:v47+s3+$0x0], $0xffff;
	[tilespmem:s25+$0xFFFFFF00] =	vst v21  }
0x3ed: {  	[tilespmem:s25+$0xFFFFFDC0] =	vst v22;
	v21 =	vld.idx.msk [tilespmem:v26+s3+$0x0], $0xffff  }
0x3ee: {  	v22 =	vld.idx.msk [tilespmem:v48+s3+$0x0], $0xffff;
	[tilespmem:s25+$0xFFFFFDD0] =	vst v24  }
0x3ef: {  	v3 =	vor.u32 $0x380, v3;
	v24 =	vld.idx.msk [tilespmem:v49+s3+$0x0], $0xffff;
	[tilespmem:s25+$0xFFFFFDE0] =	vst v27  }
0x3f0: {  	v26 =	vld.idx.msk [tilespmem:v50+s3+$0x0], $0xffff;
	[tilespmem:s25+$0xFFFFFDF0] =	vst v23  }
0x3f1: {  	[tilespmem:s25+$0xFFFFFE10] =	vst v28;
	v23 =	vld.idx.msk [tilespmem:v51+s3+$0x0], $0xffff  }
0x3f2: {  	[tilespmem:s25+$0xFFFFFE20] =	vst v25;
	v25 =	vld.idx.msk [tilespmem:v53+s3+$0x0], $0xffff  }
0x3f3: {  	v27 =	vld.idx.msk [tilespmem:v52+s3+$0x0], $0xffff;
	[tilespmem:s25+$0xFFFFFF80] =	vst v21  }
0x3f4: {  	[tilespmem:s25+$0xFFFFFE30] =	vst v22;
	v3 =	vld.idx.msk [tilespmem:v3+s3+$0x0], $0xffff  }
0x3f5: {  	v18 =	vld.idx.msk [tilespmem:v18+s3+$0x0], $0xffff;
	[tilespmem:s25+$0xFFFFFE40] =	vst v24  }
0x3f6: {  	v20 =	vld.idx.msk [tilespmem:v20+s3+$0x0], $0xffff;
	[tilespmem:s25+$0xFFFFFE50] =	vst v26  }
0x3f7: {  	v19 =	vld.idx.msk [tilespmem:v19+s3+$0x0], $0xffff;
	[tilespmem:s25+$0xFFFFFE60] =	vst v23  }
0x3f8: {  	v21 =	vld.idx.msk [tilespmem:v15+s3+$0x0], $0xffff;
	[tilespmem:s25+$0xFFFFFE70] =	vst v25  }
0x3f9: {  	[tilespmem:s25+$0xFFFFFE90] =	vst v27;
	v17 =	vld.idx.msk [tilespmem:v17+s3+$0x0], $0xffff  }
0x3fa: {  	v15 =	vld.idx.msk [tilespmem:v16+s3+$0x0], $0xffff;
	[tilespmem:s25+$0x0] =	vst v3  }
.Ltmp12:
0x3fb: {  	v14 =	vld.idx.msk [tilespmem:v14+s3+$0x0], $0xffff;
	[tilespmem:s25+$0xFFFFFEA0] =	vst v18;
	(pc) =	sbr.rel @p0 .LBB2_26-.Ltmp12, $4  }
0x3fc: {  	v13 =	vld.idx.msk [tilespmem:v13+s3+$0x0], $0xffff;
	[tilespmem:s25+$0xFFFFFEB0] =	vst v20  }
0x3fd: {  	v16 =	vld.idx.msk [tilespmem:v10+s3+$0x0], $0xffff;
	[tilespmem:s25+$0xFFFFFEC0] =	vst v19  }
0x3fe: {  	v3 =	vld.idx.msk [tilespmem:v12+s3+$0x0], $0xffff;
	[tilespmem:s25+$0xFFFFFED0] =	vst v21  }
0x3ff: {  	s29 =	sadd.s32 $0x100, s29;
	v10 =	vld.idx.msk [tilespmem:v11+s3+$0x0], $0xffff;
	[tilespmem:s25+$0xFFFFFEE0] =	vst v17  }
0x400: {  	_ =	sdelay $0x2  }
0x401: {  	[tilespmem:s25+$0xFFFFFEF0] =	vst v15  }
0x402: {  	[tilespmem:s25+$0xFFFFFF10] =	vst v14;
	v8 =	vld.idx.msk [tilespmem:v8+s3+$0x0], $0xffff  }
0x403: {  	[tilespmem:s25+$0xFFFFFF20] =	vst v13;
	v9 =	vld.idx.msk [tilespmem:v9+s3+$0x0], $0xffff  }
0x404: {  	v7 =	vld.idx.msk [tilespmem:v7+s3+$0x0], $0xffff;
	[tilespmem:s25+$0xFFFFFF30] =	vst v16  }
0x405: {  	v63 =	vld.idx.msk [tilespmem:v6+s3+$0x0], $0xffff;
	[tilespmem:s25+$0xFFFFFF40] =	vst v3  }
0x406: {  	v5 =	vld.idx.msk [tilespmem:v5+s3+$0x0], $0xffff;
	[tilespmem:s25+$0xFFFFFF50] =	vst v10  }
0x407: {  	v4 =	vld.idx.msk [tilespmem:v4+s3+$0x0], $0xffff;
	[tilespmem:s25+$0xFFFFFF60] =	vst v8  }
0x408: {  	v2 =	vld.idx.msk [tilespmem:v2+s3+$0x0], $0xffff;
	[tilespmem:s25+$0xFFFFFF70] =	vst v9  }
0x409: {  	[tilespmem:s25+$0xFFFFFF90] =	vst v7;
	v1 =	vld.idx.msk [tilespmem:v1+s3+$0x0], $0xffff  }
0x40a: {  	[tilespmem:s26+$0xFFFFFFA0] =	vst v63;
	v0 =	vld.idx.msk [tilespmem:v0+s3+$0x0], $0xffff  }
0x40b: {  	[tilespmem:s26+$0xFFFFFFB0] =	vst v5  }
0x40c: {  	[tilespmem:s26+$0xFFFFFFC0] =	vst v4  }
0x40d: {  	[tilespmem:s26+$0xFFFFFFD0] =	vst v2  }
0x40e: {  	[tilespmem:s26+$0xFFFFFFE0] =	vst v1  }
0x40f: {  	s24 =	sadd.s32 $0x1, s24;
	[tilespmem:s26+$0xFFFFFFF0] =	vst v0  }
0x410: {  	[hbm4b:s14+s3] =	stream.linear.scatter [tilespmem:s21], [sflag:$0x4], $0x8000, $0x38;
	[tilespmem:$0x16000] =	vst v63  }
0x411: {  	p0 =	sne.s32 s24, s15;
	_ =	swait.ge [sflag:s22], $0x8000  }
.Ltmp13:
0x412: {  	[sflag:s22] =	ssyncset.done $0x0;
	(pc) =	sbr.rel @p0 .LBB2_1-.Ltmp13, $4  }
0x413: {  	[sflag:s22] =	ssyncadd.s32 $0xFFFF8000  }
0x414: {  	_ =	swait.ge [sflag:s23], $0x8000  }
0x415: {  	[sflag:s23] =	ssyncset.done $0x0  }
0x416: {  	[sflag:s23] =	ssyncadd.s32 $0xFFFF8000  }
0x417: {  	_ =	sfence.sel $0x180000  }
0x418: {  	[bflag:$0x0] =	sbarrier.arrive $0xFFFF  }
0x419: {  	_ =	strace $0x90000047  }
0x41a: {  	[bflag:$0x2] =	sbarrier.arrive $0xFFFF  }
0x41b: {  	p0 =	sne.s32 s1, $0x0;
	s0 =	rddreg [dreg:$0x3]  }
0x41c: {  	s0 =	sadd.s32 @!p0 $0x100000, s0  }
0x41d: {  	[sflag:s0] =	ssyncadd.tile.s32 @!p0 $0x1;
	_ =	shalt  }
.Lfunc_end2:
_tile_overlayer_lowered:
.L_overlay_start_2:
0x41e: {  	(tag) =	ssettag $0x2  }
0x41f: {  	s0 =	rddreg [dreg:$0x0];
	s2 =	stileid.u32  }
0x420: {  	s1 =	rddreg [dreg:$0x1];
	p0 =	sne.s32 s2, $0x0  }
0x421: {  	s3 =	rddreg [dreg:$0x2];
	[bflag:$0x3] =	sbarrier.arrive $0xFFFF;
	s2 =	simm.s32 @!p0 $0x1C05  }
0x422: {  	[timem:s3], [sflag:s2] =	dma.local @!p0 [hbm:s0], s1  }
0x423: {  	s0 =	simm.s32 @!p0 $0x5  }
0x424: {  	_ =	swait.ge @!p0 [sflag:s0], s1  }
0x425: {  	s1 =	ssub.s32 @!p0 $0x0, s1;
	[sflag:s0] =	ssyncset.done @!p0 $0x0  }
0x426: {  	[sflag:s0] =	ssyncadd.s32 @!p0 s1  }
0x427: {  	[bflag:$0x3] =	sbarrier.arrive $0xFFFF  }
0x428: {  	_ =	shalt  }

</sc_bundles>
